<compile_context>
chip_gen: v7x
topology: tpu7x:2x2x1
jax: 0.10.2.dev20260603
libtpu: 0.0.44.dev20260713+nightly
codegen_flags: <defaults>
</compile_context>

<pallas_src>
import jax
import jax.numpy as jnp
from jax import lax
from jax.experimental import pallas as pl
from jax.experimental.pallas import tpu as pltpu
from jax.experimental.pallas import tpu_sc as plsc

_NUM_CLASS = 8192
_FEAT = 256
_BATCH = 16384
_LANES = 16
_NC = 2
_NS = 16
_NW = _NC * _NS
_ROWS_PER_W = _BATCH // _NW
_K = 64
_NCHUNK = _ROWS_PER_W // _K


_NBUF = 3


def _sc_body(x_hbm, y_hbm, c_hbm, out_hbm,
             idx_v, rows0, rows1, rows2, x0, x1, x2, acc_v,
             sem0, sem1, sem2):
  wid = lax.axis_index("s") * _NC + lax.axis_index("c")
  base = wid * _ROWS_PER_W
  rows = (rows0, rows1, rows2)
  xs = (x0, x1, x2)
  sems = (sem0, sem1, sem2)

  def issue_x(k):
    b = k % _NBUF
    return pltpu.async_copy(
        x_hbm.at[pl.ds(base + k * _K, _K), :], xs[b], sems[b])

  def issue_g(k):
    b = k % _NBUF
    return pltpu.async_copy(
        c_hbm.at[idx_v.at[pl.ds(k * _K, _K)]], rows[b], sems[b])

  xd = [issue_x(k) for k in range(_NBUF - 1)]
  pltpu.sync_copy(y_hbm.at[pl.ds(base, _ROWS_PER_W)], idx_v)
  pending = [(issue_g(k), xd[k]) for k in range(_NBUF - 1)]

  acc = jnp.zeros((_LANES,), jnp.float32)
  for k in range(_NCHUNK):
    b = k % _NBUF
    if k + _NBUF - 1 < _NCHUNK:
      kn = k + _NBUF - 1
      pending.append((issue_g(kn), issue_x(kn)))
    descs = pending.pop(0)
    descs[0].wait()
    descs[1].wait()

    x_v = xs[b]
    rows_v = rows[b]

    @plsc.parallel_loop(0, _K, unroll=2, carry=acc)
    def acc(r, a):
      for ci in range(_FEAT // _LANES):
        d = pl.ds(ci * _LANES, _LANES)
        diff = x_v[r, d] - rows_v[r, d]
        a = a + diff * diff
      return a

  acc_v[...] = acc
  pltpu.sync_copy(acc_v, out_hbm.at[wid])


@jax.jit
def kernel(x, y, centers):
  run = pl.kernel(
      _sc_body,
      out_type=jax.ShapeDtypeStruct((_NW, _LANES), jnp.float32),
      mesh=plsc.VectorSubcoreMesh(
          core_axis_name="c", subcore_axis_name="s",
          num_cores=_NC, num_subcores=_NS),
      scratch_types=[
          pltpu.VMEM((_ROWS_PER_W,), jnp.int32),
          pltpu.VMEM((_K, _FEAT), jnp.float32),
          pltpu.VMEM((_K, _FEAT), jnp.float32),
          pltpu.VMEM((_K, _FEAT), jnp.float32),
          pltpu.VMEM((_K, _FEAT), jnp.float32),
          pltpu.VMEM((_K, _FEAT), jnp.float32),
          pltpu.VMEM((_K, _FEAT), jnp.float32),
          pltpu.VMEM((_LANES,), jnp.float32),
          pltpu.SemaphoreType.DMA,
          pltpu.SemaphoreType.DMA,
          pltpu.SemaphoreType.DMA,
      ],
  )
  partials = run(x, y, centers)
  return jnp.sum(partials) / _BATCH

# --- scband reference (transcript-rebuilt; emitter-appended) ---
"""Pipeline reference for scband-center-loss-22110491640143 (READ-ONLY COPY).

The authoritative reference and input builder live on the scoring server;
editing this copy changes nothing except your own understanding.
"""

import jax, jax.numpy as jnp
import numpy as np

NUM_CLASS = 8192
FEAT_DIM = 256
BATCH = 16384
ALPHA = 0.5


def setup_inputs(seed: int = 0) -> dict:
    key = jax.random.key(seed)
    k1, k2, k3 = jax.random.split(key, 3)
    x = jax.random.normal(k1, (BATCH, FEAT_DIM), dtype=jnp.float32)
    y = jax.random.randint(k2, (BATCH,), 0, NUM_CLASS, dtype=jnp.int32)
    # xavier_normal_ on (num_class, feat_dim): std = sqrt(2/(fan_in+fan_out))
    std = float(np.sqrt(2.0 / (NUM_CLASS + FEAT_DIM)))
    centers = jax.random.normal(k3, (NUM_CLASS, FEAT_DIM), dtype=jnp.float32) * std
    return {"x": x, "y": y, "centers": centers}


def reference(x, y, centers):
    # centers_batch = self.centers.index_select(0, y)
    centers_batch = jnp.take(centers, y, axis=0)
    # loss = sum((x - centers_batch)^2, dim=1).mean()
    loss = jnp.mean(jnp.sum(jnp.square(x - centers_batch), axis=1))
    # NOTE: the torch module additionally performs an in-place, non-differentiable
    # side-effect update of self.centers; the forward return value is the loss only.
    return loss

if __name__ == "__main__":
    import jax
    _d = setup_inputs()
    print(jax.jit(kernel)(*tuple(_d.values())))

</pallas_src>

<mosaic_0001>
#map = affine_map<(d0, d1) -> (0, 0)>
#map1 = affine_map<(d0, d1) -> (0)>
module attributes {stable_mosaic.version = 14 : i64} {
  func.func @_sc_body(%arg0: i32, %arg1: i32, %arg2: memref<16384x256xf32, #tpu.memory_space<hbm>>, %arg3: memref<16384xi32, #tpu.memory_space<hbm>>, %arg4: memref<8192x256xf32, #tpu.memory_space<hbm>>, %arg5: memref<32x16xf32, #tpu.memory_space<hbm>>, %arg6: memref<512xi32, #tpu.memory_space<vmem>>, %arg7: memref<64x256xf32, #tpu.memory_space<vmem>>, %arg8: memref<64x256xf32, #tpu.memory_space<vmem>>, %arg9: memref<64x256xf32, #tpu.memory_space<vmem>>, %arg10: memref<64x256xf32, #tpu.memory_space<vmem>>, %arg11: memref<64x256xf32, #tpu.memory_space<vmem>>, %arg12: memref<64x256xf32, #tpu.memory_space<vmem>>, %arg13: memref<16xf32, #tpu.memory_space<vmem>>, %arg14: memref<!tpu.dma_semaphore, #tpu.memory_space<semaphore_mem>>, %arg15: memref<!tpu.dma_semaphore, #tpu.memory_space<semaphore_mem>>, %arg16: memref<!tpu.dma_semaphore, #tpu.memory_space<semaphore_mem>>) attributes {dimension_semantics = [#tpu.dimension_semantics<core_parallel>, #tpu.dimension_semantics<subcore_parallel>], iteration_bounds = array<i64: 2, 16>, scalar_prefetch = 0 : i64, scratch_operands = 11 : i64, tpu.core_type = #tpu.core_type<sc_vector_subcore>, window_params = [{transform_indices = #map}, {transform_indices = #map1}, {transform_indices = #map}, {transform_indices = #map}]} {
    %mul3A = arith.constant 2 : i32
    %mul3A_0 = arith.muli %arg1, %mul3A : i32
    %add3A = arith.addi %mul3A_0, %arg0 : i32
    %mul3A_1 = arith.constant 512 : i32
    %mul3A_2 = arith.muli %add3A, %mul3A_1 : i32
    %add3A_3 = arith.constant 0 : i32
    %add3A_4 = arith.addi %mul3A_2, %add3A_3 : i32
    %dma_start3A = arith.constant 0 : i32
    %dma_start3A_5 = tpu.memref_slice %arg2[%add3A_4, %dma_start3A] : memref<16384x256xf32, #tpu.memory_space<hbm>> -> memref<64x256xf32, #tpu.memory_space<hbm>>
    %dma_start3A_6 = arith.constant 0 : i32
    %dma_start3A_7 = tpu.memref_slice %arg2[%add3A_4, %dma_start3A_6] : memref<16384x256xf32, #tpu.memory_space<hbm>> -> memref<64x256xf32, #tpu.memory_space<hbm>>
    tpu.enqueue_dma source(%dma_start3A_7 : memref<64x256xf32, #tpu.memory_space<hbm>>) target(%arg10 : memref<64x256xf32, #tpu.memory_space<vmem>>) target_semaphore(%arg14 : memref<!tpu.dma_semaphore, #tpu.memory_space<semaphore_mem>>)
    %add3A_8 = arith.constant 64 : i32
    %add3A_9 = arith.addi %mul3A_2, %add3A_8 : i32
    %dma_start3A_10 = arith.constant 0 : i32
    %dma_start3A_11 = tpu.memref_slice %arg2[%add3A_9, %dma_start3A_10] : memref<16384x256xf32, #tpu.memory_space<hbm>> -> memref<64x256xf32, #tpu.memory_space<hbm>>
    %dma_start3A_12 = arith.constant 0 : i32
    %dma_start3A_13 = tpu.memref_slice %arg2[%add3A_9, %dma_start3A_12] : memref<16384x256xf32, #tpu.memory_space<hbm>> -> memref<64x256xf32, #tpu.memory_space<hbm>>
    tpu.enqueue_dma source(%dma_start3A_13 : memref<64x256xf32, #tpu.memory_space<hbm>>) target(%arg11 : memref<64x256xf32, #tpu.memory_space<vmem>>) target_semaphore(%arg15 : memref<!tpu.dma_semaphore, #tpu.memory_space<semaphore_mem>>)
    "tpu.region"() ({
      %run_scoped3A = tpu.sem_alloc : memref<!tpu.dma_semaphore, #tpu.memory_space<semaphore_mem>>
      %dma_start3A_196 = tpu.memref_slice %arg3[%mul3A_2] : memref<16384xi32, #tpu.memory_space<hbm>> -> memref<512xi32, #tpu.memory_space<hbm>>
      %dma_start3A_197 = tpu.memref_slice %arg3[%mul3A_2] : memref<16384xi32, #tpu.memory_space<hbm>> -> memref<512xi32, #tpu.memory_space<hbm>>
      tpu.enqueue_dma source(%dma_start3A_197 : memref<512xi32, #tpu.memory_space<hbm>>) target(%arg6 : memref<512xi32, #tpu.memory_space<vmem>>) target_semaphore(%run_scoped3A : memref<!tpu.dma_semaphore, #tpu.memory_space<semaphore_mem>>)
      %dma_wait3A_198 = tpu.memref_slice %arg3[%mul3A_2] : memref<16384xi32, #tpu.memory_space<hbm>> -> memref<512xi32, #tpu.memory_space<hbm>>
      %dma_wait3A_199 = tpu.memref_slice %arg3[%mul3A_2] : memref<16384xi32, #tpu.memory_space<hbm>> -> memref<512xi32, #tpu.memory_space<hbm>>
      tpu.wait_dma2 semaphore(%run_scoped3A : memref<!tpu.dma_semaphore, #tpu.memory_space<semaphore_mem>>) src(%dma_wait3A_199 : memref<512xi32, #tpu.memory_space<hbm>>) dst(%arg6 : memref<512xi32, #tpu.memory_space<vmem>>)
      tpu.yield
    }) : () -> ()
    %dma_start3A_14 = arith.constant 0 : i32
    %dma_start3A_15 = tpu.memref_slice %arg6[%dma_start3A_14] : memref<512xi32, #tpu.memory_space<vmem>> -> memref<64xi32, #tpu.memory_space<vmem>>
    %dma_start3A_16 = arith.constant 0 : i32
    %dma_start3A_17 = arith.constant 0 : i32
    %dma_start3A_18 = tpu.memref_slice %arg4[%dma_start3A_16, %dma_start3A_17] : memref<8192x256xf32, #tpu.memory_space<hbm>> -> memref<8192x256xf32, #tpu.memory_space<hbm>>
    tpu.enqueue_indirect_dma source(%dma_start3A_18 : memref<8192x256xf32, #tpu.memory_space<hbm>>) target(%arg7 : memref<64x256xf32, #tpu.memory_space<vmem>>) offsets(%dma_start3A_15 : memref<64xi32, #tpu.memory_space<vmem>>) semaphore(%arg14 : memref<!tpu.dma_semaphore, #tpu.memory_space<semaphore_mem>>)
    %dma_start3A_19 = arith.constant 64 : i32
    %dma_start3A_20 = tpu.memref_slice %arg6[%dma_start3A_19] : memref<512xi32, #tpu.memory_space<vmem>> -> memref<64xi32, #tpu.memory_space<vmem>>
    %dma_start3A_21 = arith.constant 0 : i32
    %dma_start3A_22 = arith.constant 0 : i32
    %dma_start3A_23 = tpu.memref_slice %arg4[%dma_start3A_21, %dma_start3A_22] : memref<8192x256xf32, #tpu.memory_space<hbm>> -> memref<8192x256xf32, #tpu.memory_space<hbm>>
    tpu.enqueue_indirect_dma source(%dma_start3A_23 : memref<8192x256xf32, #tpu.memory_space<hbm>>) target(%arg8 : memref<64x256xf32, #tpu.memory_space<vmem>>) offsets(%dma_start3A_20 : memref<64xi32, #tpu.memory_space<vmem>>) semaphore(%arg15 : memref<!tpu.dma_semaphore, #tpu.memory_space<semaphore_mem>>)
    %broadcast_in_dim3A = arith.constant 0.000000e+00 : f32
    %broadcast_in_dim3A_24 = vector.broadcast %broadcast_in_dim3A : f32 to vector<16xf32>
    %dma_start3A_25 = arith.constant 128 : i32
    %dma_start3A_26 = tpu.memref_slice %arg6[%dma_start3A_25] : memref<512xi32, #tpu.memory_space<vmem>> -> memref<64xi32, #tpu.memory_space<vmem>>
    %dma_start3A_27 = arith.constant 0 : i32
    %dma_start3A_28 = arith.constant 0 : i32
    %dma_start3A_29 = tpu.memref_slice %arg4[%dma_start3A_27, %dma_start3A_28] : memref<8192x256xf32, #tpu.memory_space<hbm>> -> memref<8192x256xf32, #tpu.memory_space<hbm>>
    tpu.enqueue_indirect_dma source(%dma_start3A_29 : memref<8192x256xf32, #tpu.memory_space<hbm>>) target(%arg9 : memref<64x256xf32, #tpu.memory_space<vmem>>) offsets(%dma_start3A_26 : memref<64xi32, #tpu.memory_space<vmem>>) semaphore(%arg16 : memref<!tpu.dma_semaphore, #tpu.memory_space<semaphore_mem>>)
    %add3A_30 = arith.constant 128 : i32
    %add3A_31 = arith.addi %mul3A_2, %add3A_30 : i32
    %dma_start3A_32 = arith.constant 0 : i32
    %dma_start3A_33 = tpu.memref_slice %arg2[%add3A_31, %dma_start3A_32] : memref<16384x256xf32, #tpu.memory_space<hbm>> -> memref<64x256xf32, #tpu.memory_space<hbm>>
    %dma_start3A_34 = arith.constant 0 : i32
    %dma_start3A_35 = tpu.memref_slice %arg2[%add3A_31, %dma_start3A_34] : memref<16384x256xf32, #tpu.memory_space<hbm>> -> memref<64x256xf32, #tpu.memory_space<hbm>>
    tpu.enqueue_dma source(%dma_start3A_35 : memref<64x256xf32, #tpu.memory_space<hbm>>) target(%arg12 : memref<64x256xf32, #tpu.memory_space<vmem>>) target_semaphore(%arg16 : memref<!tpu.dma_semaphore, #tpu.memory_space<semaphore_mem>>)
    %dma_wait3A = arith.constant 0 : i32
    %dma_wait3A_36 = tpu.memref_slice %arg6[%dma_wait3A] : memref<512xi32, #tpu.memory_space<vmem>> -> memref<64xi32, #tpu.memory_space<vmem>>
    %dma_wait3A_37 = arith.constant 0 : i32
    %dma_wait3A_38 = arith.constant 0 : i32
    %dma_wait3A_39 = tpu.memref_slice %arg4[%dma_wait3A_37, %dma_wait3A_38] : memref<8192x256xf32, #tpu.memory_space<hbm>> -> memref<8192x256xf32, #tpu.memory_space<hbm>>
    tpu.wait_indirect_dma semaphore(%arg14 : memref<!tpu.dma_semaphore, #tpu.memory_space<semaphore_mem>>) src(%dma_wait3A_39 : memref<8192x256xf32, #tpu.memory_space<hbm>>) dst(%arg7 : memref<64x256xf32, #tpu.memory_space<vmem>>)
    %dma_wait3A_40 = arith.constant 0 : i32
    %dma_wait3A_41 = tpu.memref_slice %arg2[%add3A_4, %dma_wait3A_40] : memref<16384x256xf32, #tpu.memory_space<hbm>> -> memref<64x256xf32, #tpu.memory_space<hbm>>
    %dma_wait3A_42 = arith.constant 0 : i32
    %dma_wait3A_43 = tpu.memref_slice %arg2[%add3A_4, %dma_wait3A_42] : memref<16384x256xf32, #tpu.memory_space<hbm>> -> memref<64x256xf32, #tpu.memory_space<hbm>>
    tpu.wait_dma2 semaphore(%arg14 : memref<!tpu.dma_semaphore, #tpu.memory_space<semaphore_mem>>) src(%dma_wait3A_43 : memref<64x256xf32, #tpu.memory_space<hbm>>) dst(%arg10 : memref<64x256xf32, #tpu.memory_space<vmem>>)
    %parallel_loop3A = arith.constant 0 : i32
    %parallel_loop3A_44 = arith.constant 64 : i32
    %parallel_loop3A_45 = arith.constant 1 : i32
    %parallel_loop3A_46 = scf.for %parallel_loop3A_196 = %parallel_loop3A to %parallel_loop3A_44 step %parallel_loop3A_45 iter_args(%parallel_loop3A_197 = %broadcast_in_dim3A_24) -> (vector<16xf32>)  : i32 {
      %parallel_loop3A_198 = arith.index_cast %parallel_loop3A_196 : i32 to index
      %parallel_loop3A_199 = arith.constant 0 : index
      %parallel_loop3A_200 = tpu.vector_load %arg10[%parallel_loop3A_198, %parallel_loop3A_199] {strides = array<i32>} : memref<64x256xf32, #tpu.memory_space<vmem>>, vector<1x16xf32>,
      %parallel_loop3A_201 = vector.shape_cast %parallel_loop3A_200 : vector<1x16xf32> to vector<16xf32>
      %parallel_loop3A_202 = arith.index_cast %parallel_loop3A_196 : i32 to index
      %parallel_loop3A_203 = arith.constant 0 : index
      %parallel_loop3A_204 = tpu.vector_load %arg7[%parallel_loop3A_202, %parallel_loop3A_203] {strides = array<i32>} : memref<64x256xf32, #tpu.memory_space<vmem>>, vector<1x16xf32>,
      %parallel_loop3A_205 = vector.shape_cast %parallel_loop3A_204 : vector<1x16xf32> to vector<16xf32>
      %parallel_loop3A_206 = arith.subf %parallel_loop3A_201, %parallel_loop3A_205 : vector<16xf32>
      %parallel_loop3A_207 = arith.mulf %parallel_loop3A_206, %parallel_loop3A_206 : vector<16xf32>
      %parallel_loop3A_208 = arith.addf %parallel_loop3A_197, %parallel_loop3A_207 : vector<16xf32>
      %parallel_loop3A_209 = arith.index_cast %parallel_loop3A_196 : i32 to index
      %parallel_loop3A_210 = arith.constant 16 : index
      %parallel_loop3A_211 = tpu.vector_load %arg10[%parallel_loop3A_209, %parallel_loop3A_210] {strides = array<i32>} : memref<64x256xf32, #tpu.memory_space<vmem>>, vector<1x16xf32>,
      %parallel_loop3A_212 = vector.shape_cast %parallel_loop3A_211 : vector<1x16xf32> to vector<16xf32>
      %parallel_loop3A_213 = arith.index_cast %parallel_loop3A_196 : i32 to index
      %parallel_loop3A_214 = arith.constant 16 : index
      %parallel_loop3A_215 = tpu.vector_load %arg7[%parallel_loop3A_213, %parallel_loop3A_214] {strides = array<i32>} : memref<64x256xf32, #tpu.memory_space<vmem>>, vector<1x16xf32>,
      %parallel_loop3A_216 = vector.shape_cast %parallel_loop3A_215 : vector<1x16xf32> to vector<16xf32>
      %parallel_loop3A_217 = arith.subf %parallel_loop3A_212, %parallel_loop3A_216 : vector<16xf32>
      %parallel_loop3A_218 = arith.mulf %parallel_loop3A_217, %parallel_loop3A_217 : vector<16xf32>
      %parallel_loop3A_219 = arith.addf %parallel_loop3A_208, %parallel_loop3A_218 : vector<16xf32>
      %parallel_loop3A_220 = arith.index_cast %parallel_loop3A_196 : i32 to index
      %parallel_loop3A_221 = arith.constant 32 : index
      %parallel_loop3A_222 = tpu.vector_load %arg10[%parallel_loop3A_220, %parallel_loop3A_221] {strides = array<i32>} : memref<64x256xf32, #tpu.memory_space<vmem>>, vector<1x16xf32>,
      %parallel_loop3A_223 = vector.shape_cast %parallel_loop3A_222 : vector<1x16xf32> to vector<16xf32>
      %parallel_loop3A_224 = arith.index_cast %parallel_loop3A_196 : i32 to index
      %parallel_loop3A_225 = arith.constant 32 : index
      %parallel_loop3A_226 = tpu.vector_load %arg7[%parallel_loop3A_224, %parallel_loop3A_225] {strides = array<i32>} : memref<64x256xf32, #tpu.memory_space<vmem>>, vector<1x16xf32>,
      %parallel_loop3A_227 = vector.shape_cast %parallel_loop3A_226 : vector<1x16xf32> to vector<16xf32>
      %parallel_loop3A_228 = arith.subf %parallel_loop3A_223, %parallel_loop3A_227 : vector<16xf32>
      %parallel_loop3A_229 = arith.mulf %parallel_loop3A_228, %parallel_loop3A_228 : vector<16xf32>
      %parallel_loop3A_230 = arith.addf %parallel_loop3A_219, %parallel_loop3A_229 : vector<16xf32>
      %parallel_loop3A_231 = arith.index_cast %parallel_loop3A_196 : i32 to index
      %parallel_loop3A_232 = arith.constant 48 : index
      %parallel_loop3A_233 = tpu.vector_load %arg10[%parallel_loop3A_231, %parallel_loop3A_232] {strides = array<i32>} : memref<64x256xf32, #tpu.memory_space<vmem>>, vector<1x16xf32>,
      %parallel_loop3A_234 = vector.shape_cast %parallel_loop3A_233 : vector<1x16xf32> to vector<16xf32>
      %parallel_loop3A_235 = arith.index_cast %parallel_loop3A_196 : i32 to index
      %parallel_loop3A_236 = arith.constant 48 : index
      %parallel_loop3A_237 = tpu.vector_load %arg7[%parallel_loop3A_235, %parallel_loop3A_236] {strides = array<i32>} : memref<64x256xf32, #tpu.memory_space<vmem>>, vector<1x16xf32>,
      %parallel_loop3A_238 = vector.shape_cast %parallel_loop3A_237 : vector<1x16xf32> to vector<16xf32>
      %parallel_loop3A_239 = arith.subf %parallel_loop3A_234, %parallel_loop3A_238 : vector<16xf32>
      %parallel_loop3A_240 = arith.mulf %parallel_loop3A_239, %parallel_loop3A_239 : vector<16xf32>
      %parallel_loop3A_241 = arith.addf %parallel_loop3A_230, %parallel_loop3A_240 : vector<16xf32>
      %parallel_loop3A_242 = arith.index_cast %parallel_loop3A_196 : i32 to index
      %parallel_loop3A_243 = arith.constant 64 : index
      %parallel_loop3A_244 = tpu.vector_load %arg10[%parallel_loop3A_242, %parallel_loop3A_243] {strides = array<i32>} : memref<64x256xf32, #tpu.memory_space<vmem>>, vector<1x16xf32>,
      %parallel_loop3A_245 = vector.shape_cast %parallel_loop3A_244 : vector<1x16xf32> to vector<16xf32>
      %parallel_loop3A_246 = arith.index_cast %parallel_loop3A_196 : i32 to index
      %parallel_loop3A_247 = arith.constant 64 : index
      %parallel_loop3A_248 = tpu.vector_load %arg7[%parallel_loop3A_246, %parallel_loop3A_247] {strides = array<i32>} : memref<64x256xf32, #tpu.memory_space<vmem>>, vector<1x16xf32>,
      %parallel_loop3A_249 = vector.shape_cast %parallel_loop3A_248 : vector<1x16xf32> to vector<16xf32>
      %parallel_loop3A_250 = arith.subf %parallel_loop3A_245, %parallel_loop3A_249 : vector<16xf32>
      %parallel_loop3A_251 = arith.mulf %parallel_loop3A_250, %parallel_loop3A_250 : vector<16xf32>
      %parallel_loop3A_252 = arith.addf %parallel_loop3A_241, %parallel_loop3A_251 : vector<16xf32>
      %parallel_loop3A_253 = arith.index_cast %parallel_loop3A_196 : i32 to index
      %parallel_loop3A_254 = arith.constant 80 : index
      %parallel_loop3A_255 = tpu.vector_load %arg10[%parallel_loop3A_253, %parallel_loop3A_254] {strides = array<i32>} : memref<64x256xf32, #tpu.memory_space<vmem>>, vector<1x16xf32>,
      %parallel_loop3A_256 = vector.shape_cast %parallel_loop3A_255 : vector<1x16xf32> to vector<16xf32>
      %parallel_loop3A_257 = arith.index_cast %parallel_loop3A_196 : i32 to index
      %parallel_loop3A_258 = arith.constant 80 : index
      %parallel_loop3A_259 = tpu.vector_load %arg7[%parallel_loop3A_257, %parallel_loop3A_258] {strides = array<i32>} : memref<64x256xf32, #tpu.memory_space<vmem>>, vector<1x16xf32>,
      %parallel_loop3A_260 = vector.shape_cast %parallel_loop3A_259 : vector<1x16xf32> to vector<16xf32>
      %parallel_loop3A_261 = arith.subf %parallel_loop3A_256, %parallel_loop3A_260 : vector<16xf32>
      %parallel_loop3A_262 = arith.mulf %parallel_loop3A_261, %parallel_loop3A_261 : vector<16xf32>
      %parallel_loop3A_263 = arith.addf %parallel_loop3A_252, %parallel_loop3A_262 : vector<16xf32>
      %parallel_loop3A_264 = arith.index_cast %parallel_loop3A_196 : i32 to index
      %parallel_loop3A_265 = arith.constant 96 : index
      %parallel_loop3A_266 = tpu.vector_load %arg10[%parallel_loop3A_264, %parallel_loop3A_265] {strides = array<i32>} : memref<64x256xf32, #tpu.memory_space<vmem>>, vector<1x16xf32>,
      %parallel_loop3A_267 = vector.shape_cast %parallel_loop3A_266 : vector<1x16xf32> to vector<16xf32>
      %parallel_loop3A_268 = arith.index_cast %parallel_loop3A_196 : i32 to index
      %parallel_loop3A_269 = arith.constant 96 : index
      %parallel_loop3A_270 = tpu.vector_load %arg7[%parallel_loop3A_268, %parallel_loop3A_269] {strides = array<i32>} : memref<64x256xf32, #tpu.memory_space<vmem>>, vector<1x16xf32>,
      %parallel_loop3A_271 = vector.shape_cast %parallel_loop3A_270 : vector<1x16xf32> to vector<16xf32>
      %parallel_loop3A_272 = arith.subf %parallel_loop3A_267, %parallel_loop3A_271 : vector<16xf32>
      %parallel_loop3A_273 = arith.mulf %parallel_loop3A_272, %parallel_loop3A_272 : vector<16xf32>
      %parallel_loop3A_274 = arith.addf %parallel_loop3A_263, %parallel_loop3A_273 : vector<16xf32>
      %parallel_loop3A_275 = arith.index_cast %parallel_loop3A_196 : i32 to index
      %parallel_loop3A_276 = arith.constant 112 : index
      %parallel_loop3A_277 = tpu.vector_load %arg10[%parallel_loop3A_275, %parallel_loop3A_276] {strides = array<i32>} : memref<64x256xf32, #tpu.memory_space<vmem>>, vector<1x16xf32>,
      %parallel_loop3A_278 = vector.shape_cast %parallel_loop3A_277 : vector<1x16xf32> to vector<16xf32>
      %parallel_loop3A_279 = arith.index_cast %parallel_loop3A_196 : i32 to index
      %parallel_loop3A_280 = arith.constant 112 : index
      %parallel_loop3A_281 = tpu.vector_load %arg7[%parallel_loop3A_279, %parallel_loop3A_280] {strides = array<i32>} : memref<64x256xf32, #tpu.memory_space<vmem>>, vector<1x16xf32>,
      %parallel_loop3A_282 = vector.shape_cast %parallel_loop3A_281 : vector<1x16xf32> to vector<16xf32>
      %parallel_loop3A_283 = arith.subf %parallel_loop3A_278, %parallel_loop3A_282 : vector<16xf32>
      %parallel_loop3A_284 = arith.mulf %parallel_loop3A_283, %parallel_loop3A_283 : vector<16xf32>
      %parallel_loop3A_285 = arith.addf %parallel_loop3A_274, %parallel_loop3A_284 : vector<16xf32>
      %parallel_loop3A_286 = arith.index_cast %parallel_loop3A_196 : i32 to index
      %parallel_loop3A_287 = arith.constant 128 : index
      %parallel_loop3A_288 = tpu.vector_load %arg10[%parallel_loop3A_286, %parallel_loop3A_287] {strides = array<i32>} : memref<64x256xf32, #tpu.memory_space<vmem>>, vector<1x16xf32>,
      %parallel_loop3A_289 = vector.shape_cast %parallel_loop3A_288 : vector<1x16xf32> to vector<16xf32>
      %parallel_loop3A_290 = arith.index_cast %parallel_loop3A_196 : i32 to index
      %parallel_loop3A_291 = arith.constant 128 : index
      %parallel_loop3A_292 = tpu.vector_load %arg7[%parallel_loop3A_290, %parallel_loop3A_291] {strides = array<i32>} : memref<64x256xf32, #tpu.memory_space<vmem>>, vector<1x16xf32>,
      %parallel_loop3A_293 = vector.shape_cast %parallel_loop3A_292 : vector<1x16xf32> to vector<16xf32>
      %parallel_loop3A_294 = arith.subf %parallel_loop3A_289, %parallel_loop3A_293 : vector<16xf32>
      %parallel_loop3A_295 = arith.mulf %parallel_loop3A_294, %parallel_loop3A_294 : vector<16xf32>
      %parallel_loop3A_296 = arith.addf %parallel_loop3A_285, %parallel_loop3A_295 : vector<16xf32>
      %parallel_loop3A_297 = arith.index_cast %parallel_loop3A_196 : i32 to index
      %parallel_loop3A_298 = arith.constant 144 : index
      %parallel_loop3A_299 = tpu.vector_load %arg10[%parallel_loop3A_297, %parallel_loop3A_298] {strides = array<i32>} : memref<64x256xf32, #tpu.memory_space<vmem>>, vector<1x16xf32>,
      %parallel_loop3A_300 = vector.shape_cast %parallel_loop3A_299 : vector<1x16xf32> to vector<16xf32>
      %parallel_loop3A_301 = arith.index_cast %parallel_loop3A_196 : i32 to index
      %parallel_loop3A_302 = arith.constant 144 : index
      %parallel_loop3A_303 = tpu.vector_load %arg7[%parallel_loop3A_301, %parallel_loop3A_302] {strides = array<i32>} : memref<64x256xf32, #tpu.memory_space<vmem>>, vector<1x16xf32>,
      %parallel_loop3A_304 = vector.shape_cast %parallel_loop3A_303 : vector<1x16xf32> to vector<16xf32>
      %parallel_loop3A_305 = arith.subf %parallel_loop3A_300, %parallel_loop3A_304 : vector<16xf32>
      %parallel_loop3A_306 = arith.mulf %parallel_loop3A_305, %parallel_loop3A_305 : vector<16xf32>
      %parallel_loop3A_307 = arith.addf %parallel_loop3A_296, %parallel_loop3A_306 : vector<16xf32>
      %parallel_loop3A_308 = arith.index_cast %parallel_loop3A_196 : i32 to index
      %parallel_loop3A_309 = arith.constant 160 : index
      %parallel_loop3A_310 = tpu.vector_load %arg10[%parallel_loop3A_308, %parallel_loop3A_309] {strides = array<i32>} : memref<64x256xf32, #tpu.memory_space<vmem>>, vector<1x16xf32>,
      %parallel_loop3A_311 = vector.shape_cast %parallel_loop3A_310 : vector<1x16xf32> to vector<16xf32>
      %parallel_loop3A_312 = arith.index_cast %parallel_loop3A_196 : i32 to index
      %parallel_loop3A_313 = arith.constant 160 : index
      %parallel_loop3A_314 = tpu.vector_load %arg7[%parallel_loop3A_312, %parallel_loop3A_313] {strides = array<i32>} : memref<64x256xf32, #tpu.memory_space<vmem>>, vector<1x16xf32>,
      %parallel_loop3A_315 = vector.shape_cast %parallel_loop3A_314 : vector<1x16xf32> to vector<16xf32>
      %parallel_loop3A_316 = arith.subf %parallel_loop3A_311, %parallel_loop3A_315 : vector<16xf32>
      %parallel_loop3A_317 = arith.mulf %parallel_loop3A_316, %parallel_loop3A_316 : vector<16xf32>
      %parallel_loop3A_318 = arith.addf %parallel_loop3A_307, %parallel_loop3A_317 : vector<16xf32>
      %parallel_loop3A_319 = arith.index_cast %parallel_loop3A_196 : i32 to index
      %parallel_loop3A_320 = arith.constant 176 : index
      %parallel_loop3A_321 = tpu.vector_load %arg10[%parallel_loop3A_319, %parallel_loop3A_320] {strides = array<i32>} : memref<64x256xf32, #tpu.memory_space<vmem>>, vector<1x16xf32>,
      %parallel_loop3A_322 = vector.shape_cast %parallel_loop3A_321 : vector<1x16xf32> to vector<16xf32>
      %parallel_loop3A_323 = arith.index_cast %parallel_loop3A_196 : i32 to index
      %parallel_loop3A_324 = arith.constant 176 : index
      %parallel_loop3A_325 = tpu.vector_load %arg7[%parallel_loop3A_323, %parallel_loop3A_324] {strides = array<i32>} : memref<64x256xf32, #tpu.memory_space<vmem>>, vector<1x16xf32>,
      %parallel_loop3A_326 = vector.shape_cast %parallel_loop3A_325 : vector<1x16xf32> to vector<16xf32>
      %parallel_loop3A_327 = arith.subf %parallel_loop3A_322, %parallel_loop3A_326 : vector<16xf32>
      %parallel_loop3A_328 = arith.mulf %parallel_loop3A_327, %parallel_loop3A_327 : vector<16xf32>
      %parallel_loop3A_329 = arith.addf %parallel_loop3A_318, %parallel_loop3A_328 : vector<16xf32>
      %parallel_loop3A_330 = arith.index_cast %parallel_loop3A_196 : i32 to index
      %parallel_loop3A_331 = arith.constant 192 : index
      %parallel_loop3A_332 = tpu.vector_load %arg10[%parallel_loop3A_330, %parallel_loop3A_331] {strides = array<i32>} : memref<64x256xf32, #tpu.memory_space<vmem>>, vector<1x16xf32>,
      %parallel_loop3A_333 = vector.shape_cast %parallel_loop3A_332 : vector<1x16xf32> to vector<16xf32>
      %parallel_loop3A_334 = arith.index_cast %parallel_loop3A_196 : i32 to index
      %parallel_loop3A_335 = arith.constant 192 : index
      %parallel_loop3A_336 = tpu.vector_load %arg7[%parallel_loop3A_334, %parallel_loop3A_335] {strides = array<i32>} : memref<64x256xf32, #tpu.memory_space<vmem>>, vector<1x16xf32>,
      %parallel_loop3A_337 = vector.shape_cast %parallel_loop3A_336 : vector<1x16xf32> to vector<16xf32>
      %parallel_loop3A_338 = arith.subf %parallel_loop3A_333, %parallel_loop3A_337 : vector<16xf32>
      %parallel_loop3A_339 = arith.mulf %parallel_loop3A_338, %parallel_loop3A_338 : vector<16xf32>
      %parallel_loop3A_340 = arith.addf %parallel_loop3A_329, %parallel_loop3A_339 : vector<16xf32>
      %parallel_loop3A_341 = arith.index_cast %parallel_loop3A_196 : i32 to index
      %parallel_loop3A_342 = arith.constant 208 : index
      %parallel_loop3A_343 = tpu.vector_load %arg10[%parallel_loop3A_341, %parallel_loop3A_342] {strides = array<i32>} : memref<64x256xf32, #tpu.memory_space<vmem>>, vector<1x16xf32>,
      %parallel_loop3A_344 = vector.shape_cast %parallel_loop3A_343 : vector<1x16xf32> to vector<16xf32>
      %parallel_loop3A_345 = arith.index_cast %parallel_loop3A_196 : i32 to index
      %parallel_loop3A_346 = arith.constant 208 : index
      %parallel_loop3A_347 = tpu.vector_load %arg7[%parallel_loop3A_345, %parallel_loop3A_346] {strides = array<i32>} : memref<64x256xf32, #tpu.memory_space<vmem>>, vector<1x16xf32>,
      %parallel_loop3A_348 = vector.shape_cast %parallel_loop3A_347 : vector<1x16xf32> to vector<16xf32>
      %parallel_loop3A_349 = arith.subf %parallel_loop3A_344, %parallel_loop3A_348 : vector<16xf32>
      %parallel_loop3A_350 = arith.mulf %parallel_loop3A_349, %parallel_loop3A_349 : vector<16xf32>
      %parallel_loop3A_351 = arith.addf %parallel_loop3A_340, %parallel_loop3A_350 : vector<16xf32>
      %parallel_loop3A_352 = arith.index_cast %parallel_loop3A_196 : i32 to index
      %parallel_loop3A_353 = arith.constant 224 : index
      %parallel_loop3A_354 = tpu.vector_load %arg10[%parallel_loop3A_352, %parallel_loop3A_353] {strides = array<i32>} : memref<64x256xf32, #tpu.memory_space<vmem>>, vector<1x16xf32>,
      %parallel_loop3A_355 = vector.shape_cast %parallel_loop3A_354 : vector<1x16xf32> to vector<16xf32>
      %parallel_loop3A_356 = arith.index_cast %parallel_loop3A_196 : i32 to index
      %parallel_loop3A_357 = arith.constant 224 : index
      %parallel_loop3A_358 = tpu.vector_load %arg7[%parallel_loop3A_356, %parallel_loop3A_357] {strides = array<i32>} : memref<64x256xf32, #tpu.memory_space<vmem>>, vector<1x16xf32>,
      %parallel_loop3A_359 = vector.shape_cast %parallel_loop3A_358 : vector<1x16xf32> to vector<16xf32>
      %parallel_loop3A_360 = arith.subf %parallel_loop3A_355, %parallel_loop3A_359 : vector<16xf32>
      %parallel_loop3A_361 = arith.mulf %parallel_loop3A_360, %parallel_loop3A_360 : vector<16xf32>
      %parallel_loop3A_362 = arith.addf %parallel_loop3A_351, %parallel_loop3A_361 : vector<16xf32>
      %parallel_loop3A_363 = arith.index_cast %parallel_loop3A_196 : i32 to index
      %parallel_loop3A_364 = arith.constant 240 : index
      %parallel_loop3A_365 = tpu.vector_load %arg10[%parallel_loop3A_363, %parallel_loop3A_364] {strides = array<i32>} : memref<64x256xf32, #tpu.memory_space<vmem>>, vector<1x16xf32>,
      %parallel_loop3A_366 = vector.shape_cast %parallel_loop3A_365 : vector<1x16xf32> to vector<16xf32>
      %parallel_loop3A_367 = arith.index_cast %parallel_loop3A_196 : i32 to index
      %parallel_loop3A_368 = arith.constant 240 : index
      %parallel_loop3A_369 = tpu.vector_load %arg7[%parallel_loop3A_367, %parallel_loop3A_368] {strides = array<i32>} : memref<64x256xf32, #tpu.memory_space<vmem>>, vector<1x16xf32>,
      %parallel_loop3A_370 = vector.shape_cast %parallel_loop3A_369 : vector<1x16xf32> to vector<16xf32>
      %parallel_loop3A_371 = arith.subf %parallel_loop3A_366, %parallel_loop3A_370 : vector<16xf32>
      %parallel_loop3A_372 = arith.mulf %parallel_loop3A_371, %parallel_loop3A_371 : vector<16xf32>
      %parallel_loop3A_373 = arith.addf %parallel_loop3A_362, %parallel_loop3A_372 : vector<16xf32>
      scf.yield %parallel_loop3A_373 : vector<16xf32>
    } {sc.loop_unroll_factor = 2 : i64, sc.parallel_access}
    %dma_start3A_47 = arith.constant 192 : i32
    %dma_start3A_48 = tpu.memref_slice %arg6[%dma_start3A_47] : memref<512xi32, #tpu.memory_space<vmem>> -> memref<64xi32, #tpu.memory_space<vmem>>
    %dma_start3A_49 = arith.constant 0 : i32
    %dma_start3A_50 = arith.constant 0 : i32
    %dma_start3A_51 = tpu.memref_slice %arg4[%dma_start3A_49, %dma_start3A_50] : memref<8192x256xf32, #tpu.memory_space<hbm>> -> memref<8192x256xf32, #tpu.memory_space<hbm>>
    tpu.enqueue_indirect_dma source(%dma_start3A_51 : memref<8192x256xf32, #tpu.memory_space<hbm>>) target(%arg7 : memref<64x256xf32, #tpu.memory_space<vmem>>) offsets(%dma_start3A_48 : memref<64xi32, #tpu.memory_space<vmem>>) semaphore(%arg14 : memref<!tpu.dma_semaphore, #tpu.memory_space<semaphore_mem>>)
    %add3A_52 = arith.constant 192 : i32
    %add3A_53 = arith.addi %mul3A_2, %add3A_52 : i32
    %dma_start3A_54 = arith.constant 0 : i32
    %dma_start3A_55 = tpu.memref_slice %arg2[%add3A_53, %dma_start3A_54] : memref<16384x256xf32, #tpu.memory_space<hbm>> -> memref<64x256xf32, #tpu.memory_space<hbm>>
    %dma_start3A_56 = arith.constant 0 : i32
    %dma_start3A_57 = tpu.memref_slice %arg2[%add3A_53, %dma_start3A_56] : memref<16384x256xf32, #tpu.memory_space<hbm>> -> memref<64x256xf32, #tpu.memory_space<hbm>>
    tpu.enqueue_dma source(%dma_start3A_57 : memref<64x256xf32, #tpu.memory_space<hbm>>) target(%arg10 : memref<64x256xf32, #tpu.memory_space<vmem>>) target_semaphore(%arg14 : memref<!tpu.dma_semaphore, #tpu.memory_space<semaphore_mem>>)
    %dma_wait3A_58 = arith.constant 64 : i32
    %dma_wait3A_59 = tpu.memref_slice %arg6[%dma_wait3A_58] : memref<512xi32, #tpu.memory_space<vmem>> -> memref<64xi32, #tpu.memory_space<vmem>>
    %dma_wait3A_60 = arith.constant 0 : i32
    %dma_wait3A_61 = arith.constant 0 : i32
    %dma_wait3A_62 = tpu.memref_slice %arg4[%dma_wait3A_60, %dma_wait3A_61] : memref<8192x256xf32, #tpu.memory_space<hbm>> -> memref<8192x256xf32, #tpu.memory_space<hbm>>
    tpu.wait_indirect_dma semaphore(%arg15 : memref<!tpu.dma_semaphore, #tpu.memory_space<semaphore_mem>>) src(%dma_wait3A_62 : memref<8192x256xf32, #tpu.memory_space<hbm>>) dst(%arg8 : memref<64x256xf32, #tpu.memory_space<vmem>>)
    %dma_wait3A_63 = arith.constant 0 : i32
    %dma_wait3A_64 = tpu.memref_slice %arg2[%add3A_9, %dma_wait3A_63] : memref<16384x256xf32, #tpu.memory_space<hbm>> -> memref<64x256xf32, #tpu.memory_space<hbm>>
    %dma_wait3A_65 = arith.constant 0 : i32
    %dma_wait3A_66 = tpu.memref_slice %arg2[%add3A_9, %dma_wait3A_65] : memref<16384x256xf32, #tpu.memory_space<hbm>> -> memref<64x256xf32, #tpu.memory_space<hbm>>
    tpu.wait_dma2 semaphore(%arg15 : memref<!tpu.dma_semaphore, #tpu.memory_space<semaphore_mem>>) src(%dma_wait3A_66 : memref<64x256xf32, #tpu.memory_space<hbm>>) dst(%arg11 : memref<64x256xf32, #tpu.memory_space<vmem>>)
    %parallel_loop3A_67 = arith.constant 0 : i32
    %parallel_loop3A_68 = arith.constant 64 : i32
    %parallel_loop3A_69 = arith.constant 1 : i32
    %parallel_loop3A_70 = scf.for %parallel_loop3A_196 = %parallel_loop3A_67 to %parallel_loop3A_68 step %parallel_loop3A_69 iter_args(%parallel_loop3A_197 = %parallel_loop3A_46) -> (vector<16xf32>)  : i32 {
      %parallel_loop3A_198 = arith.index_cast %parallel_loop3A_196 : i32 to index
      %parallel_loop3A_199 = arith.constant 0 : index
      %parallel_loop3A_200 = tpu.vector_load %arg11[%parallel_loop3A_198, %parallel_loop3A_199] {strides = array<i32>} : memref<64x256xf32, #tpu.memory_space<vmem>>, vector<1x16xf32>,
      %parallel_loop3A_201 = vector.shape_cast %parallel_loop3A_200 : vector<1x16xf32> to vector<16xf32>
      %parallel_loop3A_202 = arith.index_cast %parallel_loop3A_196 : i32 to index
      %parallel_loop3A_203 = arith.constant 0 : index
      %parallel_loop3A_204 = tpu.vector_load %arg8[%parallel_loop3A_202, %parallel_loop3A_203] {strides = array<i32>} : memref<64x256xf32, #tpu.memory_space<vmem>>, vector<1x16xf32>,
      %parallel_loop3A_205 = vector.shape_cast %parallel_loop3A_204 : vector<1x16xf32> to vector<16xf32>
      %parallel_loop3A_206 = arith.subf %parallel_loop3A_201, %parallel_loop3A_205 : vector<16xf32>
      %parallel_loop3A_207 = arith.mulf %parallel_loop3A_206, %parallel_loop3A_206 : vector<16xf32>
      %parallel_loop3A_208 = arith.addf %parallel_loop3A_197, %parallel_loop3A_207 : vector<16xf32>
      %parallel_loop3A_209 = arith.index_cast %parallel_loop3A_196 : i32 to index
      %parallel_loop3A_210 = arith.constant 16 : index
      %parallel_loop3A_211 = tpu.vector_load %arg11[%parallel_loop3A_209, %parallel_loop3A_210] {strides = array<i32>} : memref<64x256xf32, #tpu.memory_space<vmem>>, vector<1x16xf32>,
      %parallel_loop3A_212 = vector.shape_cast %parallel_loop3A_211 : vector<1x16xf32> to vector<16xf32>
      %parallel_loop3A_213 = arith.index_cast %parallel_loop3A_196 : i32 to index
      %parallel_loop3A_214 = arith.constant 16 : index
      %parallel_loop3A_215 = tpu.vector_load %arg8[%parallel_loop3A_213, %parallel_loop3A_214] {strides = array<i32>} : memref<64x256xf32, #tpu.memory_space<vmem>>, vector<1x16xf32>,
      %parallel_loop3A_216 = vector.shape_cast %parallel_loop3A_215 : vector<1x16xf32> to vector<16xf32>
      %parallel_loop3A_217 = arith.subf %parallel_loop3A_212, %parallel_loop3A_216 : vector<16xf32>
      %parallel_loop3A_218 = arith.mulf %parallel_loop3A_217, %parallel_loop3A_217 : vector<16xf32>
      %parallel_loop3A_219 = arith.addf %parallel_loop3A_208, %parallel_loop3A_218 : vector<16xf32>
      %parallel_loop3A_220 = arith.index_cast %parallel_loop3A_196 : i32 to index
      %parallel_loop3A_221 = arith.constant 32 : index
      %parallel_loop3A_222 = tpu.vector_load %arg11[%parallel_loop3A_220, %parallel_loop3A_221] {strides = array<i32>} : memref<64x256xf32, #tpu.memory_space<vmem>>, vector<1x16xf32>,
      %parallel_loop3A_223 = vector.shape_cast %parallel_loop3A_222 : vector<1x16xf32> to vector<16xf32>
      %parallel_loop3A_224 = arith.index_cast %parallel_loop3A_196 : i32 to index
      %parallel_loop3A_225 = arith.constant 32 : index
      %parallel_loop3A_226 = tpu.vector_load %arg8[%parallel_loop3A_224, %parallel_loop3A_225] {strides = array<i32>} : memref<64x256xf32, #tpu.memory_space<vmem>>, vector<1x16xf32>,
      %parallel_loop3A_227 = vector.shape_cast %parallel_loop3A_226 : vector<1x16xf32> to vector<16xf32>
      %parallel_loop3A_228 = arith.subf %parallel_loop3A_223, %parallel_loop3A_227 : vector<16xf32>
      %parallel_loop3A_229 = arith.mulf %parallel_loop3A_228, %parallel_loop3A_228 : vector<16xf32>
      %parallel_loop3A_230 = arith.addf %parallel_loop3A_219, %parallel_loop3A_229 : vector<16xf32>
      %parallel_loop3A_231 = arith.index_cast %parallel_loop3A_196 : i32 to index
      %parallel_loop3A_232 = arith.constant 48 : index
      %parallel_loop3A_233 = tpu.vector_load %arg11[%parallel_loop3A_231, %parallel_loop3A_232] {strides = array<i32>} : memref<64x256xf32, #tpu.memory_space<vmem>>, vector<1x16xf32>,
      %parallel_loop3A_234 = vector.shape_cast %parallel_loop3A_233 : vector<1x16xf32> to vector<16xf32>
      %parallel_loop3A_235 = arith.index_cast %parallel_loop3A_196 : i32 to index
      %parallel_loop3A_236 = arith.constant 48 : index
      %parallel_loop3A_237 = tpu.vector_load %arg8[%parallel_loop3A_235, %parallel_loop3A_236] {strides = array<i32>} : memref<64x256xf32, #tpu.memory_space<vmem>>, vector<1x16xf32>,
      %parallel_loop3A_238 = vector.shape_cast %parallel_loop3A_237 : vector<1x16xf32> to vector<16xf32>
      %parallel_loop3A_239 = arith.subf %parallel_loop3A_234, %parallel_loop3A_238 : vector<16xf32>
      %parallel_loop3A_240 = arith.mulf %parallel_loop3A_239, %parallel_loop3A_239 : vector<16xf32>
      %parallel_loop3A_241 = arith.addf %parallel_loop3A_230, %parallel_loop3A_240 : vector<16xf32>
      %parallel_loop3A_242 = arith.index_cast %parallel_loop3A_196 : i32 to index
      %parallel_loop3A_243 = arith.constant 64 : index
      %parallel_loop3A_244 = tpu.vector_load %arg11[%parallel_loop3A_242, %parallel_loop3A_243] {strides = array<i32>} : memref<64x256xf32, #tpu.memory_space<vmem>>, vector<1x16xf32>,
      %parallel_loop3A_245 = vector.shape_cast %parallel_loop3A_244 : vector<1x16xf32> to vector<16xf32>
      %parallel_loop3A_246 = arith.index_cast %parallel_loop3A_196 : i32 to index
      %parallel_loop3A_247 = arith.constant 64 : index
      %parallel_loop3A_248 = tpu.vector_load %arg8[%parallel_loop3A_246, %parallel_loop3A_247] {strides = array<i32>} : memref<64x256xf32, #tpu.memory_space<vmem>>, vector<1x16xf32>,
      %parallel_loop3A_249 = vector.shape_cast %parallel_loop3A_248 : vector<1x16xf32> to vector<16xf32>
      %parallel_loop3A_250 = arith.subf %parallel_loop3A_245, %parallel_loop3A_249 : vector<16xf32>
      %parallel_loop3A_251 = arith.mulf %parallel_loop3A_250, %parallel_loop3A_250 : vector<16xf32>
      %parallel_loop3A_252 = arith.addf %parallel_loop3A_241, %parallel_loop3A_251 : vector<16xf32>
      %parallel_loop3A_253 = arith.index_cast %parallel_loop3A_196 : i32 to index
      %parallel_loop3A_254 = arith.constant 80 : index
      %parallel_loop3A_255 = tpu.vector_load %arg11[%parallel_loop3A_253, %parallel_loop3A_254] {strides = array<i32>} : memref<64x256xf32, #tpu.memory_space<vmem>>, vector<1x16xf32>,
      %parallel_loop3A_256 = vector.shape_cast %parallel_loop3A_255 : vector<1x16xf32> to vector<16xf32>
      %parallel_loop3A_257 = arith.index_cast %parallel_loop3A_196 : i32 to index
      %parallel_loop3A_258 = arith.constant 80 : index
      %parallel_loop3A_259 = tpu.vector_load %arg8[%parallel_loop3A_257, %parallel_loop3A_258] {strides = array<i32>} : memref<64x256xf32, #tpu.memory_space<vmem>>, vector<1x16xf32>,
      %parallel_loop3A_260 = vector.shape_cast %parallel_loop3A_259 : vector<1x16xf32> to vector<16xf32>
      %parallel_loop3A_261 = arith.subf %parallel_loop3A_256, %parallel_loop3A_260 : vector<16xf32>
      %parallel_loop3A_262 = arith.mulf %parallel_loop3A_261, %parallel_loop3A_261 : vector<16xf32>
      %parallel_loop3A_263 = arith.addf %parallel_loop3A_252, %parallel_loop3A_262 : vector<16xf32>
      %parallel_loop3A_264 = arith.index_cast %parallel_loop3A_196 : i32 to index
      %parallel_loop3A_265 = arith.constant 96 : index
      %parallel_loop3A_266 = tpu.vector_load %arg11[%parallel_loop3A_264, %parallel_loop3A_265] {strides = array<i32>} : memref<64x256xf32, #tpu.memory_space<vmem>>, vector<1x16xf32>,
      %parallel_loop3A_267 = vector.shape_cast %parallel_loop3A_266 : vector<1x16xf32> to vector<16xf32>
      %parallel_loop3A_268 = arith.index_cast %parallel_loop3A_196 : i32 to index
      %parallel_loop3A_269 = arith.constant 96 : index
      %parallel_loop3A_270 = tpu.vector_load %arg8[%parallel_loop3A_268, %parallel_loop3A_269] {strides = array<i32>} : memref<64x256xf32, #tpu.memory_space<vmem>>, vector<1x16xf32>,
      %parallel_loop3A_271 = vector.shape_cast %parallel_loop3A_270 : vector<1x16xf32> to vector<16xf32>
      %parallel_loop3A_272 = arith.subf %parallel_loop3A_267, %parallel_loop3A_271 : vector<16xf32>
      %parallel_loop3A_273 = arith.mulf %parallel_loop3A_272, %parallel_loop3A_272 : vector<16xf32>
      %parallel_loop3A_274 = arith.addf %parallel_loop3A_263, %parallel_loop3A_273 : vector<16xf32>
      %parallel_loop3A_275 = arith.index_cast %parallel_loop3A_196 : i32 to index
      %parallel_loop3A_276 = arith.constant 112 : index
      %parallel_loop3A_277 = tpu.vector_load %arg11[%parallel_loop3A_275, %parallel_loop3A_276] {strides = array<i32>} : memref<64x256xf32, #tpu.memory_space<vmem>>, vector<1x16xf32>,
      %parallel_loop3A_278 = vector.shape_cast %parallel_loop3A_277 : vector<1x16xf32> to vector<16xf32>
      %parallel_loop3A_279 = arith.index_cast %parallel_loop3A_196 : i32 to index
      %parallel_loop3A_280 = arith.constant 112 : index
      %parallel_loop3A_281 = tpu.vector_load %arg8[%parallel_loop3A_279, %parallel_loop3A_280] {strides = array<i32>} : memref<64x256xf32, #tpu.memory_space<vmem>>, vector<1x16xf32>,
      %parallel_loop3A_282 = vector.shape_cast %parallel_loop3A_281 : vector<1x16xf32> to vector<16xf32>
      %parallel_loop3A_283 = arith.subf %parallel_loop3A_278, %parallel_loop3A_282 : vector<16xf32>
      %parallel_loop3A_284 = arith.mulf %parallel_loop3A_283, %parallel_loop3A_283 : vector<16xf32>
      %parallel_loop3A_285 = arith.addf %parallel_loop3A_274, %parallel_loop3A_284 : vector<16xf32>
      %parallel_loop3A_286 = arith.index_cast %parallel_loop3A_196 : i32 to index
      %parallel_loop3A_287 = arith.constant 128 : index
      %parallel_loop3A_288 = tpu.vector_load %arg11[%parallel_loop3A_286, %parallel_loop3A_287] {strides = array<i32>} : memref<64x256xf32, #tpu.memory_space<vmem>>, vector<1x16xf32>,
      %parallel_loop3A_289 = vector.shape_cast %parallel_loop3A_288 : vector<1x16xf32> to vector<16xf32>
      %parallel_loop3A_290 = arith.index_cast %parallel_loop3A_196 : i32 to index
      %parallel_loop3A_291 = arith.constant 128 : index
      %parallel_loop3A_292 = tpu.vector_load %arg8[%parallel_loop3A_290, %parallel_loop3A_291] {strides = array<i32>} : memref<64x256xf32, #tpu.memory_space<vmem>>, vector<1x16xf32>,
      %parallel_loop3A_293 = vector.shape_cast %parallel_loop3A_292 : vector<1x16xf32> to vector<16xf32>
      %parallel_loop3A_294 = arith.subf %parallel_loop3A_289, %parallel_loop3A_293 : vector<16xf32>
      %parallel_loop3A_295 = arith.mulf %parallel_loop3A_294, %parallel_loop3A_294 : vector<16xf32>
      %parallel_loop3A_296 = arith.addf %parallel_loop3A_285, %parallel_loop3A_295 : vector<16xf32>
      %parallel_loop3A_297 = arith.index_cast %parallel_loop3A_196 : i32 to index
      %parallel_loop3A_298 = arith.constant 144 : index
      %parallel_loop3A_299 = tpu.vector_load %arg11[%parallel_loop3A_297, %parallel_loop3A_298] {strides = array<i32>} : memref<64x256xf32, #tpu.memory_space<vmem>>, vector<1x16xf32>,
      %parallel_loop3A_300 = vector.shape_cast %parallel_loop3A_299 : vector<1x16xf32> to vector<16xf32>
      %parallel_loop3A_301 = arith.index_cast %parallel_loop3A_196 : i32 to index
      %parallel_loop3A_302 = arith.constant 144 : index
      %parallel_loop3A_303 = tpu.vector_load %arg8[%parallel_loop3A_301, %parallel_loop3A_302] {strides = array<i32>} : memref<64x256xf32, #tpu.memory_space<vmem>>, vector<1x16xf32>,
      %parallel_loop3A_304 = vector.shape_cast %parallel_loop3A_303 : vector<1x16xf32> to vector<16xf32>
      %parallel_loop3A_305 = arith.subf %parallel_loop3A_300, %parallel_loop3A_304 : vector<16xf32>
      %parallel_loop3A_306 = arith.mulf %parallel_loop3A_305, %parallel_loop3A_305 : vector<16xf32>
      %parallel_loop3A_307 = arith.addf %parallel_loop3A_296, %parallel_loop3A_306 : vector<16xf32>
      %parallel_loop3A_308 = arith.index_cast %parallel_loop3A_196 : i32 to index
      %parallel_loop3A_309 = arith.constant 160 : index
      %parallel_loop3A_310 = tpu.vector_load %arg11[%parallel_loop3A_308, %parallel_loop3A_309] {strides = array<i32>} : memref<64x256xf32, #tpu.memory_space<vmem>>, vector<1x16xf32>,
      %parallel_loop3A_311 = vector.shape_cast %parallel_loop3A_310 : vector<1x16xf32> to vector<16xf32>
      %parallel_loop3A_312 = arith.index_cast %parallel_loop3A_196 : i32 to index
      %parallel_loop3A_313 = arith.constant 160 : index
      %parallel_loop3A_314 = tpu.vector_load %arg8[%parallel_loop3A_312, %parallel_loop3A_313] {strides = array<i32>} : memref<64x256xf32, #tpu.memory_space<vmem>>, vector<1x16xf32>,
      %parallel_loop3A_315 = vector.shape_cast %parallel_loop3A_314 : vector<1x16xf32> to vector<16xf32>
      %parallel_loop3A_316 = arith.subf %parallel_loop3A_311, %parallel_loop3A_315 : vector<16xf32>
      %parallel_loop3A_317 = arith.mulf %parallel_loop3A_316, %parallel_loop3A_316 : vector<16xf32>
      %parallel_loop3A_318 = arith.addf %parallel_loop3A_307, %parallel_loop3A_317 : vector<16xf32>
      %parallel_loop3A_319 = arith.index_cast %parallel_loop3A_196 : i32 to index
      %parallel_loop3A_320 = arith.constant 176 : index
      %parallel_loop3A_321 = tpu.vector_load %arg11[%parallel_loop3A_319, %parallel_loop3A_320] {strides = array<i32>} : memref<64x256xf32, #tpu.memory_space<vmem>>, vector<1x16xf32>,
      %parallel_loop3A_322 = vector.shape_cast %parallel_loop3A_321 : vector<1x16xf32> to vector<16xf32>
      %parallel_loop3A_323 = arith.index_cast %parallel_loop3A_196 : i32 to index
      %parallel_loop3A_324 = arith.constant 176 : index
      %parallel_loop3A_325 = tpu.vector_load %arg8[%parallel_loop3A_323, %parallel_loop3A_324] {strides = array<i32>} : memref<64x256xf32, #tpu.memory_space<vmem>>, vector<1x16xf32>,
      %parallel_loop3A_326 = vector.shape_cast %parallel_loop3A_325 : vector<1x16xf32> to vector<16xf32>
      %parallel_loop3A_327 = arith.subf %parallel_loop3A_322, %parallel_loop3A_326 : vector<16xf32>
      %parallel_loop3A_328 = arith.mulf %parallel_loop3A_327, %parallel_loop3A_327 : vector<16xf32>
      %parallel_loop3A_329 = arith.addf %parallel_loop3A_318, %parallel_loop3A_328 : vector<16xf32>
      %parallel_loop3A_330 = arith.index_cast %parallel_loop3A_196 : i32 to index
      %parallel_loop3A_331 = arith.constant 192 : index
      %parallel_loop3A_332 = tpu.vector_load %arg11[%parallel_loop3A_330, %parallel_loop3A_331] {strides = array<i32>} : memref<64x256xf32, #tpu.memory_space<vmem>>, vector<1x16xf32>,
      %parallel_loop3A_333 = vector.shape_cast %parallel_loop3A_332 : vector<1x16xf32> to vector<16xf32>
      %parallel_loop3A_334 = arith.index_cast %parallel_loop3A_196 : i32 to index
      %parallel_loop3A_335 = arith.constant 192 : index
      %parallel_loop3A_336 = tpu.vector_load %arg8[%parallel_loop3A_334, %parallel_loop3A_335] {strides = array<i32>} : memref<64x256xf32, #tpu.memory_space<vmem>>, vector<1x16xf32>,
      %parallel_loop3A_337 = vector.shape_cast %parallel_loop3A_336 : vector<1x16xf32> to vector<16xf32>
      %parallel_loop3A_338 = arith.subf %parallel_loop3A_333, %parallel_loop3A_337 : vector<16xf32>
      %parallel_loop3A_339 = arith.mulf %parallel_loop3A_338, %parallel_loop3A_338 : vector<16xf32>
      %parallel_loop3A_340 = arith.addf %parallel_loop3A_329, %parallel_loop3A_339 : vector<16xf32>
      %parallel_loop3A_341 = arith.index_cast %parallel_loop3A_196 : i32 to index
      %parallel_loop3A_342 = arith.constant 208 : index
      %parallel_loop3A_343 = tpu.vector_load %arg11[%parallel_loop3A_341, %parallel_loop3A_342] {strides = array<i32>} : memref<64x256xf32, #tpu.memory_space<vmem>>, vector<1x16xf32>,
      %parallel_loop3A_344 = vector.shape_cast %parallel_loop3A_343 : vector<1x16xf32> to vector<16xf32>
      %parallel_loop3A_345 = arith.index_cast %parallel_loop3A_196 : i32 to index
      %parallel_loop3A_346 = arith.constant 208 : index
      %parallel_loop3A_347 = tpu.vector_load %arg8[%parallel_loop3A_345, %parallel_loop3A_346] {strides = array<i32>} : memref<64x256xf32, #tpu.memory_space<vmem>>, vector<1x16xf32>,
      %parallel_loop3A_348 = vector.shape_cast %parallel_loop3A_347 : vector<1x16xf32> to vector<16xf32>
      %parallel_loop3A_349 = arith.subf %parallel_loop3A_344, %parallel_loop3A_348 : vector<16xf32>
      %parallel_loop3A_350 = arith.mulf %parallel_loop3A_349, %parallel_loop3A_349 : vector<16xf32>
      %parallel_loop3A_351 = arith.addf %parallel_loop3A_340, %parallel_loop3A_350 : vector<16xf32>
      %parallel_loop3A_352 = arith.index_cast %parallel_loop3A_196 : i32 to index
      %parallel_loop3A_353 = arith.constant 224 : index
      %parallel_loop3A_354 = tpu.vector_load %arg11[%parallel_loop3A_352, %parallel_loop3A_353] {strides = array<i32>} : memref<64x256xf32, #tpu.memory_space<vmem>>, vector<1x16xf32>,
      %parallel_loop3A_355 = vector.shape_cast %parallel_loop3A_354 : vector<1x16xf32> to vector<16xf32>
      %parallel_loop3A_356 = arith.index_cast %parallel_loop3A_196 : i32 to index
      %parallel_loop3A_357 = arith.constant 224 : index
      %parallel_loop3A_358 = tpu.vector_load %arg8[%parallel_loop3A_356, %parallel_loop3A_357] {strides = array<i32>} : memref<64x256xf32, #tpu.memory_space<vmem>>, vector<1x16xf32>,
      %parallel_loop3A_359 = vector.shape_cast %parallel_loop3A_358 : vector<1x16xf32> to vector<16xf32>
      %parallel_loop3A_360 = arith.subf %parallel_loop3A_355, %parallel_loop3A_359 : vector<16xf32>
      %parallel_loop3A_361 = arith.mulf %parallel_loop3A_360, %parallel_loop3A_360 : vector<16xf32>
      %parallel_loop3A_362 = arith.addf %parallel_loop3A_351, %parallel_loop3A_361 : vector<16xf32>
      %parallel_loop3A_363 = arith.index_cast %parallel_loop3A_196 : i32 to index
      %parallel_loop3A_364 = arith.constant 240 : index
      %parallel_loop3A_365 = tpu.vector_load %arg11[%parallel_loop3A_363, %parallel_loop3A_364] {strides = array<i32>} : memref<64x256xf32, #tpu.memory_space<vmem>>, vector<1x16xf32>,
      %parallel_loop3A_366 = vector.shape_cast %parallel_loop3A_365 : vector<1x16xf32> to vector<16xf32>
      %parallel_loop3A_367 = arith.index_cast %parallel_loop3A_196 : i32 to index
      %parallel_loop3A_368 = arith.constant 240 : index
      %parallel_loop3A_369 = tpu.vector_load %arg8[%parallel_loop3A_367, %parallel_loop3A_368] {strides = array<i32>} : memref<64x256xf32, #tpu.memory_space<vmem>>, vector<1x16xf32>,
      %parallel_loop3A_370 = vector.shape_cast %parallel_loop3A_369 : vector<1x16xf32> to vector<16xf32>
      %parallel_loop3A_371 = arith.subf %parallel_loop3A_366, %parallel_loop3A_370 : vector<16xf32>
      %parallel_loop3A_372 = arith.mulf %parallel_loop3A_371, %parallel_loop3A_371 : vector<16xf32>
      %parallel_loop3A_373 = arith.addf %parallel_loop3A_362, %parallel_loop3A_372 : vector<16xf32>
      scf.yield %parallel_loop3A_373 : vector<16xf32>
    } {sc.loop_unroll_factor = 2 : i64, sc.parallel_access}
    %dma_start3A_71 = arith.constant 256 : i32
    %dma_start3A_72 = tpu.memref_slice %arg6[%dma_start3A_71] : memref<512xi32, #tpu.memory_space<vmem>> -> memref<64xi32, #tpu.memory_space<vmem>>
    %dma_start3A_73 = arith.constant 0 : i32
    %dma_start3A_74 = arith.constant 0 : i32
    %dma_start3A_75 = tpu.memref_slice %arg4[%dma_start3A_73, %dma_start3A_74] : memref<8192x256xf32, #tpu.memory_space<hbm>> -> memref<8192x256xf32, #tpu.memory_space<hbm>>
    tpu.enqueue_indirect_dma source(%dma_start3A_75 : memref<8192x256xf32, #tpu.memory_space<hbm>>) target(%arg8 : memref<64x256xf32, #tpu.memory_space<vmem>>) offsets(%dma_start3A_72 : memref<64xi32, #tpu.memory_space<vmem>>) semaphore(%arg15 : memref<!tpu.dma_semaphore, #tpu.memory_space<semaphore_mem>>)
    %add3A_76 = arith.constant 256 : i32
    %add3A_77 = arith.addi %mul3A_2, %add3A_76 : i32
    %dma_start3A_78 = arith.constant 0 : i32
    %dma_start3A_79 = tpu.memref_slice %arg2[%add3A_77, %dma_start3A_78] : memref<16384x256xf32, #tpu.memory_space<hbm>> -> memref<64x256xf32, #tpu.memory_space<hbm>>
    %dma_start3A_80 = arith.constant 0 : i32
    %dma_start3A_81 = tpu.memref_slice %arg2[%add3A_77, %dma_start3A_80] : memref<16384x256xf32, #tpu.memory_space<hbm>> -> memref<64x256xf32, #tpu.memory_space<hbm>>
    tpu.enqueue_dma source(%dma_start3A_81 : memref<64x256xf32, #tpu.memory_space<hbm>>) target(%arg11 : memref<64x256xf32, #tpu.memory_space<vmem>>) target_semaphore(%arg15 : memref<!tpu.dma_semaphore, #tpu.memory_space<semaphore_mem>>)
    %dma_wait3A_82 = arith.constant 128 : i32
    %dma_wait3A_83 = tpu.memref_slice %arg6[%dma_wait3A_82] : memref<512xi32, #tpu.memory_space<vmem>> -> memref<64xi32, #tpu.memory_space<vmem>>
    %dma_wait3A_84 = arith.constant 0 : i32
    %dma_wait3A_85 = arith.constant 0 : i32
    %dma_wait3A_86 = tpu.memref_slice %arg4[%dma_wait3A_84, %dma_wait3A_85] : memref<8192x256xf32, #tpu.memory_space<hbm>> -> memref<8192x256xf32, #tpu.memory_space<hbm>>
    tpu.wait_indirect_dma semaphore(%arg16 : memref<!tpu.dma_semaphore, #tpu.memory_space<semaphore_mem>>) src(%dma_wait3A_86 : memref<8192x256xf32, #tpu.memory_space<hbm>>) dst(%arg9 : memref<64x256xf32, #tpu.memory_space<vmem>>)
    %dma_wait3A_87 = arith.constant 0 : i32
    %dma_wait3A_88 = tpu.memref_slice %arg2[%add3A_31, %dma_wait3A_87] : memref<16384x256xf32, #tpu.memory_space<hbm>> -> memref<64x256xf32, #tpu.memory_space<hbm>>
    %dma_wait3A_89 = arith.constant 0 : i32
    %dma_wait3A_90 = tpu.memref_slice %arg2[%add3A_31, %dma_wait3A_89] : memref<16384x256xf32, #tpu.memory_space<hbm>> -> memref<64x256xf32, #tpu.memory_space<hbm>>
    tpu.wait_dma2 semaphore(%arg16 : memref<!tpu.dma_semaphore, #tpu.memory_space<semaphore_mem>>) src(%dma_wait3A_90 : memref<64x256xf32, #tpu.memory_space<hbm>>) dst(%arg12 : memref<64x256xf32, #tpu.memory_space<vmem>>)
    %parallel_loop3A_91 = arith.constant 0 : i32
    %parallel_loop3A_92 = arith.constant 64 : i32
    %parallel_loop3A_93 = arith.constant 1 : i32
    %parallel_loop3A_94 = scf.for %parallel_loop3A_196 = %parallel_loop3A_91 to %parallel_loop3A_92 step %parallel_loop3A_93 iter_args(%parallel_loop3A_197 = %parallel_loop3A_70) -> (vector<16xf32>)  : i32 {
      %parallel_loop3A_198 = arith.index_cast %parallel_loop3A_196 : i32 to index
      %parallel_loop3A_199 = arith.constant 0 : index
      %parallel_loop3A_200 = tpu.vector_load %arg12[%parallel_loop3A_198, %parallel_loop3A_199] {strides = array<i32>} : memref<64x256xf32, #tpu.memory_space<vmem>>, vector<1x16xf32>,
      %parallel_loop3A_201 = vector.shape_cast %parallel_loop3A_200 : vector<1x16xf32> to vector<16xf32>
      %parallel_loop3A_202 = arith.index_cast %parallel_loop3A_196 : i32 to index
      %parallel_loop3A_203 = arith.constant 0 : index
      %parallel_loop3A_204 = tpu.vector_load %arg9[%parallel_loop3A_202, %parallel_loop3A_203] {strides = array<i32>} : memref<64x256xf32, #tpu.memory_space<vmem>>, vector<1x16xf32>,
      %parallel_loop3A_205 = vector.shape_cast %parallel_loop3A_204 : vector<1x16xf32> to vector<16xf32>
      %parallel_loop3A_206 = arith.subf %parallel_loop3A_201, %parallel_loop3A_205 : vector<16xf32>
      %parallel_loop3A_207 = arith.mulf %parallel_loop3A_206, %parallel_loop3A_206 : vector<16xf32>
      %parallel_loop3A_208 = arith.addf %parallel_loop3A_197, %parallel_loop3A_207 : vector<16xf32>
      %parallel_loop3A_209 = arith.index_cast %parallel_loop3A_196 : i32 to index
      %parallel_loop3A_210 = arith.constant 16 : index
      %parallel_loop3A_211 = tpu.vector_load %arg12[%parallel_loop3A_209, %parallel_loop3A_210] {strides = array<i32>} : memref<64x256xf32, #tpu.memory_space<vmem>>, vector<1x16xf32>,
      %parallel_loop3A_212 = vector.shape_cast %parallel_loop3A_211 : vector<1x16xf32> to vector<16xf32>
      %parallel_loop3A_213 = arith.index_cast %parallel_loop3A_196 : i32 to index
      %parallel_loop3A_214 = arith.constant 16 : index
      %parallel_loop3A_215 = tpu.vector_load %arg9[%parallel_loop3A_213, %parallel_loop3A_214] {strides = array<i32>} : memref<64x256xf32, #tpu.memory_space<vmem>>, vector<1x16xf32>,
      %parallel_loop3A_216 = vector.shape_cast %parallel_loop3A_215 : vector<1x16xf32> to vector<16xf32>
      %parallel_loop3A_217 = arith.subf %parallel_loop3A_212, %parallel_loop3A_216 : vector<16xf32>
      %parallel_loop3A_218 = arith.mulf %parallel_loop3A_217, %parallel_loop3A_217 : vector<16xf32>
      %parallel_loop3A_219 = arith.addf %parallel_loop3A_208, %parallel_loop3A_218 : vector<16xf32>
      %parallel_loop3A_220 = arith.index_cast %parallel_loop3A_196 : i32 to index
      %parallel_loop3A_221 = arith.constant 32 : index
      %parallel_loop3A_222 = tpu.vector_load %arg12[%parallel_loop3A_220, %parallel_loop3A_221] {strides = array<i32>} : memref<64x256xf32, #tpu.memory_space<vmem>>, vector<1x16xf32>,
      %parallel_loop3A_223 = vector.shape_cast %parallel_loop3A_222 : vector<1x16xf32> to vector<16xf32>
      %parallel_loop3A_224 = arith.index_cast %parallel_loop3A_196 : i32 to index
      %parallel_loop3A_225 = arith.constant 32 : index
      %parallel_loop3A_226 = tpu.vector_load %arg9[%parallel_loop3A_224, %parallel_loop3A_225] {strides = array<i32>} : memref<64x256xf32, #tpu.memory_space<vmem>>, vector<1x16xf32>,
      %parallel_loop3A_227 = vector.shape_cast %parallel_loop3A_226 : vector<1x16xf32> to vector<16xf32>
      %parallel_loop3A_228 = arith.subf %parallel_loop3A_223, %parallel_loop3A_227 : vector<16xf32>
      %parallel_loop3A_229 = arith.mulf %parallel_loop3A_228, %parallel_loop3A_228 : vector<16xf32>
      %parallel_loop3A_230 = arith.addf %parallel_loop3A_219, %parallel_loop3A_229 : vector<16xf32>
      %parallel_loop3A_231 = arith.index_cast %parallel_loop3A_196 : i32 to index
      %parallel_loop3A_232 = arith.constant 48 : index
      %parallel_loop3A_233 = tpu.vector_load %arg12[%parallel_loop3A_231, %parallel_loop3A_232] {strides = array<i32>} : memref<64x256xf32, #tpu.memory_space<vmem>>, vector<1x16xf32>,
      %parallel_loop3A_234 = vector.shape_cast %parallel_loop3A_233 : vector<1x16xf32> to vector<16xf32>
      %parallel_loop3A_235 = arith.index_cast %parallel_loop3A_196 : i32 to index
      %parallel_loop3A_236 = arith.constant 48 : index
      %parallel_loop3A_237 = tpu.vector_load %arg9[%parallel_loop3A_235, %parallel_loop3A_236] {strides = array<i32>} : memref<64x256xf32, #tpu.memory_space<vmem>>, vector<1x16xf32>,
      %parallel_loop3A_238 = vector.shape_cast %parallel_loop3A_237 : vector<1x16xf32> to vector<16xf32>
      %parallel_loop3A_239 = arith.subf %parallel_loop3A_234, %parallel_loop3A_238 : vector<16xf32>
      %parallel_loop3A_240 = arith.mulf %parallel_loop3A_239, %parallel_loop3A_239 : vector<16xf32>
      %parallel_loop3A_241 = arith.addf %parallel_loop3A_230, %parallel_loop3A_240 : vector<16xf32>
      %parallel_loop3A_242 = arith.index_cast %parallel_loop3A_196 : i32 to index
      %parallel_loop3A_243 = arith.constant 64 : index
      %parallel_loop3A_244 = tpu.vector_load %arg12[%parallel_loop3A_242, %parallel_loop3A_243] {strides = array<i32>} : memref<64x256xf32, #tpu.memory_space<vmem>>, vector<1x16xf32>,
      %parallel_loop3A_245 = vector.shape_cast %parallel_loop3A_244 : vector<1x16xf32> to vector<16xf32>
      %parallel_loop3A_246 = arith.index_cast %parallel_loop3A_196 : i32 to index
      %parallel_loop3A_247 = arith.constant 64 : index
      %parallel_loop3A_248 = tpu.vector_load %arg9[%parallel_loop3A_246, %parallel_loop3A_247] {strides = array<i32>} : memref<64x256xf32, #tpu.memory_space<vmem>>, vector<1x16xf32>,
      %parallel_loop3A_249 = vector.shape_cast %parallel_loop3A_248 : vector<1x16xf32> to vector<16xf32>
      %parallel_loop3A_250 = arith.subf %parallel_loop3A_245, %parallel_loop3A_249 : vector<16xf32>
      %parallel_loop3A_251 = arith.mulf %parallel_loop3A_250, %parallel_loop3A_250 : vector<16xf32>
      %parallel_loop3A_252 = arith.addf %parallel_loop3A_241, %parallel_loop3A_251 : vector<16xf32>
      %parallel_loop3A_253 = arith.index_cast %parallel_loop3A_196 : i32 to index
      %parallel_loop3A_254 = arith.constant 80 : index
      %parallel_loop3A_255 = tpu.vector_load %arg12[%parallel_loop3A_253, %parallel_loop3A_254] {strides = array<i32>} : memref<64x256xf32, #tpu.memory_space<vmem>>, vector<1x16xf32>,
      %parallel_loop3A_256 = vector.shape_cast %parallel_loop3A_255 : vector<1x16xf32> to vector<16xf32>
      %parallel_loop3A_257 = arith.index_cast %parallel_loop3A_196 : i32 to index
      %parallel_loop3A_258 = arith.constant 80 : index
      %parallel_loop3A_259 = tpu.vector_load %arg9[%parallel_loop3A_257, %parallel_loop3A_258] {strides = array<i32>} : memref<64x256xf32, #tpu.memory_space<vmem>>, vector<1x16xf32>,
      %parallel_loop3A_260 = vector.shape_cast %parallel_loop3A_259 : vector<1x16xf32> to vector<16xf32>
      %parallel_loop3A_261 = arith.subf %parallel_loop3A_256, %parallel_loop3A_260 : vector<16xf32>
      %parallel_loop3A_262 = arith.mulf %parallel_loop3A_261, %parallel_loop3A_261 : vector<16xf32>
      %parallel_loop3A_263 = arith.addf %parallel_loop3A_252, %parallel_loop3A_262 : vector<16xf32>
      %parallel_loop3A_264 = arith.index_cast %parallel_loop3A_196 : i32 to index
      %parallel_loop3A_265 = arith.constant 96 : index
      %parallel_loop3A_266 = tpu.vector_load %arg12[%parallel_loop3A_264, %parallel_loop3A_265] {strides = array<i32>} : memref<64x256xf32, #tpu.memory_space<vmem>>, vector<1x16xf32>,
      %parallel_loop3A_267 = vector.shape_cast %parallel_loop3A_266 : vector<1x16xf32> to vector<16xf32>
      %parallel_loop3A_268 = arith.index_cast %parallel_loop3A_196 : i32 to index
      %parallel_loop3A_269 = arith.constant 96 : index
      %parallel_loop3A_270 = tpu.vector_load %arg9[%parallel_loop3A_268, %parallel_loop3A_269] {strides = array<i32>} : memref<64x256xf32, #tpu.memory_space<vmem>>, vector<1x16xf32>,
      %parallel_loop3A_271 = vector.shape_cast %parallel_loop3A_270 : vector<1x16xf32> to vector<16xf32>
      %parallel_loop3A_272 = arith.subf %parallel_loop3A_267, %parallel_loop3A_271 : vector<16xf32>
      %parallel_loop3A_273 = arith.mulf %parallel_loop3A_272, %parallel_loop3A_272 : vector<16xf32>
      %parallel_loop3A_274 = arith.addf %parallel_loop3A_263, %parallel_loop3A_273 : vector<16xf32>
      %parallel_loop3A_275 = arith.index_cast %parallel_loop3A_196 : i32 to index
      %parallel_loop3A_276 = arith.constant 112 : index
      %parallel_loop3A_277 = tpu.vector_load %arg12[%parallel_loop3A_275, %parallel_loop3A_276] {strides = array<i32>} : memref<64x256xf32, #tpu.memory_space<vmem>>, vector<1x16xf32>,
      %parallel_loop3A_278 = vector.shape_cast %parallel_loop3A_277 : vector<1x16xf32> to vector<16xf32>
      %parallel_loop3A_279 = arith.index_cast %parallel_loop3A_196 : i32 to index
      %parallel_loop3A_280 = arith.constant 112 : index
      %parallel_loop3A_281 = tpu.vector_load %arg9[%parallel_loop3A_279, %parallel_loop3A_280] {strides = array<i32>} : memref<64x256xf32, #tpu.memory_space<vmem>>, vector<1x16xf32>,
      %parallel_loop3A_282 = vector.shape_cast %parallel_loop3A_281 : vector<1x16xf32> to vector<16xf32>
      %parallel_loop3A_283 = arith.subf %parallel_loop3A_278, %parallel_loop3A_282 : vector<16xf32>
      %parallel_loop3A_284 = arith.mulf %parallel_loop3A_283, %parallel_loop3A_283 : vector<16xf32>
      %parallel_loop3A_285 = arith.addf %parallel_loop3A_274, %parallel_loop3A_284 : vector<16xf32>
      %parallel_loop3A_286 = arith.index_cast %parallel_loop3A_196 : i32 to index
      %parallel_loop3A_287 = arith.constant 128 : index
      %parallel_loop3A_288 = tpu.vector_load %arg12[%parallel_loop3A_286, %parallel_loop3A_287] {strides = array<i32>} : memref<64x256xf32, #tpu.memory_space<vmem>>, vector<1x16xf32>,
      %parallel_loop3A_289 = vector.shape_cast %parallel_loop3A_288 : vector<1x16xf32> to vector<16xf32>
      %parallel_loop3A_290 = arith.index_cast %parallel_loop3A_196 : i32 to index
      %parallel_loop3A_291 = arith.constant 128 : index
      %parallel_loop3A_292 = tpu.vector_load %arg9[%parallel_loop3A_290, %parallel_loop3A_291] {strides = array<i32>} : memref<64x256xf32, #tpu.memory_space<vmem>>, vector<1x16xf32>,
      %parallel_loop3A_293 = vector.shape_cast %parallel_loop3A_292 : vector<1x16xf32> to vector<16xf32>
      %parallel_loop3A_294 = arith.subf %parallel_loop3A_289, %parallel_loop3A_293 : vector<16xf32>
      %parallel_loop3A_295 = arith.mulf %parallel_loop3A_294, %parallel_loop3A_294 : vector<16xf32>
      %parallel_loop3A_296 = arith.addf %parallel_loop3A_285, %parallel_loop3A_295 : vector<16xf32>
      %parallel_loop3A_297 = arith.index_cast %parallel_loop3A_196 : i32 to index
      %parallel_loop3A_298 = arith.constant 144 : index
      %parallel_loop3A_299 = tpu.vector_load %arg12[%parallel_loop3A_297, %parallel_loop3A_298] {strides = array<i32>} : memref<64x256xf32, #tpu.memory_space<vmem>>, vector<1x16xf32>,
      %parallel_loop3A_300 = vector.shape_cast %parallel_loop3A_299 : vector<1x16xf32> to vector<16xf32>
      %parallel_loop3A_301 = arith.index_cast %parallel_loop3A_196 : i32 to index
      %parallel_loop3A_302 = arith.constant 144 : index
      %parallel_loop3A_303 = tpu.vector_load %arg9[%parallel_loop3A_301, %parallel_loop3A_302] {strides = array<i32>} : memref<64x256xf32, #tpu.memory_space<vmem>>, vector<1x16xf32>,
      %parallel_loop3A_304 = vector.shape_cast %parallel_loop3A_303 : vector<1x16xf32> to vector<16xf32>
      %parallel_loop3A_305 = arith.subf %parallel_loop3A_300, %parallel_loop3A_304 : vector<16xf32>
      %parallel_loop3A_306 = arith.mulf %parallel_loop3A_305, %parallel_loop3A_305 : vector<16xf32>
      %parallel_loop3A_307 = arith.addf %parallel_loop3A_296, %parallel_loop3A_306 : vector<16xf32>
      %parallel_loop3A_308 = arith.index_cast %parallel_loop3A_196 : i32 to index
      %parallel_loop3A_309 = arith.constant 160 : index
      %parallel_loop3A_310 = tpu.vector_load %arg12[%parallel_loop3A_308, %parallel_loop3A_309] {strides = array<i32>} : memref<64x256xf32, #tpu.memory_space<vmem>>, vector<1x16xf32>,
      %parallel_loop3A_311 = vector.shape_cast %parallel_loop3A_310 : vector<1x16xf32> to vector<16xf32>
      %parallel_loop3A_312 = arith.index_cast %parallel_loop3A_196 : i32 to index
      %parallel_loop3A_313 = arith.constant 160 : index
      %parallel_loop3A_314 = tpu.vector_load %arg9[%parallel_loop3A_312, %parallel_loop3A_313] {strides = array<i32>} : memref<64x256xf32, #tpu.memory_space<vmem>>, vector<1x16xf32>,
      %parallel_loop3A_315 = vector.shape_cast %parallel_loop3A_314 : vector<1x16xf32> to vector<16xf32>
      %parallel_loop3A_316 = arith.subf %parallel_loop3A_311, %parallel_loop3A_315 : vector<16xf32>
      %parallel_loop3A_317 = arith.mulf %parallel_loop3A_316, %parallel_loop3A_316 : vector<16xf32>
      %parallel_loop3A_318 = arith.addf %parallel_loop3A_307, %parallel_loop3A_317 : vector<16xf32>
      %parallel_loop3A_319 = arith.index_cast %parallel_loop3A_196 : i32 to index
      %parallel_loop3A_320 = arith.constant 176 : index
      %parallel_loop3A_321 = tpu.vector_load %arg12[%parallel_loop3A_319, %parallel_loop3A_320] {strides = array<i32>} : memref<64x256xf32, #tpu.memory_space<vmem>>, vector<1x16xf32>,
      %parallel_loop3A_322 = vector.shape_cast %parallel_loop3A_321 : vector<1x16xf32> to vector<16xf32>
      %parallel_loop3A_323 = arith.index_cast %parallel_loop3A_196 : i32 to index
      %parallel_loop3A_324 = arith.constant 176 : index
      %parallel_loop3A_325 = tpu.vector_load %arg9[%parallel_loop3A_323, %parallel_loop3A_324] {strides = array<i32>} : memref<64x256xf32, #tpu.memory_space<vmem>>, vector<1x16xf32>,
      %parallel_loop3A_326 = vector.shape_cast %parallel_loop3A_325 : vector<1x16xf32> to vector<16xf32>
      %parallel_loop3A_327 = arith.subf %parallel_loop3A_322, %parallel_loop3A_326 : vector<16xf32>
      %parallel_loop3A_328 = arith.mulf %parallel_loop3A_327, %parallel_loop3A_327 : vector<16xf32>
      %parallel_loop3A_329 = arith.addf %parallel_loop3A_318, %parallel_loop3A_328 : vector<16xf32>
      %parallel_loop3A_330 = arith.index_cast %parallel_loop3A_196 : i32 to index
      %parallel_loop3A_331 = arith.constant 192 : index
      %parallel_loop3A_332 = tpu.vector_load %arg12[%parallel_loop3A_330, %parallel_loop3A_331] {strides = array<i32>} : memref<64x256xf32, #tpu.memory_space<vmem>>, vector<1x16xf32>,
      %parallel_loop3A_333 = vector.shape_cast %parallel_loop3A_332 : vector<1x16xf32> to vector<16xf32>
      %parallel_loop3A_334 = arith.index_cast %parallel_loop3A_196 : i32 to index
      %parallel_loop3A_335 = arith.constant 192 : index
      %parallel_loop3A_336 = tpu.vector_load %arg9[%parallel_loop3A_334, %parallel_loop3A_335] {strides = array<i32>} : memref<64x256xf32, #tpu.memory_space<vmem>>, vector<1x16xf32>,
      %parallel_loop3A_337 = vector.shape_cast %parallel_loop3A_336 : vector<1x16xf32> to vector<16xf32>
      %parallel_loop3A_338 = arith.subf %parallel_loop3A_333, %parallel_loop3A_337 : vector<16xf32>
      %parallel_loop3A_339 = arith.mulf %parallel_loop3A_338, %parallel_loop3A_338 : vector<16xf32>
      %parallel_loop3A_340 = arith.addf %parallel_loop3A_329, %parallel_loop3A_339 : vector<16xf32>
      %parallel_loop3A_341 = arith.index_cast %parallel_loop3A_196 : i32 to index
      %parallel_loop3A_342 = arith.constant 208 : index
      %parallel_loop3A_343 = tpu.vector_load %arg12[%parallel_loop3A_341, %parallel_loop3A_342] {strides = array<i32>} : memref<64x256xf32, #tpu.memory_space<vmem>>, vector<1x16xf32>,
      %parallel_loop3A_344 = vector.shape_cast %parallel_loop3A_343 : vector<1x16xf32> to vector<16xf32>
      %parallel_loop3A_345 = arith.index_cast %parallel_loop3A_196 : i32 to index
      %parallel_loop3A_346 = arith.constant 208 : index
      %parallel_loop3A_347 = tpu.vector_load %arg9[%parallel_loop3A_345, %parallel_loop3A_346] {strides = array<i32>} : memref<64x256xf32, #tpu.memory_space<vmem>>, vector<1x16xf32>,
      %parallel_loop3A_348 = vector.shape_cast %parallel_loop3A_347 : vector<1x16xf32> to vector<16xf32>
      %parallel_loop3A_349 = arith.subf %parallel_loop3A_344, %parallel_loop3A_348 : vector<16xf32>
      %parallel_loop3A_350 = arith.mulf %parallel_loop3A_349, %parallel_loop3A_349 : vector<16xf32>
      %parallel_loop3A_351 = arith.addf %parallel_loop3A_340, %parallel_loop3A_350 : vector<16xf32>
      %parallel_loop3A_352 = arith.index_cast %parallel_loop3A_196 : i32 to index
      %parallel_loop3A_353 = arith.constant 224 : index
      %parallel_loop3A_354 = tpu.vector_load %arg12[%parallel_loop3A_352, %parallel_loop3A_353] {strides = array<i32>} : memref<64x256xf32, #tpu.memory_space<vmem>>, vector<1x16xf32>,
      %parallel_loop3A_355 = vector.shape_cast %parallel_loop3A_354 : vector<1x16xf32> to vector<16xf32>
      %parallel_loop3A_356 = arith.index_cast %parallel_loop3A_196 : i32 to index
      %parallel_loop3A_357 = arith.constant 224 : index
      %parallel_loop3A_358 = tpu.vector_load %arg9[%parallel_loop3A_356, %parallel_loop3A_357] {strides = array<i32>} : memref<64x256xf32, #tpu.memory_space<vmem>>, vector<1x16xf32>,
      %parallel_loop3A_359 = vector.shape_cast %parallel_loop3A_358 : vector<1x16xf32> to vector<16xf32>
      %parallel_loop3A_360 = arith.subf %parallel_loop3A_355, %parallel_loop3A_359 : vector<16xf32>
      %parallel_loop3A_361 = arith.mulf %parallel_loop3A_360, %parallel_loop3A_360 : vector<16xf32>
      %parallel_loop3A_362 = arith.addf %parallel_loop3A_351, %parallel_loop3A_361 : vector<16xf32>
      %parallel_loop3A_363 = arith.index_cast %parallel_loop3A_196 : i32 to index
      %parallel_loop3A_364 = arith.constant 240 : index
      %parallel_loop3A_365 = tpu.vector_load %arg12[%parallel_loop3A_363, %parallel_loop3A_364] {strides = array<i32>} : memref<64x256xf32, #tpu.memory_space<vmem>>, vector<1x16xf32>,
      %parallel_loop3A_366 = vector.shape_cast %parallel_loop3A_365 : vector<1x16xf32> to vector<16xf32>
      %parallel_loop3A_367 = arith.index_cast %parallel_loop3A_196 : i32 to index
      %parallel_loop3A_368 = arith.constant 240 : index
      %parallel_loop3A_369 = tpu.vector_load %arg9[%parallel_loop3A_367, %parallel_loop3A_368] {strides = array<i32>} : memref<64x256xf32, #tpu.memory_space<vmem>>, vector<1x16xf32>,
      %parallel_loop3A_370 = vector.shape_cast %parallel_loop3A_369 : vector<1x16xf32> to vector<16xf32>
      %parallel_loop3A_371 = arith.subf %parallel_loop3A_366, %parallel_loop3A_370 : vector<16xf32>
      %parallel_loop3A_372 = arith.mulf %parallel_loop3A_371, %parallel_loop3A_371 : vector<16xf32>
      %parallel_loop3A_373 = arith.addf %parallel_loop3A_362, %parallel_loop3A_372 : vector<16xf32>
      scf.yield %parallel_loop3A_373 : vector<16xf32>
    } {sc.loop_unroll_factor = 2 : i64, sc.parallel_access}
    %dma_start3A_95 = arith.constant 320 : i32
    %dma_start3A_96 = tpu.memref_slice %arg6[%dma_start3A_95] : memref<512xi32, #tpu.memory_space<vmem>> -> memref<64xi32, #tpu.memory_space<vmem>>
    %dma_start3A_97 = arith.constant 0 : i32
    %dma_start3A_98 = arith.constant 0 : i32
    %dma_start3A_99 = tpu.memref_slice %arg4[%dma_start3A_97, %dma_start3A_98] : memref<8192x256xf32, #tpu.memory_space<hbm>> -> memref<8192x256xf32, #tpu.memory_space<hbm>>
    tpu.enqueue_indirect_dma source(%dma_start3A_99 : memref<8192x256xf32, #tpu.memory_space<hbm>>) target(%arg9 : memref<64x256xf32, #tpu.memory_space<vmem>>) offsets(%dma_start3A_96 : memref<64xi32, #tpu.memory_space<vmem>>) semaphore(%arg16 : memref<!tpu.dma_semaphore, #tpu.memory_space<semaphore_mem>>)
    %add3A_100 = arith.constant 320 : i32
    %add3A_101 = arith.addi %mul3A_2, %add3A_100 : i32
    %dma_start3A_102 = arith.constant 0 : i32
    %dma_start3A_103 = tpu.memref_slice %arg2[%add3A_101, %dma_start3A_102] : memref<16384x256xf32, #tpu.memory_space<hbm>> -> memref<64x256xf32, #tpu.memory_space<hbm>>
    %dma_start3A_104 = arith.constant 0 : i32
    %dma_start3A_105 = tpu.memref_slice %arg2[%add3A_101, %dma_start3A_104] : memref<16384x256xf32, #tpu.memory_space<hbm>> -> memref<64x256xf32, #tpu.memory_space<hbm>>
    tpu.enqueue_dma source(%dma_start3A_105 : memref<64x256xf32, #tpu.memory_space<hbm>>) target(%arg12 : memref<64x256xf32, #tpu.memory_space<vmem>>) target_semaphore(%arg16 : memref<!tpu.dma_semaphore, #tpu.memory_space<semaphore_mem>>)
    %dma_wait3A_106 = arith.constant 192 : i32
    %dma_wait3A_107 = tpu.memref_slice %arg6[%dma_wait3A_106] : memref<512xi32, #tpu.memory_space<vmem>> -> memref<64xi32, #tpu.memory_space<vmem>>
    %dma_wait3A_108 = arith.constant 0 : i32
    %dma_wait3A_109 = arith.constant 0 : i32
    %dma_wait3A_110 = tpu.memref_slice %arg4[%dma_wait3A_108, %dma_wait3A_109] : memref<8192x256xf32, #tpu.memory_space<hbm>> -> memref<8192x256xf32, #tpu.memory_space<hbm>>
    tpu.wait_indirect_dma semaphore(%arg14 : memref<!tpu.dma_semaphore, #tpu.memory_space<semaphore_mem>>) src(%dma_wait3A_110 : memref<8192x256xf32, #tpu.memory_space<hbm>>) dst(%arg7 : memref<64x256xf32, #tpu.memory_space<vmem>>)
    %dma_wait3A_111 = arith.constant 0 : i32
    %dma_wait3A_112 = tpu.memref_slice %arg2[%add3A_53, %dma_wait3A_111] : memref<16384x256xf32, #tpu.memory_space<hbm>> -> memref<64x256xf32, #tpu.memory_space<hbm>>
    %dma_wait3A_113 = arith.constant 0 : i32
    %dma_wait3A_114 = tpu.memref_slice %arg2[%add3A_53, %dma_wait3A_113] : memref<16384x256xf32, #tpu.memory_space<hbm>> -> memref<64x256xf32, #tpu.memory_space<hbm>>
    tpu.wait_dma2 semaphore(%arg14 : memref<!tpu.dma_semaphore, #tpu.memory_space<semaphore_mem>>) src(%dma_wait3A_114 : memref<64x256xf32, #tpu.memory_space<hbm>>) dst(%arg10 : memref<64x256xf32, #tpu.memory_space<vmem>>)
    %parallel_loop3A_115 = arith.constant 0 : i32
    %parallel_loop3A_116 = arith.constant 64 : i32
    %parallel_loop3A_117 = arith.constant 1 : i32
    %parallel_loop3A_118 = scf.for %parallel_loop3A_196 = %parallel_loop3A_115 to %parallel_loop3A_116 step %parallel_loop3A_117 iter_args(%parallel_loop3A_197 = %parallel_loop3A_94) -> (vector<16xf32>)  : i32 {
      %parallel_loop3A_198 = arith.index_cast %parallel_loop3A_196 : i32 to index
      %parallel_loop3A_199 = arith.constant 0 : index
      %parallel_loop3A_200 = tpu.vector_load %arg10[%parallel_loop3A_198, %parallel_loop3A_199] {strides = array<i32>} : memref<64x256xf32, #tpu.memory_space<vmem>>, vector<1x16xf32>,
      %parallel_loop3A_201 = vector.shape_cast %parallel_loop3A_200 : vector<1x16xf32> to vector<16xf32>
      %parallel_loop3A_202 = arith.index_cast %parallel_loop3A_196 : i32 to index
      %parallel_loop3A_203 = arith.constant 0 : index
      %parallel_loop3A_204 = tpu.vector_load %arg7[%parallel_loop3A_202, %parallel_loop3A_203] {strides = array<i32>} : memref<64x256xf32, #tpu.memory_space<vmem>>, vector<1x16xf32>,
      %parallel_loop3A_205 = vector.shape_cast %parallel_loop3A_204 : vector<1x16xf32> to vector<16xf32>
      %parallel_loop3A_206 = arith.subf %parallel_loop3A_201, %parallel_loop3A_205 : vector<16xf32>
      %parallel_loop3A_207 = arith.mulf %parallel_loop3A_206, %parallel_loop3A_206 : vector<16xf32>
      %parallel_loop3A_208 = arith.addf %parallel_loop3A_197, %parallel_loop3A_207 : vector<16xf32>
      %parallel_loop3A_209 = arith.index_cast %parallel_loop3A_196 : i32 to index
      %parallel_loop3A_210 = arith.constant 16 : index
      %parallel_loop3A_211 = tpu.vector_load %arg10[%parallel_loop3A_209, %parallel_loop3A_210] {strides = array<i32>} : memref<64x256xf32, #tpu.memory_space<vmem>>, vector<1x16xf32>,
      %parallel_loop3A_212 = vector.shape_cast %parallel_loop3A_211 : vector<1x16xf32> to vector<16xf32>
      %parallel_loop3A_213 = arith.index_cast %parallel_loop3A_196 : i32 to index
      %parallel_loop3A_214 = arith.constant 16 : index
      %parallel_loop3A_215 = tpu.vector_load %arg7[%parallel_loop3A_213, %parallel_loop3A_214] {strides = array<i32>} : memref<64x256xf32, #tpu.memory_space<vmem>>, vector<1x16xf32>,
      %parallel_loop3A_216 = vector.shape_cast %parallel_loop3A_215 : vector<1x16xf32> to vector<16xf32>
      %parallel_loop3A_217 = arith.subf %parallel_loop3A_212, %parallel_loop3A_216 : vector<16xf32>
      %parallel_loop3A_218 = arith.mulf %parallel_loop3A_217, %parallel_loop3A_217 : vector<16xf32>
      %parallel_loop3A_219 = arith.addf %parallel_loop3A_208, %parallel_loop3A_218 : vector<16xf32>
      %parallel_loop3A_220 = arith.index_cast %parallel_loop3A_196 : i32 to index
      %parallel_loop3A_221 = arith.constant 32 : index
      %parallel_loop3A_222 = tpu.vector_load %arg10[%parallel_loop3A_220, %parallel_loop3A_221] {strides = array<i32>} : memref<64x256xf32, #tpu.memory_space<vmem>>, vector<1x16xf32>,
      %parallel_loop3A_223 = vector.shape_cast %parallel_loop3A_222 : vector<1x16xf32> to vector<16xf32>
      %parallel_loop3A_224 = arith.index_cast %parallel_loop3A_196 : i32 to index
      %parallel_loop3A_225 = arith.constant 32 : index
      %parallel_loop3A_226 = tpu.vector_load %arg7[%parallel_loop3A_224, %parallel_loop3A_225] {strides = array<i32>} : memref<64x256xf32, #tpu.memory_space<vmem>>, vector<1x16xf32>,
      %parallel_loop3A_227 = vector.shape_cast %parallel_loop3A_226 : vector<1x16xf32> to vector<16xf32>
      %parallel_loop3A_228 = arith.subf %parallel_loop3A_223, %parallel_loop3A_227 : vector<16xf32>
      %parallel_loop3A_229 = arith.mulf %parallel_loop3A_228, %parallel_loop3A_228 : vector<16xf32>
      %parallel_loop3A_230 = arith.addf %parallel_loop3A_219, %parallel_loop3A_229 : vector<16xf32>
      %parallel_loop3A_231 = arith.index_cast %parallel_loop3A_196 : i32 to index
      %parallel_loop3A_232 = arith.constant 48 : index
      %parallel_loop3A_233 = tpu.vector_load %arg10[%parallel_loop3A_231, %parallel_loop3A_232] {strides = array<i32>} : memref<64x256xf32, #tpu.memory_space<vmem>>, vector<1x16xf32>,
      %parallel_loop3A_234 = vector.shape_cast %parallel_loop3A_233 : vector<1x16xf32> to vector<16xf32>
      %parallel_loop3A_235 = arith.index_cast %parallel_loop3A_196 : i32 to index
      %parallel_loop3A_236 = arith.constant 48 : index
      %parallel_loop3A_237 = tpu.vector_load %arg7[%parallel_loop3A_235, %parallel_loop3A_236] {strides = array<i32>} : memref<64x256xf32, #tpu.memory_space<vmem>>, vector<1x16xf32>,
      %parallel_loop3A_238 = vector.shape_cast %parallel_loop3A_237 : vector<1x16xf32> to vector<16xf32>
      %parallel_loop3A_239 = arith.subf %parallel_loop3A_234, %parallel_loop3A_238 : vector<16xf32>
      %parallel_loop3A_240 = arith.mulf %parallel_loop3A_239, %parallel_loop3A_239 : vector<16xf32>
      %parallel_loop3A_241 = arith.addf %parallel_loop3A_230, %parallel_loop3A_240 : vector<16xf32>
      %parallel_loop3A_242 = arith.index_cast %parallel_loop3A_196 : i32 to index
      %parallel_loop3A_243 = arith.constant 64 : index
      %parallel_loop3A_244 = tpu.vector_load %arg10[%parallel_loop3A_242, %parallel_loop3A_243] {strides = array<i32>} : memref<64x256xf32, #tpu.memory_space<vmem>>, vector<1x16xf32>,
      %parallel_loop3A_245 = vector.shape_cast %parallel_loop3A_244 : vector<1x16xf32> to vector<16xf32>
      %parallel_loop3A_246 = arith.index_cast %parallel_loop3A_196 : i32 to index
      %parallel_loop3A_247 = arith.constant 64 : index
      %parallel_loop3A_248 = tpu.vector_load %arg7[%parallel_loop3A_246, %parallel_loop3A_247] {strides = array<i32>} : memref<64x256xf32, #tpu.memory_space<vmem>>, vector<1x16xf32>,
      %parallel_loop3A_249 = vector.shape_cast %parallel_loop3A_248 : vector<1x16xf32> to vector<16xf32>
      %parallel_loop3A_250 = arith.subf %parallel_loop3A_245, %parallel_loop3A_249 : vector<16xf32>
      %parallel_loop3A_251 = arith.mulf %parallel_loop3A_250, %parallel_loop3A_250 : vector<16xf32>
      %parallel_loop3A_252 = arith.addf %parallel_loop3A_241, %parallel_loop3A_251 : vector<16xf32>
      %parallel_loop3A_253 = arith.index_cast %parallel_loop3A_196 : i32 to index
      %parallel_loop3A_254 = arith.constant 80 : index
      %parallel_loop3A_255 = tpu.vector_load %arg10[%parallel_loop3A_253, %parallel_loop3A_254] {strides = array<i32>} : memref<64x256xf32, #tpu.memory_space<vmem>>, vector<1x16xf32>,
      %parallel_loop3A_256 = vector.shape_cast %parallel_loop3A_255 : vector<1x16xf32> to vector<16xf32>
      %parallel_loop3A_257 = arith.index_cast %parallel_loop3A_196 : i32 to index
      %parallel_loop3A_258 = arith.constant 80 : index
      %parallel_loop3A_259 = tpu.vector_load %arg7[%parallel_loop3A_257, %parallel_loop3A_258] {strides = array<i32>} : memref<64x256xf32, #tpu.memory_space<vmem>>, vector<1x16xf32>,
      %parallel_loop3A_260 = vector.shape_cast %parallel_loop3A_259 : vector<1x16xf32> to vector<16xf32>
      %parallel_loop3A_261 = arith.subf %parallel_loop3A_256, %parallel_loop3A_260 : vector<16xf32>
      %parallel_loop3A_262 = arith.mulf %parallel_loop3A_261, %parallel_loop3A_261 : vector<16xf32>
      %parallel_loop3A_263 = arith.addf %parallel_loop3A_252, %parallel_loop3A_262 : vector<16xf32>
      %parallel_loop3A_264 = arith.index_cast %parallel_loop3A_196 : i32 to index
      %parallel_loop3A_265 = arith.constant 96 : index
      %parallel_loop3A_266 = tpu.vector_load %arg10[%parallel_loop3A_264, %parallel_loop3A_265] {strides = array<i32>} : memref<64x256xf32, #tpu.memory_space<vmem>>, vector<1x16xf32>,
      %parallel_loop3A_267 = vector.shape_cast %parallel_loop3A_266 : vector<1x16xf32> to vector<16xf32>
      %parallel_loop3A_268 = arith.index_cast %parallel_loop3A_196 : i32 to index
      %parallel_loop3A_269 = arith.constant 96 : index
      %parallel_loop3A_270 = tpu.vector_load %arg7[%parallel_loop3A_268, %parallel_loop3A_269] {strides = array<i32>} : memref<64x256xf32, #tpu.memory_space<vmem>>, vector<1x16xf32>,
      %parallel_loop3A_271 = vector.shape_cast %parallel_loop3A_270 : vector<1x16xf32> to vector<16xf32>
      %parallel_loop3A_272 = arith.subf %parallel_loop3A_267, %parallel_loop3A_271 : vector<16xf32>
      %parallel_loop3A_273 = arith.mulf %parallel_loop3A_272, %parallel_loop3A_272 : vector<16xf32>
      %parallel_loop3A_274 = arith.addf %parallel_loop3A_263, %parallel_loop3A_273 : vector<16xf32>
      %parallel_loop3A_275 = arith.index_cast %parallel_loop3A_196 : i32 to index
      %parallel_loop3A_276 = arith.constant 112 : index
      %parallel_loop3A_277 = tpu.vector_load %arg10[%parallel_loop3A_275, %parallel_loop3A_276] {strides = array<i32>} : memref<64x256xf32, #tpu.memory_space<vmem>>, vector<1x16xf32>,
      %parallel_loop3A_278 = vector.shape_cast %parallel_loop3A_277 : vector<1x16xf32> to vector<16xf32>
      %parallel_loop3A_279 = arith.index_cast %parallel_loop3A_196 : i32 to index
      %parallel_loop3A_280 = arith.constant 112 : index
      %parallel_loop3A_281 = tpu.vector_load %arg7[%parallel_loop3A_279, %parallel_loop3A_280] {strides = array<i32>} : memref<64x256xf32, #tpu.memory_space<vmem>>, vector<1x16xf32>,
      %parallel_loop3A_282 = vector.shape_cast %parallel_loop3A_281 : vector<1x16xf32> to vector<16xf32>
      %parallel_loop3A_283 = arith.subf %parallel_loop3A_278, %parallel_loop3A_282 : vector<16xf32>
      %parallel_loop3A_284 = arith.mulf %parallel_loop3A_283, %parallel_loop3A_283 : vector<16xf32>
      %parallel_loop3A_285 = arith.addf %parallel_loop3A_274, %parallel_loop3A_284 : vector<16xf32>
      %parallel_loop3A_286 = arith.index_cast %parallel_loop3A_196 : i32 to index
      %parallel_loop3A_287 = arith.constant 128 : index
      %parallel_loop3A_288 = tpu.vector_load %arg10[%parallel_loop3A_286, %parallel_loop3A_287] {strides = array<i32>} : memref<64x256xf32, #tpu.memory_space<vmem>>, vector<1x16xf32>,
      %parallel_loop3A_289 = vector.shape_cast %parallel_loop3A_288 : vector<1x16xf32> to vector<16xf32>
      %parallel_loop3A_290 = arith.index_cast %parallel_loop3A_196 : i32 to index
      %parallel_loop3A_291 = arith.constant 128 : index
      %parallel_loop3A_292 = tpu.vector_load %arg7[%parallel_loop3A_290, %parallel_loop3A_291] {strides = array<i32>} : memref<64x256xf32, #tpu.memory_space<vmem>>, vector<1x16xf32>,
      %parallel_loop3A_293 = vector.shape_cast %parallel_loop3A_292 : vector<1x16xf32> to vector<16xf32>
      %parallel_loop3A_294 = arith.subf %parallel_loop3A_289, %parallel_loop3A_293 : vector<16xf32>
      %parallel_loop3A_295 = arith.mulf %parallel_loop3A_294, %parallel_loop3A_294 : vector<16xf32>
      %parallel_loop3A_296 = arith.addf %parallel_loop3A_285, %parallel_loop3A_295 : vector<16xf32>
      %parallel_loop3A_297 = arith.index_cast %parallel_loop3A_196 : i32 to index
      %parallel_loop3A_298 = arith.constant 144 : index
      %parallel_loop3A_299 = tpu.vector_load %arg10[%parallel_loop3A_297, %parallel_loop3A_298] {strides = array<i32>} : memref<64x256xf32, #tpu.memory_space<vmem>>, vector<1x16xf32>,
      %parallel_loop3A_300 = vector.shape_cast %parallel_loop3A_299 : vector<1x16xf32> to vector<16xf32>
      %parallel_loop3A_301 = arith.index_cast %parallel_loop3A_196 : i32 to index
      %parallel_loop3A_302 = arith.constant 144 : index
      %parallel_loop3A_303 = tpu.vector_load %arg7[%parallel_loop3A_301, %parallel_loop3A_302] {strides = array<i32>} : memref<64x256xf32, #tpu.memory_space<vmem>>, vector<1x16xf32>,
      %parallel_loop3A_304 = vector.shape_cast %parallel_loop3A_303 : vector<1x16xf32> to vector<16xf32>
      %parallel_loop3A_305 = arith.subf %parallel_loop3A_300, %parallel_loop3A_304 : vector<16xf32>
      %parallel_loop3A_306 = arith.mulf %parallel_loop3A_305, %parallel_loop3A_305 : vector<16xf32>
      %parallel_loop3A_307 = arith.addf %parallel_loop3A_296, %parallel_loop3A_306 : vector<16xf32>
      %parallel_loop3A_308 = arith.index_cast %parallel_loop3A_196 : i32 to index
      %parallel_loop3A_309 = arith.constant 160 : index
      %parallel_loop3A_310 = tpu.vector_load %arg10[%parallel_loop3A_308, %parallel_loop3A_309] {strides = array<i32>} : memref<64x256xf32, #tpu.memory_space<vmem>>, vector<1x16xf32>,
      %parallel_loop3A_311 = vector.shape_cast %parallel_loop3A_310 : vector<1x16xf32> to vector<16xf32>
      %parallel_loop3A_312 = arith.index_cast %parallel_loop3A_196 : i32 to index
      %parallel_loop3A_313 = arith.constant 160 : index
      %parallel_loop3A_314 = tpu.vector_load %arg7[%parallel_loop3A_312, %parallel_loop3A_313] {strides = array<i32>} : memref<64x256xf32, #tpu.memory_space<vmem>>, vector<1x16xf32>,
      %parallel_loop3A_315 = vector.shape_cast %parallel_loop3A_314 : vector<1x16xf32> to vector<16xf32>
      %parallel_loop3A_316 = arith.subf %parallel_loop3A_311, %parallel_loop3A_315 : vector<16xf32>
      %parallel_loop3A_317 = arith.mulf %parallel_loop3A_316, %parallel_loop3A_316 : vector<16xf32>
      %parallel_loop3A_318 = arith.addf %parallel_loop3A_307, %parallel_loop3A_317 : vector<16xf32>
      %parallel_loop3A_319 = arith.index_cast %parallel_loop3A_196 : i32 to index
      %parallel_loop3A_320 = arith.constant 176 : index
      %parallel_loop3A_321 = tpu.vector_load %arg10[%parallel_loop3A_319, %parallel_loop3A_320] {strides = array<i32>} : memref<64x256xf32, #tpu.memory_space<vmem>>, vector<1x16xf32>,
      %parallel_loop3A_322 = vector.shape_cast %parallel_loop3A_321 : vector<1x16xf32> to vector<16xf32>
      %parallel_loop3A_323 = arith.index_cast %parallel_loop3A_196 : i32 to index
      %parallel_loop3A_324 = arith.constant 176 : index
      %parallel_loop3A_325 = tpu.vector_load %arg7[%parallel_loop3A_323, %parallel_loop3A_324] {strides = array<i32>} : memref<64x256xf32, #tpu.memory_space<vmem>>, vector<1x16xf32>,
      %parallel_loop3A_326 = vector.shape_cast %parallel_loop3A_325 : vector<1x16xf32> to vector<16xf32>
      %parallel_loop3A_327 = arith.subf %parallel_loop3A_322, %parallel_loop3A_326 : vector<16xf32>
      %parallel_loop3A_328 = arith.mulf %parallel_loop3A_327, %parallel_loop3A_327 : vector<16xf32>
      %parallel_loop3A_329 = arith.addf %parallel_loop3A_318, %parallel_loop3A_328 : vector<16xf32>
      %parallel_loop3A_330 = arith.index_cast %parallel_loop3A_196 : i32 to index
      %parallel_loop3A_331 = arith.constant 192 : index
      %parallel_loop3A_332 = tpu.vector_load %arg10[%parallel_loop3A_330, %parallel_loop3A_331] {strides = array<i32>} : memref<64x256xf32, #tpu.memory_space<vmem>>, vector<1x16xf32>,
      %parallel_loop3A_333 = vector.shape_cast %parallel_loop3A_332 : vector<1x16xf32> to vector<16xf32>
      %parallel_loop3A_334 = arith.index_cast %parallel_loop3A_196 : i32 to index
      %parallel_loop3A_335 = arith.constant 192 : index
      %parallel_loop3A_336 = tpu.vector_load %arg7[%parallel_loop3A_334, %parallel_loop3A_335] {strides = array<i32>} : memref<64x256xf32, #tpu.memory_space<vmem>>, vector<1x16xf32>,
      %parallel_loop3A_337 = vector.shape_cast %parallel_loop3A_336 : vector<1x16xf32> to vector<16xf32>
      %parallel_loop3A_338 = arith.subf %parallel_loop3A_333, %parallel_loop3A_337 : vector<16xf32>
      %parallel_loop3A_339 = arith.mulf %parallel_loop3A_338, %parallel_loop3A_338 : vector<16xf32>
      %parallel_loop3A_340 = arith.addf %parallel_loop3A_329, %parallel_loop3A_339 : vector<16xf32>
      %parallel_loop3A_341 = arith.index_cast %parallel_loop3A_196 : i32 to index
      %parallel_loop3A_342 = arith.constant 208 : index
      %parallel_loop3A_343 = tpu.vector_load %arg10[%parallel_loop3A_341, %parallel_loop3A_342] {strides = array<i32>} : memref<64x256xf32, #tpu.memory_space<vmem>>, vector<1x16xf32>,
      %parallel_loop3A_344 = vector.shape_cast %parallel_loop3A_343 : vector<1x16xf32> to vector<16xf32>
      %parallel_loop3A_345 = arith.index_cast %parallel_loop3A_196 : i32 to index
      %parallel_loop3A_346 = arith.constant 208 : index
      %parallel_loop3A_347 = tpu.vector_load %arg7[%parallel_loop3A_345, %parallel_loop3A_346] {strides = array<i32>} : memref<64x256xf32, #tpu.memory_space<vmem>>, vector<1x16xf32>,
      %parallel_loop3A_348 = vector.shape_cast %parallel_loop3A_347 : vector<1x16xf32> to vector<16xf32>
      %parallel_loop3A_349 = arith.subf %parallel_loop3A_344, %parallel_loop3A_348 : vector<16xf32>
      %parallel_loop3A_350 = arith.mulf %parallel_loop3A_349, %parallel_loop3A_349 : vector<16xf32>
      %parallel_loop3A_351 = arith.addf %parallel_loop3A_340, %parallel_loop3A_350 : vector<16xf32>
      %parallel_loop3A_352 = arith.index_cast %parallel_loop3A_196 : i32 to index
      %parallel_loop3A_353 = arith.constant 224 : index
      %parallel_loop3A_354 = tpu.vector_load %arg10[%parallel_loop3A_352, %parallel_loop3A_353] {strides = array<i32>} : memref<64x256xf32, #tpu.memory_space<vmem>>, vector<1x16xf32>,
      %parallel_loop3A_355 = vector.shape_cast %parallel_loop3A_354 : vector<1x16xf32> to vector<16xf32>
      %parallel_loop3A_356 = arith.index_cast %parallel_loop3A_196 : i32 to index
      %parallel_loop3A_357 = arith.constant 224 : index
      %parallel_loop3A_358 = tpu.vector_load %arg7[%parallel_loop3A_356, %parallel_loop3A_357] {strides = array<i32>} : memref<64x256xf32, #tpu.memory_space<vmem>>, vector<1x16xf32>,
      %parallel_loop3A_359 = vector.shape_cast %parallel_loop3A_358 : vector<1x16xf32> to vector<16xf32>
      %parallel_loop3A_360 = arith.subf %parallel_loop3A_355, %parallel_loop3A_359 : vector<16xf32>
      %parallel_loop3A_361 = arith.mulf %parallel_loop3A_360, %parallel_loop3A_360 : vector<16xf32>
      %parallel_loop3A_362 = arith.addf %parallel_loop3A_351, %parallel_loop3A_361 : vector<16xf32>
      %parallel_loop3A_363 = arith.index_cast %parallel_loop3A_196 : i32 to index
      %parallel_loop3A_364 = arith.constant 240 : index
      %parallel_loop3A_365 = tpu.vector_load %arg10[%parallel_loop3A_363, %parallel_loop3A_364] {strides = array<i32>} : memref<64x256xf32, #tpu.memory_space<vmem>>, vector<1x16xf32>,
      %parallel_loop3A_366 = vector.shape_cast %parallel_loop3A_365 : vector<1x16xf32> to vector<16xf32>
      %parallel_loop3A_367 = arith.index_cast %parallel_loop3A_196 : i32 to index
      %parallel_loop3A_368 = arith.constant 240 : index
      %parallel_loop3A_369 = tpu.vector_load %arg7[%parallel_loop3A_367, %parallel_loop3A_368] {strides = array<i32>} : memref<64x256xf32, #tpu.memory_space<vmem>>, vector<1x16xf32>,
      %parallel_loop3A_370 = vector.shape_cast %parallel_loop3A_369 : vector<1x16xf32> to vector<16xf32>
      %parallel_loop3A_371 = arith.subf %parallel_loop3A_366, %parallel_loop3A_370 : vector<16xf32>
      %parallel_loop3A_372 = arith.mulf %parallel_loop3A_371, %parallel_loop3A_371 : vector<16xf32>
      %parallel_loop3A_373 = arith.addf %parallel_loop3A_362, %parallel_loop3A_372 : vector<16xf32>
      scf.yield %parallel_loop3A_373 : vector<16xf32>
    } {sc.loop_unroll_factor = 2 : i64, sc.parallel_access}
    %dma_start3A_119 = arith.constant 384 : i32
    %dma_start3A_120 = tpu.memref_slice %arg6[%dma_start3A_119] : memref<512xi32, #tpu.memory_space<vmem>> -> memref<64xi32, #tpu.memory_space<vmem>>
    %dma_start3A_121 = arith.constant 0 : i32
    %dma_start3A_122 = arith.constant 0 : i32
    %dma_start3A_123 = tpu.memref_slice %arg4[%dma_start3A_121, %dma_start3A_122] : memref<8192x256xf32, #tpu.memory_space<hbm>> -> memref<8192x256xf32, #tpu.memory_space<hbm>>
    tpu.enqueue_indirect_dma source(%dma_start3A_123 : memref<8192x256xf32, #tpu.memory_space<hbm>>) target(%arg7 : memref<64x256xf32, #tpu.memory_space<vmem>>) offsets(%dma_start3A_120 : memref<64xi32, #tpu.memory_space<vmem>>) semaphore(%arg14 : memref<!tpu.dma_semaphore, #tpu.memory_space<semaphore_mem>>)
    %add3A_124 = arith.constant 384 : i32
    %add3A_125 = arith.addi %mul3A_2, %add3A_124 : i32
    %dma_start3A_126 = arith.constant 0 : i32
    %dma_start3A_127 = tpu.memref_slice %arg2[%add3A_125, %dma_start3A_126] : memref<16384x256xf32, #tpu.memory_space<hbm>> -> memref<64x256xf32, #tpu.memory_space<hbm>>
    %dma_start3A_128 = arith.constant 0 : i32
    %dma_start3A_129 = tpu.memref_slice %arg2[%add3A_125, %dma_start3A_128] : memref<16384x256xf32, #tpu.memory_space<hbm>> -> memref<64x256xf32, #tpu.memory_space<hbm>>
    tpu.enqueue_dma source(%dma_start3A_129 : memref<64x256xf32, #tpu.memory_space<hbm>>) target(%arg10 : memref<64x256xf32, #tpu.memory_space<vmem>>) target_semaphore(%arg14 : memref<!tpu.dma_semaphore, #tpu.memory_space<semaphore_mem>>)
    %dma_wait3A_130 = arith.constant 256 : i32
    %dma_wait3A_131 = tpu.memref_slice %arg6[%dma_wait3A_130] : memref<512xi32, #tpu.memory_space<vmem>> -> memref<64xi32, #tpu.memory_space<vmem>>
    %dma_wait3A_132 = arith.constant 0 : i32
    %dma_wait3A_133 = arith.constant 0 : i32
    %dma_wait3A_134 = tpu.memref_slice %arg4[%dma_wait3A_132, %dma_wait3A_133] : memref<8192x256xf32, #tpu.memory_space<hbm>> -> memref<8192x256xf32, #tpu.memory_space<hbm>>
    tpu.wait_indirect_dma semaphore(%arg15 : memref<!tpu.dma_semaphore, #tpu.memory_space<semaphore_mem>>) src(%dma_wait3A_134 : memref<8192x256xf32, #tpu.memory_space<hbm>>) dst(%arg8 : memref<64x256xf32, #tpu.memory_space<vmem>>)
    %dma_wait3A_135 = arith.constant 0 : i32
    %dma_wait3A_136 = tpu.memref_slice %arg2[%add3A_77, %dma_wait3A_135] : memref<16384x256xf32, #tpu.memory_space<hbm>> -> memref<64x256xf32, #tpu.memory_space<hbm>>
    %dma_wait3A_137 = arith.constant 0 : i32
    %dma_wait3A_138 = tpu.memref_slice %arg2[%add3A_77, %dma_wait3A_137] : memref<16384x256xf32, #tpu.memory_space<hbm>> -> memref<64x256xf32, #tpu.memory_space<hbm>>
    tpu.wait_dma2 semaphore(%arg15 : memref<!tpu.dma_semaphore, #tpu.memory_space<semaphore_mem>>) src(%dma_wait3A_138 : memref<64x256xf32, #tpu.memory_space<hbm>>) dst(%arg11 : memref<64x256xf32, #tpu.memory_space<vmem>>)
    %parallel_loop3A_139 = arith.constant 0 : i32
    %parallel_loop3A_140 = arith.constant 64 : i32
    %parallel_loop3A_141 = arith.constant 1 : i32
    %parallel_loop3A_142 = scf.for %parallel_loop3A_196 = %parallel_loop3A_139 to %parallel_loop3A_140 step %parallel_loop3A_141 iter_args(%parallel_loop3A_197 = %parallel_loop3A_118) -> (vector<16xf32>)  : i32 {
      %parallel_loop3A_198 = arith.index_cast %parallel_loop3A_196 : i32 to index
      %parallel_loop3A_199 = arith.constant 0 : index
      %parallel_loop3A_200 = tpu.vector_load %arg11[%parallel_loop3A_198, %parallel_loop3A_199] {strides = array<i32>} : memref<64x256xf32, #tpu.memory_space<vmem>>, vector<1x16xf32>,
      %parallel_loop3A_201 = vector.shape_cast %parallel_loop3A_200 : vector<1x16xf32> to vector<16xf32>
      %parallel_loop3A_202 = arith.index_cast %parallel_loop3A_196 : i32 to index
      %parallel_loop3A_203 = arith.constant 0 : index
      %parallel_loop3A_204 = tpu.vector_load %arg8[%parallel_loop3A_202, %parallel_loop3A_203] {strides = array<i32>} : memref<64x256xf32, #tpu.memory_space<vmem>>, vector<1x16xf32>,
      %parallel_loop3A_205 = vector.shape_cast %parallel_loop3A_204 : vector<1x16xf32> to vector<16xf32>
      %parallel_loop3A_206 = arith.subf %parallel_loop3A_201, %parallel_loop3A_205 : vector<16xf32>
      %parallel_loop3A_207 = arith.mulf %parallel_loop3A_206, %parallel_loop3A_206 : vector<16xf32>
      %parallel_loop3A_208 = arith.addf %parallel_loop3A_197, %parallel_loop3A_207 : vector<16xf32>
      %parallel_loop3A_209 = arith.index_cast %parallel_loop3A_196 : i32 to index
      %parallel_loop3A_210 = arith.constant 16 : index
      %parallel_loop3A_211 = tpu.vector_load %arg11[%parallel_loop3A_209, %parallel_loop3A_210] {strides = array<i32>} : memref<64x256xf32, #tpu.memory_space<vmem>>, vector<1x16xf32>,
      %parallel_loop3A_212 = vector.shape_cast %parallel_loop3A_211 : vector<1x16xf32> to vector<16xf32>
      %parallel_loop3A_213 = arith.index_cast %parallel_loop3A_196 : i32 to index
      %parallel_loop3A_214 = arith.constant 16 : index
      %parallel_loop3A_215 = tpu.vector_load %arg8[%parallel_loop3A_213, %parallel_loop3A_214] {strides = array<i32>} : memref<64x256xf32, #tpu.memory_space<vmem>>, vector<1x16xf32>,
      %parallel_loop3A_216 = vector.shape_cast %parallel_loop3A_215 : vector<1x16xf32> to vector<16xf32>
      %parallel_loop3A_217 = arith.subf %parallel_loop3A_212, %parallel_loop3A_216 : vector<16xf32>
      %parallel_loop3A_218 = arith.mulf %parallel_loop3A_217, %parallel_loop3A_217 : vector<16xf32>
      %parallel_loop3A_219 = arith.addf %parallel_loop3A_208, %parallel_loop3A_218 : vector<16xf32>
      %parallel_loop3A_220 = arith.index_cast %parallel_loop3A_196 : i32 to index
      %parallel_loop3A_221 = arith.constant 32 : index
      %parallel_loop3A_222 = tpu.vector_load %arg11[%parallel_loop3A_220, %parallel_loop3A_221] {strides = array<i32>} : memref<64x256xf32, #tpu.memory_space<vmem>>, vector<1x16xf32>,
      %parallel_loop3A_223 = vector.shape_cast %parallel_loop3A_222 : vector<1x16xf32> to vector<16xf32>
      %parallel_loop3A_224 = arith.index_cast %parallel_loop3A_196 : i32 to index
      %parallel_loop3A_225 = arith.constant 32 : index
      %parallel_loop3A_226 = tpu.vector_load %arg8[%parallel_loop3A_224, %parallel_loop3A_225] {strides = array<i32>} : memref<64x256xf32, #tpu.memory_space<vmem>>, vector<1x16xf32>,
      %parallel_loop3A_227 = vector.shape_cast %parallel_loop3A_226 : vector<1x16xf32> to vector<16xf32>
      %parallel_loop3A_228 = arith.subf %parallel_loop3A_223, %parallel_loop3A_227 : vector<16xf32>
      %parallel_loop3A_229 = arith.mulf %parallel_loop3A_228, %parallel_loop3A_228 : vector<16xf32>
      %parallel_loop3A_230 = arith.addf %parallel_loop3A_219, %parallel_loop3A_229 : vector<16xf32>
      %parallel_loop3A_231 = arith.index_cast %parallel_loop3A_196 : i32 to index
      %parallel_loop3A_232 = arith.constant 48 : index
      %parallel_loop3A_233 = tpu.vector_load %arg11[%parallel_loop3A_231, %parallel_loop3A_232] {strides = array<i32>} : memref<64x256xf32, #tpu.memory_space<vmem>>, vector<1x16xf32>,
      %parallel_loop3A_234 = vector.shape_cast %parallel_loop3A_233 : vector<1x16xf32> to vector<16xf32>
      %parallel_loop3A_235 = arith.index_cast %parallel_loop3A_196 : i32 to index
      %parallel_loop3A_236 = arith.constant 48 : index
      %parallel_loop3A_237 = tpu.vector_load %arg8[%parallel_loop3A_235, %parallel_loop3A_236] {strides = array<i32>} : memref<64x256xf32, #tpu.memory_space<vmem>>, vector<1x16xf32>,
      %parallel_loop3A_238 = vector.shape_cast %parallel_loop3A_237 : vector<1x16xf32> to vector<16xf32>
      %parallel_loop3A_239 = arith.subf %parallel_loop3A_234, %parallel_loop3A_238 : vector<16xf32>
      %parallel_loop3A_240 = arith.mulf %parallel_loop3A_239, %parallel_loop3A_239 : vector<16xf32>
      %parallel_loop3A_241 = arith.addf %parallel_loop3A_230, %parallel_loop3A_240 : vector<16xf32>
      %parallel_loop3A_242 = arith.index_cast %parallel_loop3A_196 : i32 to index
      %parallel_loop3A_243 = arith.constant 64 : index
      %parallel_loop3A_244 = tpu.vector_load %arg11[%parallel_loop3A_242, %parallel_loop3A_243] {strides = array<i32>} : memref<64x256xf32, #tpu.memory_space<vmem>>, vector<1x16xf32>,
      %parallel_loop3A_245 = vector.shape_cast %parallel_loop3A_244 : vector<1x16xf32> to vector<16xf32>
      %parallel_loop3A_246 = arith.index_cast %parallel_loop3A_196 : i32 to index
      %parallel_loop3A_247 = arith.constant 64 : index
      %parallel_loop3A_248 = tpu.vector_load %arg8[%parallel_loop3A_246, %parallel_loop3A_247] {strides = array<i32>} : memref<64x256xf32, #tpu.memory_space<vmem>>, vector<1x16xf32>,
      %parallel_loop3A_249 = vector.shape_cast %parallel_loop3A_248 : vector<1x16xf32> to vector<16xf32>
      %parallel_loop3A_250 = arith.subf %parallel_loop3A_245, %parallel_loop3A_249 : vector<16xf32>
      %parallel_loop3A_251 = arith.mulf %parallel_loop3A_250, %parallel_loop3A_250 : vector<16xf32>
      %parallel_loop3A_252 = arith.addf %parallel_loop3A_241, %parallel_loop3A_251 : vector<16xf32>
      %parallel_loop3A_253 = arith.index_cast %parallel_loop3A_196 : i32 to index
      %parallel_loop3A_254 = arith.constant 80 : index
      %parallel_loop3A_255 = tpu.vector_load %arg11[%parallel_loop3A_253, %parallel_loop3A_254] {strides = array<i32>} : memref<64x256xf32, #tpu.memory_space<vmem>>, vector<1x16xf32>,
      %parallel_loop3A_256 = vector.shape_cast %parallel_loop3A_255 : vector<1x16xf32> to vector<16xf32>
      %parallel_loop3A_257 = arith.index_cast %parallel_loop3A_196 : i32 to index
      %parallel_loop3A_258 = arith.constant 80 : index
      %parallel_loop3A_259 = tpu.vector_load %arg8[%parallel_loop3A_257, %parallel_loop3A_258] {strides = array<i32>} : memref<64x256xf32, #tpu.memory_space<vmem>>, vector<1x16xf32>,
      %parallel_loop3A_260 = vector.shape_cast %parallel_loop3A_259 : vector<1x16xf32> to vector<16xf32>
      %parallel_loop3A_261 = arith.subf %parallel_loop3A_256, %parallel_loop3A_260 : vector<16xf32>
      %parallel_loop3A_262 = arith.mulf %parallel_loop3A_261, %parallel_loop3A_261 : vector<16xf32>
      %parallel_loop3A_263 = arith.addf %parallel_loop3A_252, %parallel_loop3A_262 : vector<16xf32>
      %parallel_loop3A_264 = arith.index_cast %parallel_loop3A_196 : i32 to index
      %parallel_loop3A_265 = arith.constant 96 : index
      %parallel_loop3A_266 = tpu.vector_load %arg11[%parallel_loop3A_264, %parallel_loop3A_265] {strides = array<i32>} : memref<64x256xf32, #tpu.memory_space<vmem>>, vector<1x16xf32>,
      %parallel_loop3A_267 = vector.shape_cast %parallel_loop3A_266 : vector<1x16xf32> to vector<16xf32>
      %parallel_loop3A_268 = arith.index_cast %parallel_loop3A_196 : i32 to index
      %parallel_loop3A_269 = arith.constant 96 : index
      %parallel_loop3A_270 = tpu.vector_load %arg8[%parallel_loop3A_268, %parallel_loop3A_269] {strides = array<i32>} : memref<64x256xf32, #tpu.memory_space<vmem>>, vector<1x16xf32>,
      %parallel_loop3A_271 = vector.shape_cast %parallel_loop3A_270 : vector<1x16xf32> to vector<16xf32>
      %parallel_loop3A_272 = arith.subf %parallel_loop3A_267, %parallel_loop3A_271 : vector<16xf32>
      %parallel_loop3A_273 = arith.mulf %parallel_loop3A_272, %parallel_loop3A_272 : vector<16xf32>
      %parallel_loop3A_274 = arith.addf %parallel_loop3A_263, %parallel_loop3A_273 : vector<16xf32>
      %parallel_loop3A_275 = arith.index_cast %parallel_loop3A_196 : i32 to index
      %parallel_loop3A_276 = arith.constant 112 : index
      %parallel_loop3A_277 = tpu.vector_load %arg11[%parallel_loop3A_275, %parallel_loop3A_276] {strides = array<i32>} : memref<64x256xf32, #tpu.memory_space<vmem>>, vector<1x16xf32>,
      %parallel_loop3A_278 = vector.shape_cast %parallel_loop3A_277 : vector<1x16xf32> to vector<16xf32>
      %parallel_loop3A_279 = arith.index_cast %parallel_loop3A_196 : i32 to index
      %parallel_loop3A_280 = arith.constant 112 : index
      %parallel_loop3A_281 = tpu.vector_load %arg8[%parallel_loop3A_279, %parallel_loop3A_280] {strides = array<i32>} : memref<64x256xf32, #tpu.memory_space<vmem>>, vector<1x16xf32>,
      %parallel_loop3A_282 = vector.shape_cast %parallel_loop3A_281 : vector<1x16xf32> to vector<16xf32>
      %parallel_loop3A_283 = arith.subf %parallel_loop3A_278, %parallel_loop3A_282 : vector<16xf32>
      %parallel_loop3A_284 = arith.mulf %parallel_loop3A_283, %parallel_loop3A_283 : vector<16xf32>
      %parallel_loop3A_285 = arith.addf %parallel_loop3A_274, %parallel_loop3A_284 : vector<16xf32>
      %parallel_loop3A_286 = arith.index_cast %parallel_loop3A_196 : i32 to index
      %parallel_loop3A_287 = arith.constant 128 : index
      %parallel_loop3A_288 = tpu.vector_load %arg11[%parallel_loop3A_286, %parallel_loop3A_287] {strides = array<i32>} : memref<64x256xf32, #tpu.memory_space<vmem>>, vector<1x16xf32>,
      %parallel_loop3A_289 = vector.shape_cast %parallel_loop3A_288 : vector<1x16xf32> to vector<16xf32>
      %parallel_loop3A_290 = arith.index_cast %parallel_loop3A_196 : i32 to index
      %parallel_loop3A_291 = arith.constant 128 : index
      %parallel_loop3A_292 = tpu.vector_load %arg8[%parallel_loop3A_290, %parallel_loop3A_291] {strides = array<i32>} : memref<64x256xf32, #tpu.memory_space<vmem>>, vector<1x16xf32>,
      %parallel_loop3A_293 = vector.shape_cast %parallel_loop3A_292 : vector<1x16xf32> to vector<16xf32>
      %parallel_loop3A_294 = arith.subf %parallel_loop3A_289, %parallel_loop3A_293 : vector<16xf32>
      %parallel_loop3A_295 = arith.mulf %parallel_loop3A_294, %parallel_loop3A_294 : vector<16xf32>
      %parallel_loop3A_296 = arith.addf %parallel_loop3A_285, %parallel_loop3A_295 : vector<16xf32>
      %parallel_loop3A_297 = arith.index_cast %parallel_loop3A_196 : i32 to index
      %parallel_loop3A_298 = arith.constant 144 : index
      %parallel_loop3A_299 = tpu.vector_load %arg11[%parallel_loop3A_297, %parallel_loop3A_298] {strides = array<i32>} : memref<64x256xf32, #tpu.memory_space<vmem>>, vector<1x16xf32>,
      %parallel_loop3A_300 = vector.shape_cast %parallel_loop3A_299 : vector<1x16xf32> to vector<16xf32>
      %parallel_loop3A_301 = arith.index_cast %parallel_loop3A_196 : i32 to index
      %parallel_loop3A_302 = arith.constant 144 : index
      %parallel_loop3A_303 = tpu.vector_load %arg8[%parallel_loop3A_301, %parallel_loop3A_302] {strides = array<i32>} : memref<64x256xf32, #tpu.memory_space<vmem>>, vector<1x16xf32>,
      %parallel_loop3A_304 = vector.shape_cast %parallel_loop3A_303 : vector<1x16xf32> to vector<16xf32>
      %parallel_loop3A_305 = arith.subf %parallel_loop3A_300, %parallel_loop3A_304 : vector<16xf32>
      %parallel_loop3A_306 = arith.mulf %parallel_loop3A_305, %parallel_loop3A_305 : vector<16xf32>
      %parallel_loop3A_307 = arith.addf %parallel_loop3A_296, %parallel_loop3A_306 : vector<16xf32>
      %parallel_loop3A_308 = arith.index_cast %parallel_loop3A_196 : i32 to index
      %parallel_loop3A_309 = arith.constant 160 : index
      %parallel_loop3A_310 = tpu.vector_load %arg11[%parallel_loop3A_308, %parallel_loop3A_309] {strides = array<i32>} : memref<64x256xf32, #tpu.memory_space<vmem>>, vector<1x16xf32>,
      %parallel_loop3A_311 = vector.shape_cast %parallel_loop3A_310 : vector<1x16xf32> to vector<16xf32>
      %parallel_loop3A_312 = arith.index_cast %parallel_loop3A_196 : i32 to index
      %parallel_loop3A_313 = arith.constant 160 : index
      %parallel_loop3A_314 = tpu.vector_load %arg8[%parallel_loop3A_312, %parallel_loop3A_313] {strides = array<i32>} : memref<64x256xf32, #tpu.memory_space<vmem>>, vector<1x16xf32>,
      %parallel_loop3A_315 = vector.shape_cast %parallel_loop3A_314 : vector<1x16xf32> to vector<16xf32>
      %parallel_loop3A_316 = arith.subf %parallel_loop3A_311, %parallel_loop3A_315 : vector<16xf32>
      %parallel_loop3A_317 = arith.mulf %parallel_loop3A_316, %parallel_loop3A_316 : vector<16xf32>
      %parallel_loop3A_318 = arith.addf %parallel_loop3A_307, %parallel_loop3A_317 : vector<16xf32>
      %parallel_loop3A_319 = arith.index_cast %parallel_loop3A_196 : i32 to index
      %parallel_loop3A_320 = arith.constant 176 : index
      %parallel_loop3A_321 = tpu.vector_load %arg11[%parallel_loop3A_319, %parallel_loop3A_320] {strides = array<i32>} : memref<64x256xf32, #tpu.memory_space<vmem>>, vector<1x16xf32>,
      %parallel_loop3A_322 = vector.shape_cast %parallel_loop3A_321 : vector<1x16xf32> to vector<16xf32>
      %parallel_loop3A_323 = arith.index_cast %parallel_loop3A_196 : i32 to index
      %parallel_loop3A_324 = arith.constant 176 : index
      %parallel_loop3A_325 = tpu.vector_load %arg8[%parallel_loop3A_323, %parallel_loop3A_324] {strides = array<i32>} : memref<64x256xf32, #tpu.memory_space<vmem>>, vector<1x16xf32>,
      %parallel_loop3A_326 = vector.shape_cast %parallel_loop3A_325 : vector<1x16xf32> to vector<16xf32>
      %parallel_loop3A_327 = arith.subf %parallel_loop3A_322, %parallel_loop3A_326 : vector<16xf32>
      %parallel_loop3A_328 = arith.mulf %parallel_loop3A_327, %parallel_loop3A_327 : vector<16xf32>
      %parallel_loop3A_329 = arith.addf %parallel_loop3A_318, %parallel_loop3A_328 : vector<16xf32>
      %parallel_loop3A_330 = arith.index_cast %parallel_loop3A_196 : i32 to index
      %parallel_loop3A_331 = arith.constant 192 : index
      %parallel_loop3A_332 = tpu.vector_load %arg11[%parallel_loop3A_330, %parallel_loop3A_331] {strides = array<i32>} : memref<64x256xf32, #tpu.memory_space<vmem>>, vector<1x16xf32>,
      %parallel_loop3A_333 = vector.shape_cast %parallel_loop3A_332 : vector<1x16xf32> to vector<16xf32>
      %parallel_loop3A_334 = arith.index_cast %parallel_loop3A_196 : i32 to index
      %parallel_loop3A_335 = arith.constant 192 : index
      %parallel_loop3A_336 = tpu.vector_load %arg8[%parallel_loop3A_334, %parallel_loop3A_335] {strides = array<i32>} : memref<64x256xf32, #tpu.memory_space<vmem>>, vector<1x16xf32>,
      %parallel_loop3A_337 = vector.shape_cast %parallel_loop3A_336 : vector<1x16xf32> to vector<16xf32>
      %parallel_loop3A_338 = arith.subf %parallel_loop3A_333, %parallel_loop3A_337 : vector<16xf32>
      %parallel_loop3A_339 = arith.mulf %parallel_loop3A_338, %parallel_loop3A_338 : vector<16xf32>
      %parallel_loop3A_340 = arith.addf %parallel_loop3A_329, %parallel_loop3A_339 : vector<16xf32>
      %parallel_loop3A_341 = arith.index_cast %parallel_loop3A_196 : i32 to index
      %parallel_loop3A_342 = arith.constant 208 : index
      %parallel_loop3A_343 = tpu.vector_load %arg11[%parallel_loop3A_341, %parallel_loop3A_342] {strides = array<i32>} : memref<64x256xf32, #tpu.memory_space<vmem>>, vector<1x16xf32>,
      %parallel_loop3A_344 = vector.shape_cast %parallel_loop3A_343 : vector<1x16xf32> to vector<16xf32>
      %parallel_loop3A_345 = arith.index_cast %parallel_loop3A_196 : i32 to index
      %parallel_loop3A_346 = arith.constant 208 : index
      %parallel_loop3A_347 = tpu.vector_load %arg8[%parallel_loop3A_345, %parallel_loop3A_346] {strides = array<i32>} : memref<64x256xf32, #tpu.memory_space<vmem>>, vector<1x16xf32>,
      %parallel_loop3A_348 = vector.shape_cast %parallel_loop3A_347 : vector<1x16xf32> to vector<16xf32>
      %parallel_loop3A_349 = arith.subf %parallel_loop3A_344, %parallel_loop3A_348 : vector<16xf32>
      %parallel_loop3A_350 = arith.mulf %parallel_loop3A_349, %parallel_loop3A_349 : vector<16xf32>
      %parallel_loop3A_351 = arith.addf %parallel_loop3A_340, %parallel_loop3A_350 : vector<16xf32>
      %parallel_loop3A_352 = arith.index_cast %parallel_loop3A_196 : i32 to index
      %parallel_loop3A_353 = arith.constant 224 : index
      %parallel_loop3A_354 = tpu.vector_load %arg11[%parallel_loop3A_352, %parallel_loop3A_353] {strides = array<i32>} : memref<64x256xf32, #tpu.memory_space<vmem>>, vector<1x16xf32>,
      %parallel_loop3A_355 = vector.shape_cast %parallel_loop3A_354 : vector<1x16xf32> to vector<16xf32>
      %parallel_loop3A_356 = arith.index_cast %parallel_loop3A_196 : i32 to index
      %parallel_loop3A_357 = arith.constant 224 : index
      %parallel_loop3A_358 = tpu.vector_load %arg8[%parallel_loop3A_356, %parallel_loop3A_357] {strides = array<i32>} : memref<64x256xf32, #tpu.memory_space<vmem>>, vector<1x16xf32>,
      %parallel_loop3A_359 = vector.shape_cast %parallel_loop3A_358 : vector<1x16xf32> to vector<16xf32>
      %parallel_loop3A_360 = arith.subf %parallel_loop3A_355, %parallel_loop3A_359 : vector<16xf32>
      %parallel_loop3A_361 = arith.mulf %parallel_loop3A_360, %parallel_loop3A_360 : vector<16xf32>
      %parallel_loop3A_362 = arith.addf %parallel_loop3A_351, %parallel_loop3A_361 : vector<16xf32>
      %parallel_loop3A_363 = arith.index_cast %parallel_loop3A_196 : i32 to index
      %parallel_loop3A_364 = arith.constant 240 : index
      %parallel_loop3A_365 = tpu.vector_load %arg11[%parallel_loop3A_363, %parallel_loop3A_364] {strides = array<i32>} : memref<64x256xf32, #tpu.memory_space<vmem>>, vector<1x16xf32>,
      %parallel_loop3A_366 = vector.shape_cast %parallel_loop3A_365 : vector<1x16xf32> to vector<16xf32>
      %parallel_loop3A_367 = arith.index_cast %parallel_loop3A_196 : i32 to index
      %parallel_loop3A_368 = arith.constant 240 : index
      %parallel_loop3A_369 = tpu.vector_load %arg8[%parallel_loop3A_367, %parallel_loop3A_368] {strides = array<i32>} : memref<64x256xf32, #tpu.memory_space<vmem>>, vector<1x16xf32>,
      %parallel_loop3A_370 = vector.shape_cast %parallel_loop3A_369 : vector<1x16xf32> to vector<16xf32>
      %parallel_loop3A_371 = arith.subf %parallel_loop3A_366, %parallel_loop3A_370 : vector<16xf32>
      %parallel_loop3A_372 = arith.mulf %parallel_loop3A_371, %parallel_loop3A_371 : vector<16xf32>
      %parallel_loop3A_373 = arith.addf %parallel_loop3A_362, %parallel_loop3A_372 : vector<16xf32>
      scf.yield %parallel_loop3A_373 : vector<16xf32>
    } {sc.loop_unroll_factor = 2 : i64, sc.parallel_access}
    %dma_start3A_143 = arith.constant 448 : i32
    %dma_start3A_144 = tpu.memref_slice %arg6[%dma_start3A_143] : memref<512xi32, #tpu.memory_space<vmem>> -> memref<64xi32, #tpu.memory_space<vmem>>
    %dma_start3A_145 = arith.constant 0 : i32
    %dma_start3A_146 = arith.constant 0 : i32
    %dma_start3A_147 = tpu.memref_slice %arg4[%dma_start3A_145, %dma_start3A_146] : memref<8192x256xf32, #tpu.memory_space<hbm>> -> memref<8192x256xf32, #tpu.memory_space<hbm>>
    tpu.enqueue_indirect_dma source(%dma_start3A_147 : memref<8192x256xf32, #tpu.memory_space<hbm>>) target(%arg8 : memref<64x256xf32, #tpu.memory_space<vmem>>) offsets(%dma_start3A_144 : memref<64xi32, #tpu.memory_space<vmem>>) semaphore(%arg15 : memref<!tpu.dma_semaphore, #tpu.memory_space<semaphore_mem>>)
    %add3A_148 = arith.constant 448 : i32
    %add3A_149 = arith.addi %mul3A_2, %add3A_148 : i32
    %dma_start3A_150 = arith.constant 0 : i32
    %dma_start3A_151 = tpu.memref_slice %arg2[%add3A_149, %dma_start3A_150] : memref<16384x256xf32, #tpu.memory_space<hbm>> -> memref<64x256xf32, #tpu.memory_space<hbm>>
    %dma_start3A_152 = arith.constant 0 : i32
    %dma_start3A_153 = tpu.memref_slice %arg2[%add3A_149, %dma_start3A_152] : memref<16384x256xf32, #tpu.memory_space<hbm>> -> memref<64x256xf32, #tpu.memory_space<hbm>>
    tpu.enqueue_dma source(%dma_start3A_153 : memref<64x256xf32, #tpu.memory_space<hbm>>) target(%arg11 : memref<64x256xf32, #tpu.memory_space<vmem>>) target_semaphore(%arg15 : memref<!tpu.dma_semaphore, #tpu.memory_space<semaphore_mem>>)
    %dma_wait3A_154 = arith.constant 320 : i32
    %dma_wait3A_155 = tpu.memref_slice %arg6[%dma_wait3A_154] : memref<512xi32, #tpu.memory_space<vmem>> -> memref<64xi32, #tpu.memory_space<vmem>>
    %dma_wait3A_156 = arith.constant 0 : i32
    %dma_wait3A_157 = arith.constant 0 : i32
    %dma_wait3A_158 = tpu.memref_slice %arg4[%dma_wait3A_156, %dma_wait3A_157] : memref<8192x256xf32, #tpu.memory_space<hbm>> -> memref<8192x256xf32, #tpu.memory_space<hbm>>
    tpu.wait_indirect_dma semaphore(%arg16 : memref<!tpu.dma_semaphore, #tpu.memory_space<semaphore_mem>>) src(%dma_wait3A_158 : memref<8192x256xf32, #tpu.memory_space<hbm>>) dst(%arg9 : memref<64x256xf32, #tpu.memory_space<vmem>>)
    %dma_wait3A_159 = arith.constant 0 : i32
    %dma_wait3A_160 = tpu.memref_slice %arg2[%add3A_101, %dma_wait3A_159] : memref<16384x256xf32, #tpu.memory_space<hbm>> -> memref<64x256xf32, #tpu.memory_space<hbm>>
    %dma_wait3A_161 = arith.constant 0 : i32
    %dma_wait3A_162 = tpu.memref_slice %arg2[%add3A_101, %dma_wait3A_161] : memref<16384x256xf32, #tpu.memory_space<hbm>> -> memref<64x256xf32, #tpu.memory_space<hbm>>
    tpu.wait_dma2 semaphore(%arg16 : memref<!tpu.dma_semaphore, #tpu.memory_space<semaphore_mem>>) src(%dma_wait3A_162 : memref<64x256xf32, #tpu.memory_space<hbm>>) dst(%arg12 : memref<64x256xf32, #tpu.memory_space<vmem>>)
    %parallel_loop3A_163 = arith.constant 0 : i32
    %parallel_loop3A_164 = arith.constant 64 : i32
    %parallel_loop3A_165 = arith.constant 1 : i32
    %parallel_loop3A_166 = scf.for %parallel_loop3A_196 = %parallel_loop3A_163 to %parallel_loop3A_164 step %parallel_loop3A_165 iter_args(%parallel_loop3A_197 = %parallel_loop3A_142) -> (vector<16xf32>)  : i32 {
      %parallel_loop3A_198 = arith.index_cast %parallel_loop3A_196 : i32 to index
      %parallel_loop3A_199 = arith.constant 0 : index
      %parallel_loop3A_200 = tpu.vector_load %arg12[%parallel_loop3A_198, %parallel_loop3A_199] {strides = array<i32>} : memref<64x256xf32, #tpu.memory_space<vmem>>, vector<1x16xf32>,
      %parallel_loop3A_201 = vector.shape_cast %parallel_loop3A_200 : vector<1x16xf32> to vector<16xf32>
      %parallel_loop3A_202 = arith.index_cast %parallel_loop3A_196 : i32 to index
      %parallel_loop3A_203 = arith.constant 0 : index
      %parallel_loop3A_204 = tpu.vector_load %arg9[%parallel_loop3A_202, %parallel_loop3A_203] {strides = array<i32>} : memref<64x256xf32, #tpu.memory_space<vmem>>, vector<1x16xf32>,
      %parallel_loop3A_205 = vector.shape_cast %parallel_loop3A_204 : vector<1x16xf32> to vector<16xf32>
      %parallel_loop3A_206 = arith.subf %parallel_loop3A_201, %parallel_loop3A_205 : vector<16xf32>
      %parallel_loop3A_207 = arith.mulf %parallel_loop3A_206, %parallel_loop3A_206 : vector<16xf32>
      %parallel_loop3A_208 = arith.addf %parallel_loop3A_197, %parallel_loop3A_207 : vector<16xf32>
      %parallel_loop3A_209 = arith.index_cast %parallel_loop3A_196 : i32 to index
      %parallel_loop3A_210 = arith.constant 16 : index
      %parallel_loop3A_211 = tpu.vector_load %arg12[%parallel_loop3A_209, %parallel_loop3A_210] {strides = array<i32>} : memref<64x256xf32, #tpu.memory_space<vmem>>, vector<1x16xf32>,
      %parallel_loop3A_212 = vector.shape_cast %parallel_loop3A_211 : vector<1x16xf32> to vector<16xf32>
      %parallel_loop3A_213 = arith.index_cast %parallel_loop3A_196 : i32 to index
      %parallel_loop3A_214 = arith.constant 16 : index
      %parallel_loop3A_215 = tpu.vector_load %arg9[%parallel_loop3A_213, %parallel_loop3A_214] {strides = array<i32>} : memref<64x256xf32, #tpu.memory_space<vmem>>, vector<1x16xf32>,
      %parallel_loop3A_216 = vector.shape_cast %parallel_loop3A_215 : vector<1x16xf32> to vector<16xf32>
      %parallel_loop3A_217 = arith.subf %parallel_loop3A_212, %parallel_loop3A_216 : vector<16xf32>
      %parallel_loop3A_218 = arith.mulf %parallel_loop3A_217, %parallel_loop3A_217 : vector<16xf32>
      %parallel_loop3A_219 = arith.addf %parallel_loop3A_208, %parallel_loop3A_218 : vector<16xf32>
      %parallel_loop3A_220 = arith.index_cast %parallel_loop3A_196 : i32 to index
      %parallel_loop3A_221 = arith.constant 32 : index
      %parallel_loop3A_222 = tpu.vector_load %arg12[%parallel_loop3A_220, %parallel_loop3A_221] {strides = array<i32>} : memref<64x256xf32, #tpu.memory_space<vmem>>, vector<1x16xf32>,
      %parallel_loop3A_223 = vector.shape_cast %parallel_loop3A_222 : vector<1x16xf32> to vector<16xf32>
      %parallel_loop3A_224 = arith.index_cast %parallel_loop3A_196 : i32 to index
      %parallel_loop3A_225 = arith.constant 32 : index
      %parallel_loop3A_226 = tpu.vector_load %arg9[%parallel_loop3A_224, %parallel_loop3A_225] {strides = array<i32>} : memref<64x256xf32, #tpu.memory_space<vmem>>, vector<1x16xf32>,
      %parallel_loop3A_227 = vector.shape_cast %parallel_loop3A_226 : vector<1x16xf32> to vector<16xf32>
      %parallel_loop3A_228 = arith.subf %parallel_loop3A_223, %parallel_loop3A_227 : vector<16xf32>
      %parallel_loop3A_229 = arith.mulf %parallel_loop3A_228, %parallel_loop3A_228 : vector<16xf32>
      %parallel_loop3A_230 = arith.addf %parallel_loop3A_219, %parallel_loop3A_229 : vector<16xf32>
      %parallel_loop3A_231 = arith.index_cast %parallel_loop3A_196 : i32 to index
      %parallel_loop3A_232 = arith.constant 48 : index
      %parallel_loop3A_233 = tpu.vector_load %arg12[%parallel_loop3A_231, %parallel_loop3A_232] {strides = array<i32>} : memref<64x256xf32, #tpu.memory_space<vmem>>, vector<1x16xf32>,
      %parallel_loop3A_234 = vector.shape_cast %parallel_loop3A_233 : vector<1x16xf32> to vector<16xf32>
      %parallel_loop3A_235 = arith.index_cast %parallel_loop3A_196 : i32 to index
      %parallel_loop3A_236 = arith.constant 48 : index
      %parallel_loop3A_237 = tpu.vector_load %arg9[%parallel_loop3A_235, %parallel_loop3A_236] {strides = array<i32>} : memref<64x256xf32, #tpu.memory_space<vmem>>, vector<1x16xf32>,
      %parallel_loop3A_238 = vector.shape_cast %parallel_loop3A_237 : vector<1x16xf32> to vector<16xf32>
      %parallel_loop3A_239 = arith.subf %parallel_loop3A_234, %parallel_loop3A_238 : vector<16xf32>
      %parallel_loop3A_240 = arith.mulf %parallel_loop3A_239, %parallel_loop3A_239 : vector<16xf32>
      %parallel_loop3A_241 = arith.addf %parallel_loop3A_230, %parallel_loop3A_240 : vector<16xf32>
      %parallel_loop3A_242 = arith.index_cast %parallel_loop3A_196 : i32 to index
      %parallel_loop3A_243 = arith.constant 64 : index
      %parallel_loop3A_244 = tpu.vector_load %arg12[%parallel_loop3A_242, %parallel_loop3A_243] {strides = array<i32>} : memref<64x256xf32, #tpu.memory_space<vmem>>, vector<1x16xf32>,
      %parallel_loop3A_245 = vector.shape_cast %parallel_loop3A_244 : vector<1x16xf32> to vector<16xf32>
      %parallel_loop3A_246 = arith.index_cast %parallel_loop3A_196 : i32 to index
      %parallel_loop3A_247 = arith.constant 64 : index
      %parallel_loop3A_248 = tpu.vector_load %arg9[%parallel_loop3A_246, %parallel_loop3A_247] {strides = array<i32>} : memref<64x256xf32, #tpu.memory_space<vmem>>, vector<1x16xf32>,
      %parallel_loop3A_249 = vector.shape_cast %parallel_loop3A_248 : vector<1x16xf32> to vector<16xf32>
      %parallel_loop3A_250 = arith.subf %parallel_loop3A_245, %parallel_loop3A_249 : vector<16xf32>
      %parallel_loop3A_251 = arith.mulf %parallel_loop3A_250, %parallel_loop3A_250 : vector<16xf32>
      %parallel_loop3A_252 = arith.addf %parallel_loop3A_241, %parallel_loop3A_251 : vector<16xf32>
      %parallel_loop3A_253 = arith.index_cast %parallel_loop3A_196 : i32 to index
      %parallel_loop3A_254 = arith.constant 80 : index
      %parallel_loop3A_255 = tpu.vector_load %arg12[%parallel_loop3A_253, %parallel_loop3A_254] {strides = array<i32>} : memref<64x256xf32, #tpu.memory_space<vmem>>, vector<1x16xf32>,
      %parallel_loop3A_256 = vector.shape_cast %parallel_loop3A_255 : vector<1x16xf32> to vector<16xf32>
      %parallel_loop3A_257 = arith.index_cast %parallel_loop3A_196 : i32 to index
      %parallel_loop3A_258 = arith.constant 80 : index
      %parallel_loop3A_259 = tpu.vector_load %arg9[%parallel_loop3A_257, %parallel_loop3A_258] {strides = array<i32>} : memref<64x256xf32, #tpu.memory_space<vmem>>, vector<1x16xf32>,
      %parallel_loop3A_260 = vector.shape_cast %parallel_loop3A_259 : vector<1x16xf32> to vector<16xf32>
      %parallel_loop3A_261 = arith.subf %parallel_loop3A_256, %parallel_loop3A_260 : vector<16xf32>
      %parallel_loop3A_262 = arith.mulf %parallel_loop3A_261, %parallel_loop3A_261 : vector<16xf32>
      %parallel_loop3A_263 = arith.addf %parallel_loop3A_252, %parallel_loop3A_262 : vector<16xf32>
      %parallel_loop3A_264 = arith.index_cast %parallel_loop3A_196 : i32 to index
      %parallel_loop3A_265 = arith.constant 96 : index
      %parallel_loop3A_266 = tpu.vector_load %arg12[%parallel_loop3A_264, %parallel_loop3A_265] {strides = array<i32>} : memref<64x256xf32, #tpu.memory_space<vmem>>, vector<1x16xf32>,
      %parallel_loop3A_267 = vector.shape_cast %parallel_loop3A_266 : vector<1x16xf32> to vector<16xf32>
      %parallel_loop3A_268 = arith.index_cast %parallel_loop3A_196 : i32 to index
      %parallel_loop3A_269 = arith.constant 96 : index
      %parallel_loop3A_270 = tpu.vector_load %arg9[%parallel_loop3A_268, %parallel_loop3A_269] {strides = array<i32>} : memref<64x256xf32, #tpu.memory_space<vmem>>, vector<1x16xf32>,
      %parallel_loop3A_271 = vector.shape_cast %parallel_loop3A_270 : vector<1x16xf32> to vector<16xf32>
      %parallel_loop3A_272 = arith.subf %parallel_loop3A_267, %parallel_loop3A_271 : vector<16xf32>
      %parallel_loop3A_273 = arith.mulf %parallel_loop3A_272, %parallel_loop3A_272 : vector<16xf32>
      %parallel_loop3A_274 = arith.addf %parallel_loop3A_263, %parallel_loop3A_273 : vector<16xf32>
      %parallel_loop3A_275 = arith.index_cast %parallel_loop3A_196 : i32 to index
      %parallel_loop3A_276 = arith.constant 112 : index
      %parallel_loop3A_277 = tpu.vector_load %arg12[%parallel_loop3A_275, %parallel_loop3A_276] {strides = array<i32>} : memref<64x256xf32, #tpu.memory_space<vmem>>, vector<1x16xf32>,
      %parallel_loop3A_278 = vector.shape_cast %parallel_loop3A_277 : vector<1x16xf32> to vector<16xf32>
      %parallel_loop3A_279 = arith.index_cast %parallel_loop3A_196 : i32 to index
      %parallel_loop3A_280 = arith.constant 112 : index
      %parallel_loop3A_281 = tpu.vector_load %arg9[%parallel_loop3A_279, %parallel_loop3A_280] {strides = array<i32>} : memref<64x256xf32, #tpu.memory_space<vmem>>, vector<1x16xf32>,
      %parallel_loop3A_282 = vector.shape_cast %parallel_loop3A_281 : vector<1x16xf32> to vector<16xf32>
      %parallel_loop3A_283 = arith.subf %parallel_loop3A_278, %parallel_loop3A_282 : vector<16xf32>
      %parallel_loop3A_284 = arith.mulf %parallel_loop3A_283, %parallel_loop3A_283 : vector<16xf32>
      %parallel_loop3A_285 = arith.addf %parallel_loop3A_274, %parallel_loop3A_284 : vector<16xf32>
      %parallel_loop3A_286 = arith.index_cast %parallel_loop3A_196 : i32 to index
      %parallel_loop3A_287 = arith.constant 128 : index
      %parallel_loop3A_288 = tpu.vector_load %arg12[%parallel_loop3A_286, %parallel_loop3A_287] {strides = array<i32>} : memref<64x256xf32, #tpu.memory_space<vmem>>, vector<1x16xf32>,
      %parallel_loop3A_289 = vector.shape_cast %parallel_loop3A_288 : vector<1x16xf32> to vector<16xf32>
      %parallel_loop3A_290 = arith.index_cast %parallel_loop3A_196 : i32 to index
      %parallel_loop3A_291 = arith.constant 128 : index
      %parallel_loop3A_292 = tpu.vector_load %arg9[%parallel_loop3A_290, %parallel_loop3A_291] {strides = array<i32>} : memref<64x256xf32, #tpu.memory_space<vmem>>, vector<1x16xf32>,
      %parallel_loop3A_293 = vector.shape_cast %parallel_loop3A_292 : vector<1x16xf32> to vector<16xf32>
      %parallel_loop3A_294 = arith.subf %parallel_loop3A_289, %parallel_loop3A_293 : vector<16xf32>
      %parallel_loop3A_295 = arith.mulf %parallel_loop3A_294, %parallel_loop3A_294 : vector<16xf32>
      %parallel_loop3A_296 = arith.addf %parallel_loop3A_285, %parallel_loop3A_295 : vector<16xf32>
      %parallel_loop3A_297 = arith.index_cast %parallel_loop3A_196 : i32 to index
      %parallel_loop3A_298 = arith.constant 144 : index
      %parallel_loop3A_299 = tpu.vector_load %arg12[%parallel_loop3A_297, %parallel_loop3A_298] {strides = array<i32>} : memref<64x256xf32, #tpu.memory_space<vmem>>, vector<1x16xf32>,
      %parallel_loop3A_300 = vector.shape_cast %parallel_loop3A_299 : vector<1x16xf32> to vector<16xf32>
      %parallel_loop3A_301 = arith.index_cast %parallel_loop3A_196 : i32 to index
      %parallel_loop3A_302 = arith.constant 144 : index
      %parallel_loop3A_303 = tpu.vector_load %arg9[%parallel_loop3A_301, %parallel_loop3A_302] {strides = array<i32>} : memref<64x256xf32, #tpu.memory_space<vmem>>, vector<1x16xf32>,
      %parallel_loop3A_304 = vector.shape_cast %parallel_loop3A_303 : vector<1x16xf32> to vector<16xf32>
      %parallel_loop3A_305 = arith.subf %parallel_loop3A_300, %parallel_loop3A_304 : vector<16xf32>
      %parallel_loop3A_306 = arith.mulf %parallel_loop3A_305, %parallel_loop3A_305 : vector<16xf32>
      %parallel_loop3A_307 = arith.addf %parallel_loop3A_296, %parallel_loop3A_306 : vector<16xf32>
      %parallel_loop3A_308 = arith.index_cast %parallel_loop3A_196 : i32 to index
      %parallel_loop3A_309 = arith.constant 160 : index
      %parallel_loop3A_310 = tpu.vector_load %arg12[%parallel_loop3A_308, %parallel_loop3A_309] {strides = array<i32>} : memref<64x256xf32, #tpu.memory_space<vmem>>, vector<1x16xf32>,
      %parallel_loop3A_311 = vector.shape_cast %parallel_loop3A_310 : vector<1x16xf32> to vector<16xf32>
      %parallel_loop3A_312 = arith.index_cast %parallel_loop3A_196 : i32 to index
      %parallel_loop3A_313 = arith.constant 160 : index
      %parallel_loop3A_314 = tpu.vector_load %arg9[%parallel_loop3A_312, %parallel_loop3A_313] {strides = array<i32>} : memref<64x256xf32, #tpu.memory_space<vmem>>, vector<1x16xf32>,
      %parallel_loop3A_315 = vector.shape_cast %parallel_loop3A_314 : vector<1x16xf32> to vector<16xf32>
      %parallel_loop3A_316 = arith.subf %parallel_loop3A_311, %parallel_loop3A_315 : vector<16xf32>
      %parallel_loop3A_317 = arith.mulf %parallel_loop3A_316, %parallel_loop3A_316 : vector<16xf32>
      %parallel_loop3A_318 = arith.addf %parallel_loop3A_307, %parallel_loop3A_317 : vector<16xf32>
      %parallel_loop3A_319 = arith.index_cast %parallel_loop3A_196 : i32 to index
      %parallel_loop3A_320 = arith.constant 176 : index
      %parallel_loop3A_321 = tpu.vector_load %arg12[%parallel_loop3A_319, %parallel_loop3A_320] {strides = array<i32>} : memref<64x256xf32, #tpu.memory_space<vmem>>, vector<1x16xf32>,
      %parallel_loop3A_322 = vector.shape_cast %parallel_loop3A_321 : vector<1x16xf32> to vector<16xf32>
      %parallel_loop3A_323 = arith.index_cast %parallel_loop3A_196 : i32 to index
      %parallel_loop3A_324 = arith.constant 176 : index
      %parallel_loop3A_325 = tpu.vector_load %arg9[%parallel_loop3A_323, %parallel_loop3A_324] {strides = array<i32>} : memref<64x256xf32, #tpu.memory_space<vmem>>, vector<1x16xf32>,
      %parallel_loop3A_326 = vector.shape_cast %parallel_loop3A_325 : vector<1x16xf32> to vector<16xf32>
      %parallel_loop3A_327 = arith.subf %parallel_loop3A_322, %parallel_loop3A_326 : vector<16xf32>
      %parallel_loop3A_328 = arith.mulf %parallel_loop3A_327, %parallel_loop3A_327 : vector<16xf32>
      %parallel_loop3A_329 = arith.addf %parallel_loop3A_318, %parallel_loop3A_328 : vector<16xf32>
      %parallel_loop3A_330 = arith.index_cast %parallel_loop3A_196 : i32 to index
      %parallel_loop3A_331 = arith.constant 192 : index
      %parallel_loop3A_332 = tpu.vector_load %arg12[%parallel_loop3A_330, %parallel_loop3A_331] {strides = array<i32>} : memref<64x256xf32, #tpu.memory_space<vmem>>, vector<1x16xf32>,
      %parallel_loop3A_333 = vector.shape_cast %parallel_loop3A_332 : vector<1x16xf32> to vector<16xf32>
      %parallel_loop3A_334 = arith.index_cast %parallel_loop3A_196 : i32 to index
      %parallel_loop3A_335 = arith.constant 192 : index
      %parallel_loop3A_336 = tpu.vector_load %arg9[%parallel_loop3A_334, %parallel_loop3A_335] {strides = array<i32>} : memref<64x256xf32, #tpu.memory_space<vmem>>, vector<1x16xf32>,
      %parallel_loop3A_337 = vector.shape_cast %parallel_loop3A_336 : vector<1x16xf32> to vector<16xf32>
      %parallel_loop3A_338 = arith.subf %parallel_loop3A_333, %parallel_loop3A_337 : vector<16xf32>
      %parallel_loop3A_339 = arith.mulf %parallel_loop3A_338, %parallel_loop3A_338 : vector<16xf32>
      %parallel_loop3A_340 = arith.addf %parallel_loop3A_329, %parallel_loop3A_339 : vector<16xf32>
      %parallel_loop3A_341 = arith.index_cast %parallel_loop3A_196 : i32 to index
      %parallel_loop3A_342 = arith.constant 208 : index
      %parallel_loop3A_343 = tpu.vector_load %arg12[%parallel_loop3A_341, %parallel_loop3A_342] {strides = array<i32>} : memref<64x256xf32, #tpu.memory_space<vmem>>, vector<1x16xf32>,
      %parallel_loop3A_344 = vector.shape_cast %parallel_loop3A_343 : vector<1x16xf32> to vector<16xf32>
      %parallel_loop3A_345 = arith.index_cast %parallel_loop3A_196 : i32 to index
      %parallel_loop3A_346 = arith.constant 208 : index
      %parallel_loop3A_347 = tpu.vector_load %arg9[%parallel_loop3A_345, %parallel_loop3A_346] {strides = array<i32>} : memref<64x256xf32, #tpu.memory_space<vmem>>, vector<1x16xf32>,
      %parallel_loop3A_348 = vector.shape_cast %parallel_loop3A_347 : vector<1x16xf32> to vector<16xf32>
      %parallel_loop3A_349 = arith.subf %parallel_loop3A_344, %parallel_loop3A_348 : vector<16xf32>
      %parallel_loop3A_350 = arith.mulf %parallel_loop3A_349, %parallel_loop3A_349 : vector<16xf32>
      %parallel_loop3A_351 = arith.addf %parallel_loop3A_340, %parallel_loop3A_350 : vector<16xf32>
      %parallel_loop3A_352 = arith.index_cast %parallel_loop3A_196 : i32 to index
      %parallel_loop3A_353 = arith.constant 224 : index
      %parallel_loop3A_354 = tpu.vector_load %arg12[%parallel_loop3A_352, %parallel_loop3A_353] {strides = array<i32>} : memref<64x256xf32, #tpu.memory_space<vmem>>, vector<1x16xf32>,
      %parallel_loop3A_355 = vector.shape_cast %parallel_loop3A_354 : vector<1x16xf32> to vector<16xf32>
      %parallel_loop3A_356 = arith.index_cast %parallel_loop3A_196 : i32 to index
      %parallel_loop3A_357 = arith.constant 224 : index
      %parallel_loop3A_358 = tpu.vector_load %arg9[%parallel_loop3A_356, %parallel_loop3A_357] {strides = array<i32>} : memref<64x256xf32, #tpu.memory_space<vmem>>, vector<1x16xf32>,
      %parallel_loop3A_359 = vector.shape_cast %parallel_loop3A_358 : vector<1x16xf32> to vector<16xf32>
      %parallel_loop3A_360 = arith.subf %parallel_loop3A_355, %parallel_loop3A_359 : vector<16xf32>
      %parallel_loop3A_361 = arith.mulf %parallel_loop3A_360, %parallel_loop3A_360 : vector<16xf32>
      %parallel_loop3A_362 = arith.addf %parallel_loop3A_351, %parallel_loop3A_361 : vector<16xf32>
      %parallel_loop3A_363 = arith.index_cast %parallel_loop3A_196 : i32 to index
      %parallel_loop3A_364 = arith.constant 240 : index
      %parallel_loop3A_365 = tpu.vector_load %arg12[%parallel_loop3A_363, %parallel_loop3A_364] {strides = array<i32>} : memref<64x256xf32, #tpu.memory_space<vmem>>, vector<1x16xf32>,
      %parallel_loop3A_366 = vector.shape_cast %parallel_loop3A_365 : vector<1x16xf32> to vector<16xf32>
      %parallel_loop3A_367 = arith.index_cast %parallel_loop3A_196 : i32 to index
      %parallel_loop3A_368 = arith.constant 240 : index
      %parallel_loop3A_369 = tpu.vector_load %arg9[%parallel_loop3A_367, %parallel_loop3A_368] {strides = array<i32>} : memref<64x256xf32, #tpu.memory_space<vmem>>, vector<1x16xf32>,
      %parallel_loop3A_370 = vector.shape_cast %parallel_loop3A_369 : vector<1x16xf32> to vector<16xf32>
      %parallel_loop3A_371 = arith.subf %parallel_loop3A_366, %parallel_loop3A_370 : vector<16xf32>
      %parallel_loop3A_372 = arith.mulf %parallel_loop3A_371, %parallel_loop3A_371 : vector<16xf32>
      %parallel_loop3A_373 = arith.addf %parallel_loop3A_362, %parallel_loop3A_372 : vector<16xf32>
      scf.yield %parallel_loop3A_373 : vector<16xf32>
    } {sc.loop_unroll_factor = 2 : i64, sc.parallel_access}
    %dma_wait3A_167 = arith.constant 384 : i32
    %dma_wait3A_168 = tpu.memref_slice %arg6[%dma_wait3A_167] : memref<512xi32, #tpu.memory_space<vmem>> -> memref<64xi32, #tpu.memory_space<vmem>>
    %dma_wait3A_169 = arith.constant 0 : i32
    %dma_wait3A_170 = arith.constant 0 : i32
    %dma_wait3A_171 = tpu.memref_slice %arg4[%dma_wait3A_169, %dma_wait3A_170] : memref<8192x256xf32, #tpu.memory_space<hbm>> -> memref<8192x256xf32, #tpu.memory_space<hbm>>
    tpu.wait_indirect_dma semaphore(%arg14 : memref<!tpu.dma_semaphore, #tpu.memory_space<semaphore_mem>>) src(%dma_wait3A_171 : memref<8192x256xf32, #tpu.memory_space<hbm>>) dst(%arg7 : memref<64x256xf32, #tpu.memory_space<vmem>>)
    %dma_wait3A_172 = arith.constant 0 : i32
    %dma_wait3A_173 = tpu.memref_slice %arg2[%add3A_125, %dma_wait3A_172] : memref<16384x256xf32, #tpu.memory_space<hbm>> -> memref<64x256xf32, #tpu.memory_space<hbm>>
    %dma_wait3A_174 = arith.constant 0 : i32
    %dma_wait3A_175 = tpu.memref_slice %arg2[%add3A_125, %dma_wait3A_174] : memref<16384x256xf32, #tpu.memory_space<hbm>> -> memref<64x256xf32, #tpu.memory_space<hbm>>
    tpu.wait_dma2 semaphore(%arg14 : memref<!tpu.dma_semaphore, #tpu.memory_space<semaphore_mem>>) src(%dma_wait3A_175 : memref<64x256xf32, #tpu.memory_space<hbm>>) dst(%arg10 : memref<64x256xf32, #tpu.memory_space<vmem>>)
    %parallel_loop3A_176 = arith.constant 0 : i32
    %parallel_loop3A_177 = arith.constant 64 : i32
    %parallel_loop3A_178 = arith.constant 1 : i32
    %parallel_loop3A_179 = scf.for %parallel_loop3A_196 = %parallel_loop3A_176 to %parallel_loop3A_177 step %parallel_loop3A_178 iter_args(%parallel_loop3A_197 = %parallel_loop3A_166) -> (vector<16xf32>)  : i32 {
      %parallel_loop3A_198 = arith.index_cast %parallel_loop3A_196 : i32 to index
      %parallel_loop3A_199 = arith.constant 0 : index
      %parallel_loop3A_200 = tpu.vector_load %arg10[%parallel_loop3A_198, %parallel_loop3A_199] {strides = array<i32>} : memref<64x256xf32, #tpu.memory_space<vmem>>, vector<1x16xf32>,
      %parallel_loop3A_201 = vector.shape_cast %parallel_loop3A_200 : vector<1x16xf32> to vector<16xf32>
      %parallel_loop3A_202 = arith.index_cast %parallel_loop3A_196 : i32 to index
      %parallel_loop3A_203 = arith.constant 0 : index
      %parallel_loop3A_204 = tpu.vector_load %arg7[%parallel_loop3A_202, %parallel_loop3A_203] {strides = array<i32>} : memref<64x256xf32, #tpu.memory_space<vmem>>, vector<1x16xf32>,
      %parallel_loop3A_205 = vector.shape_cast %parallel_loop3A_204 : vector<1x16xf32> to vector<16xf32>
      %parallel_loop3A_206 = arith.subf %parallel_loop3A_201, %parallel_loop3A_205 : vector<16xf32>
      %parallel_loop3A_207 = arith.mulf %parallel_loop3A_206, %parallel_loop3A_206 : vector<16xf32>
      %parallel_loop3A_208 = arith.addf %parallel_loop3A_197, %parallel_loop3A_207 : vector<16xf32>
      %parallel_loop3A_209 = arith.index_cast %parallel_loop3A_196 : i32 to index
      %parallel_loop3A_210 = arith.constant 16 : index
      %parallel_loop3A_211 = tpu.vector_load %arg10[%parallel_loop3A_209, %parallel_loop3A_210] {strides = array<i32>} : memref<64x256xf32, #tpu.memory_space<vmem>>, vector<1x16xf32>,
      %parallel_loop3A_212 = vector.shape_cast %parallel_loop3A_211 : vector<1x16xf32> to vector<16xf32>
      %parallel_loop3A_213 = arith.index_cast %parallel_loop3A_196 : i32 to index
      %parallel_loop3A_214 = arith.constant 16 : index
      %parallel_loop3A_215 = tpu.vector_load %arg7[%parallel_loop3A_213, %parallel_loop3A_214] {strides = array<i32>} : memref<64x256xf32, #tpu.memory_space<vmem>>, vector<1x16xf32>,
      %parallel_loop3A_216 = vector.shape_cast %parallel_loop3A_215 : vector<1x16xf32> to vector<16xf32>
      %parallel_loop3A_217 = arith.subf %parallel_loop3A_212, %parallel_loop3A_216 : vector<16xf32>
      %parallel_loop3A_218 = arith.mulf %parallel_loop3A_217, %parallel_loop3A_217 : vector<16xf32>
      %parallel_loop3A_219 = arith.addf %parallel_loop3A_208, %parallel_loop3A_218 : vector<16xf32>
      %parallel_loop3A_220 = arith.index_cast %parallel_loop3A_196 : i32 to index
      %parallel_loop3A_221 = arith.constant 32 : index
      %parallel_loop3A_222 = tpu.vector_load %arg10[%parallel_loop3A_220, %parallel_loop3A_221] {strides = array<i32>} : memref<64x256xf32, #tpu.memory_space<vmem>>, vector<1x16xf32>,
      %parallel_loop3A_223 = vector.shape_cast %parallel_loop3A_222 : vector<1x16xf32> to vector<16xf32>
      %parallel_loop3A_224 = arith.index_cast %parallel_loop3A_196 : i32 to index
      %parallel_loop3A_225 = arith.constant 32 : index
      %parallel_loop3A_226 = tpu.vector_load %arg7[%parallel_loop3A_224, %parallel_loop3A_225] {strides = array<i32>} : memref<64x256xf32, #tpu.memory_space<vmem>>, vector<1x16xf32>,
      %parallel_loop3A_227 = vector.shape_cast %parallel_loop3A_226 : vector<1x16xf32> to vector<16xf32>
      %parallel_loop3A_228 = arith.subf %parallel_loop3A_223, %parallel_loop3A_227 : vector<16xf32>
      %parallel_loop3A_229 = arith.mulf %parallel_loop3A_228, %parallel_loop3A_228 : vector<16xf32>
      %parallel_loop3A_230 = arith.addf %parallel_loop3A_219, %parallel_loop3A_229 : vector<16xf32>
      %parallel_loop3A_231 = arith.index_cast %parallel_loop3A_196 : i32 to index
      %parallel_loop3A_232 = arith.constant 48 : index
      %parallel_loop3A_233 = tpu.vector_load %arg10[%parallel_loop3A_231, %parallel_loop3A_232] {strides = array<i32>} : memref<64x256xf32, #tpu.memory_space<vmem>>, vector<1x16xf32>,
      %parallel_loop3A_234 = vector.shape_cast %parallel_loop3A_233 : vector<1x16xf32> to vector<16xf32>
      %parallel_loop3A_235 = arith.index_cast %parallel_loop3A_196 : i32 to index
      %parallel_loop3A_236 = arith.constant 48 : index
      %parallel_loop3A_237 = tpu.vector_load %arg7[%parallel_loop3A_235, %parallel_loop3A_236] {strides = array<i32>} : memref<64x256xf32, #tpu.memory_space<vmem>>, vector<1x16xf32>,
      %parallel_loop3A_238 = vector.shape_cast %parallel_loop3A_237 : vector<1x16xf32> to vector<16xf32>
      %parallel_loop3A_239 = arith.subf %parallel_loop3A_234, %parallel_loop3A_238 : vector<16xf32>
      %parallel_loop3A_240 = arith.mulf %parallel_loop3A_239, %parallel_loop3A_239 : vector<16xf32>
      %parallel_loop3A_241 = arith.addf %parallel_loop3A_230, %parallel_loop3A_240 : vector<16xf32>
      %parallel_loop3A_242 = arith.index_cast %parallel_loop3A_196 : i32 to index
      %parallel_loop3A_243 = arith.constant 64 : index
      %parallel_loop3A_244 = tpu.vector_load %arg10[%parallel_loop3A_242, %parallel_loop3A_243] {strides = array<i32>} : memref<64x256xf32, #tpu.memory_space<vmem>>, vector<1x16xf32>,
      %parallel_loop3A_245 = vector.shape_cast %parallel_loop3A_244 : vector<1x16xf32> to vector<16xf32>
      %parallel_loop3A_246 = arith.index_cast %parallel_loop3A_196 : i32 to index
      %parallel_loop3A_247 = arith.constant 64 : index
      %parallel_loop3A_248 = tpu.vector_load %arg7[%parallel_loop3A_246, %parallel_loop3A_247] {strides = array<i32>} : memref<64x256xf32, #tpu.memory_space<vmem>>, vector<1x16xf32>,
      %parallel_loop3A_249 = vector.shape_cast %parallel_loop3A_248 : vector<1x16xf32> to vector<16xf32>
      %parallel_loop3A_250 = arith.subf %parallel_loop3A_245, %parallel_loop3A_249 : vector<16xf32>
      %parallel_loop3A_251 = arith.mulf %parallel_loop3A_250, %parallel_loop3A_250 : vector<16xf32>
      %parallel_loop3A_252 = arith.addf %parallel_loop3A_241, %parallel_loop3A_251 : vector<16xf32>
      %parallel_loop3A_253 = arith.index_cast %parallel_loop3A_196 : i32 to index
      %parallel_loop3A_254 = arith.constant 80 : index
      %parallel_loop3A_255 = tpu.vector_load %arg10[%parallel_loop3A_253, %parallel_loop3A_254] {strides = array<i32>} : memref<64x256xf32, #tpu.memory_space<vmem>>, vector<1x16xf32>,
      %parallel_loop3A_256 = vector.shape_cast %parallel_loop3A_255 : vector<1x16xf32> to vector<16xf32>
      %parallel_loop3A_257 = arith.index_cast %parallel_loop3A_196 : i32 to index
      %parallel_loop3A_258 = arith.constant 80 : index
      %parallel_loop3A_259 = tpu.vector_load %arg7[%parallel_loop3A_257, %parallel_loop3A_258] {strides = array<i32>} : memref<64x256xf32, #tpu.memory_space<vmem>>, vector<1x16xf32>,
      %parallel_loop3A_260 = vector.shape_cast %parallel_loop3A_259 : vector<1x16xf32> to vector<16xf32>
      %parallel_loop3A_261 = arith.subf %parallel_loop3A_256, %parallel_loop3A_260 : vector<16xf32>
      %parallel_loop3A_262 = arith.mulf %parallel_loop3A_261, %parallel_loop3A_261 : vector<16xf32>
      %parallel_loop3A_263 = arith.addf %parallel_loop3A_252, %parallel_loop3A_262 : vector<16xf32>
      %parallel_loop3A_264 = arith.index_cast %parallel_loop3A_196 : i32 to index
      %parallel_loop3A_265 = arith.constant 96 : index
      %parallel_loop3A_266 = tpu.vector_load %arg10[%parallel_loop3A_264, %parallel_loop3A_265] {strides = array<i32>} : memref<64x256xf32, #tpu.memory_space<vmem>>, vector<1x16xf32>,
      %parallel_loop3A_267 = vector.shape_cast %parallel_loop3A_266 : vector<1x16xf32> to vector<16xf32>
      %parallel_loop3A_268 = arith.index_cast %parallel_loop3A_196 : i32 to index
      %parallel_loop3A_269 = arith.constant 96 : index
      %parallel_loop3A_270 = tpu.vector_load %arg7[%parallel_loop3A_268, %parallel_loop3A_269] {strides = array<i32>} : memref<64x256xf32, #tpu.memory_space<vmem>>, vector<1x16xf32>,
      %parallel_loop3A_271 = vector.shape_cast %parallel_loop3A_270 : vector<1x16xf32> to vector<16xf32>
      %parallel_loop3A_272 = arith.subf %parallel_loop3A_267, %parallel_loop3A_271 : vector<16xf32>
      %parallel_loop3A_273 = arith.mulf %parallel_loop3A_272, %parallel_loop3A_272 : vector<16xf32>
      %parallel_loop3A_274 = arith.addf %parallel_loop3A_263, %parallel_loop3A_273 : vector<16xf32>
      %parallel_loop3A_275 = arith.index_cast %parallel_loop3A_196 : i32 to index
      %parallel_loop3A_276 = arith.constant 112 : index
      %parallel_loop3A_277 = tpu.vector_load %arg10[%parallel_loop3A_275, %parallel_loop3A_276] {strides = array<i32>} : memref<64x256xf32, #tpu.memory_space<vmem>>, vector<1x16xf32>,
      %parallel_loop3A_278 = vector.shape_cast %parallel_loop3A_277 : vector<1x16xf32> to vector<16xf32>
      %parallel_loop3A_279 = arith.index_cast %parallel_loop3A_196 : i32 to index
      %parallel_loop3A_280 = arith.constant 112 : index
      %parallel_loop3A_281 = tpu.vector_load %arg7[%parallel_loop3A_279, %parallel_loop3A_280] {strides = array<i32>} : memref<64x256xf32, #tpu.memory_space<vmem>>, vector<1x16xf32>,
      %parallel_loop3A_282 = vector.shape_cast %parallel_loop3A_281 : vector<1x16xf32> to vector<16xf32>
      %parallel_loop3A_283 = arith.subf %parallel_loop3A_278, %parallel_loop3A_282 : vector<16xf32>
      %parallel_loop3A_284 = arith.mulf %parallel_loop3A_283, %parallel_loop3A_283 : vector<16xf32>
      %parallel_loop3A_285 = arith.addf %parallel_loop3A_274, %parallel_loop3A_284 : vector<16xf32>
      %parallel_loop3A_286 = arith.index_cast %parallel_loop3A_196 : i32 to index
      %parallel_loop3A_287 = arith.constant 128 : index
      %parallel_loop3A_288 = tpu.vector_load %arg10[%parallel_loop3A_286, %parallel_loop3A_287] {strides = array<i32>} : memref<64x256xf32, #tpu.memory_space<vmem>>, vector<1x16xf32>,
      %parallel_loop3A_289 = vector.shape_cast %parallel_loop3A_288 : vector<1x16xf32> to vector<16xf32>
      %parallel_loop3A_290 = arith.index_cast %parallel_loop3A_196 : i32 to index
      %parallel_loop3A_291 = arith.constant 128 : index
      %parallel_loop3A_292 = tpu.vector_load %arg7[%parallel_loop3A_290, %parallel_loop3A_291] {strides = array<i32>} : memref<64x256xf32, #tpu.memory_space<vmem>>, vector<1x16xf32>,
      %parallel_loop3A_293 = vector.shape_cast %parallel_loop3A_292 : vector<1x16xf32> to vector<16xf32>
      %parallel_loop3A_294 = arith.subf %parallel_loop3A_289, %parallel_loop3A_293 : vector<16xf32>
      %parallel_loop3A_295 = arith.mulf %parallel_loop3A_294, %parallel_loop3A_294 : vector<16xf32>
      %parallel_loop3A_296 = arith.addf %parallel_loop3A_285, %parallel_loop3A_295 : vector<16xf32>
      %parallel_loop3A_297 = arith.index_cast %parallel_loop3A_196 : i32 to index
      %parallel_loop3A_298 = arith.constant 144 : index
      %parallel_loop3A_299 = tpu.vector_load %arg10[%parallel_loop3A_297, %parallel_loop3A_298] {strides = array<i32>} : memref<64x256xf32, #tpu.memory_space<vmem>>, vector<1x16xf32>,
      %parallel_loop3A_300 = vector.shape_cast %parallel_loop3A_299 : vector<1x16xf32> to vector<16xf32>
      %parallel_loop3A_301 = arith.index_cast %parallel_loop3A_196 : i32 to index
      %parallel_loop3A_302 = arith.constant 144 : index
      %parallel_loop3A_303 = tpu.vector_load %arg7[%parallel_loop3A_301, %parallel_loop3A_302] {strides = array<i32>} : memref<64x256xf32, #tpu.memory_space<vmem>>, vector<1x16xf32>,
      %parallel_loop3A_304 = vector.shape_cast %parallel_loop3A_303 : vector<1x16xf32> to vector<16xf32>
      %parallel_loop3A_305 = arith.subf %parallel_loop3A_300, %parallel_loop3A_304 : vector<16xf32>
      %parallel_loop3A_306 = arith.mulf %parallel_loop3A_305, %parallel_loop3A_305 : vector<16xf32>
      %parallel_loop3A_307 = arith.addf %parallel_loop3A_296, %parallel_loop3A_306 : vector<16xf32>
      %parallel_loop3A_308 = arith.index_cast %parallel_loop3A_196 : i32 to index
      %parallel_loop3A_309 = arith.constant 160 : index
      %parallel_loop3A_310 = tpu.vector_load %arg10[%parallel_loop3A_308, %parallel_loop3A_309] {strides = array<i32>} : memref<64x256xf32, #tpu.memory_space<vmem>>, vector<1x16xf32>,
      %parallel_loop3A_311 = vector.shape_cast %parallel_loop3A_310 : vector<1x16xf32> to vector<16xf32>
      %parallel_loop3A_312 = arith.index_cast %parallel_loop3A_196 : i32 to index
      %parallel_loop3A_313 = arith.constant 160 : index
      %parallel_loop3A_314 = tpu.vector_load %arg7[%parallel_loop3A_312, %parallel_loop3A_313] {strides = array<i32>} : memref<64x256xf32, #tpu.memory_space<vmem>>, vector<1x16xf32>,
      %parallel_loop3A_315 = vector.shape_cast %parallel_loop3A_314 : vector<1x16xf32> to vector<16xf32>
      %parallel_loop3A_316 = arith.subf %parallel_loop3A_311, %parallel_loop3A_315 : vector<16xf32>
      %parallel_loop3A_317 = arith.mulf %parallel_loop3A_316, %parallel_loop3A_316 : vector<16xf32>
      %parallel_loop3A_318 = arith.addf %parallel_loop3A_307, %parallel_loop3A_317 : vector<16xf32>
      %parallel_loop3A_319 = arith.index_cast %parallel_loop3A_196 : i32 to index
      %parallel_loop3A_320 = arith.constant 176 : index
      %parallel_loop3A_321 = tpu.vector_load %arg10[%parallel_loop3A_319, %parallel_loop3A_320] {strides = array<i32>} : memref<64x256xf32, #tpu.memory_space<vmem>>, vector<1x16xf32>,
      %parallel_loop3A_322 = vector.shape_cast %parallel_loop3A_321 : vector<1x16xf32> to vector<16xf32>
      %parallel_loop3A_323 = arith.index_cast %parallel_loop3A_196 : i32 to index
      %parallel_loop3A_324 = arith.constant 176 : index
      %parallel_loop3A_325 = tpu.vector_load %arg7[%parallel_loop3A_323, %parallel_loop3A_324] {strides = array<i32>} : memref<64x256xf32, #tpu.memory_space<vmem>>, vector<1x16xf32>,
      %parallel_loop3A_326 = vector.shape_cast %parallel_loop3A_325 : vector<1x16xf32> to vector<16xf32>
      %parallel_loop3A_327 = arith.subf %parallel_loop3A_322, %parallel_loop3A_326 : vector<16xf32>
      %parallel_loop3A_328 = arith.mulf %parallel_loop3A_327, %parallel_loop3A_327 : vector<16xf32>
      %parallel_loop3A_329 = arith.addf %parallel_loop3A_318, %parallel_loop3A_328 : vector<16xf32>
      %parallel_loop3A_330 = arith.index_cast %parallel_loop3A_196 : i32 to index
      %parallel_loop3A_331 = arith.constant 192 : index
      %parallel_loop3A_332 = tpu.vector_load %arg10[%parallel_loop3A_330, %parallel_loop3A_331] {strides = array<i32>} : memref<64x256xf32, #tpu.memory_space<vmem>>, vector<1x16xf32>,
      %parallel_loop3A_333 = vector.shape_cast %parallel_loop3A_332 : vector<1x16xf32> to vector<16xf32>
      %parallel_loop3A_334 = arith.index_cast %parallel_loop3A_196 : i32 to index
      %parallel_loop3A_335 = arith.constant 192 : index
      %parallel_loop3A_336 = tpu.vector_load %arg7[%parallel_loop3A_334, %parallel_loop3A_335] {strides = array<i32>} : memref<64x256xf32, #tpu.memory_space<vmem>>, vector<1x16xf32>,
      %parallel_loop3A_337 = vector.shape_cast %parallel_loop3A_336 : vector<1x16xf32> to vector<16xf32>
      %parallel_loop3A_338 = arith.subf %parallel_loop3A_333, %parallel_loop3A_337 : vector<16xf32>
      %parallel_loop3A_339 = arith.mulf %parallel_loop3A_338, %parallel_loop3A_338 : vector<16xf32>
      %parallel_loop3A_340 = arith.addf %parallel_loop3A_329, %parallel_loop3A_339 : vector<16xf32>
      %parallel_loop3A_341 = arith.index_cast %parallel_loop3A_196 : i32 to index
      %parallel_loop3A_342 = arith.constant 208 : index
      %parallel_loop3A_343 = tpu.vector_load %arg10[%parallel_loop3A_341, %parallel_loop3A_342] {strides = array<i32>} : memref<64x256xf32, #tpu.memory_space<vmem>>, vector<1x16xf32>,
      %parallel_loop3A_344 = vector.shape_cast %parallel_loop3A_343 : vector<1x16xf32> to vector<16xf32>
      %parallel_loop3A_345 = arith.index_cast %parallel_loop3A_196 : i32 to index
      %parallel_loop3A_346 = arith.constant 208 : index
      %parallel_loop3A_347 = tpu.vector_load %arg7[%parallel_loop3A_345, %parallel_loop3A_346] {strides = array<i32>} : memref<64x256xf32, #tpu.memory_space<vmem>>, vector<1x16xf32>,
      %parallel_loop3A_348 = vector.shape_cast %parallel_loop3A_347 : vector<1x16xf32> to vector<16xf32>
      %parallel_loop3A_349 = arith.subf %parallel_loop3A_344, %parallel_loop3A_348 : vector<16xf32>
      %parallel_loop3A_350 = arith.mulf %parallel_loop3A_349, %parallel_loop3A_349 : vector<16xf32>
      %parallel_loop3A_351 = arith.addf %parallel_loop3A_340, %parallel_loop3A_350 : vector<16xf32>
      %parallel_loop3A_352 = arith.index_cast %parallel_loop3A_196 : i32 to index
      %parallel_loop3A_353 = arith.constant 224 : index
      %parallel_loop3A_354 = tpu.vector_load %arg10[%parallel_loop3A_352, %parallel_loop3A_353] {strides = array<i32>} : memref<64x256xf32, #tpu.memory_space<vmem>>, vector<1x16xf32>,
      %parallel_loop3A_355 = vector.shape_cast %parallel_loop3A_354 : vector<1x16xf32> to vector<16xf32>
      %parallel_loop3A_356 = arith.index_cast %parallel_loop3A_196 : i32 to index
      %parallel_loop3A_357 = arith.constant 224 : index
      %parallel_loop3A_358 = tpu.vector_load %arg7[%parallel_loop3A_356, %parallel_loop3A_357] {strides = array<i32>} : memref<64x256xf32, #tpu.memory_space<vmem>>, vector<1x16xf32>,
      %parallel_loop3A_359 = vector.shape_cast %parallel_loop3A_358 : vector<1x16xf32> to vector<16xf32>
      %parallel_loop3A_360 = arith.subf %parallel_loop3A_355, %parallel_loop3A_359 : vector<16xf32>
      %parallel_loop3A_361 = arith.mulf %parallel_loop3A_360, %parallel_loop3A_360 : vector<16xf32>
      %parallel_loop3A_362 = arith.addf %parallel_loop3A_351, %parallel_loop3A_361 : vector<16xf32>
      %parallel_loop3A_363 = arith.index_cast %parallel_loop3A_196 : i32 to index
      %parallel_loop3A_364 = arith.constant 240 : index
      %parallel_loop3A_365 = tpu.vector_load %arg10[%parallel_loop3A_363, %parallel_loop3A_364] {strides = array<i32>} : memref<64x256xf32, #tpu.memory_space<vmem>>, vector<1x16xf32>,
      %parallel_loop3A_366 = vector.shape_cast %parallel_loop3A_365 : vector<1x16xf32> to vector<16xf32>
      %parallel_loop3A_367 = arith.index_cast %parallel_loop3A_196 : i32 to index
      %parallel_loop3A_368 = arith.constant 240 : index
      %parallel_loop3A_369 = tpu.vector_load %arg7[%parallel_loop3A_367, %parallel_loop3A_368] {strides = array<i32>} : memref<64x256xf32, #tpu.memory_space<vmem>>, vector<1x16xf32>,
      %parallel_loop3A_370 = vector.shape_cast %parallel_loop3A_369 : vector<1x16xf32> to vector<16xf32>
      %parallel_loop3A_371 = arith.subf %parallel_loop3A_366, %parallel_loop3A_370 : vector<16xf32>
      %parallel_loop3A_372 = arith.mulf %parallel_loop3A_371, %parallel_loop3A_371 : vector<16xf32>
      %parallel_loop3A_373 = arith.addf %parallel_loop3A_362, %parallel_loop3A_372 : vector<16xf32>
      scf.yield %parallel_loop3A_373 : vector<16xf32>
    } {sc.loop_unroll_factor = 2 : i64, sc.parallel_access}
    %dma_wait3A_180 = arith.constant 448 : i32
    %dma_wait3A_181 = tpu.memref_slice %arg6[%dma_wait3A_180] : memref<512xi32, #tpu.memory_space<vmem>> -> memref<64xi32, #tpu.memory_space<vmem>>
    %dma_wait3A_182 = arith.constant 0 : i32
    %dma_wait3A_183 = arith.constant 0 : i32
    %dma_wait3A_184 = tpu.memref_slice %arg4[%dma_wait3A_182, %dma_wait3A_183] : memref<8192x256xf32, #tpu.memory_space<hbm>> -> memref<8192x256xf32, #tpu.memory_space<hbm>>
    tpu.wait_indirect_dma semaphore(%arg15 : memref<!tpu.dma_semaphore, #tpu.memory_space<semaphore_mem>>) src(%dma_wait3A_184 : memref<8192x256xf32, #tpu.memory_space<hbm>>) dst(%arg8 : memref<64x256xf32, #tpu.memory_space<vmem>>)
    %dma_wait3A_185 = arith.constant 0 : i32
    %dma_wait3A_186 = tpu.memref_slice %arg2[%add3A_149, %dma_wait3A_185] : memref<16384x256xf32, #tpu.memory_space<hbm>> -> memref<64x256xf32, #tpu.memory_space<hbm>>
    %dma_wait3A_187 = arith.constant 0 : i32
    %dma_wait3A_188 = tpu.memref_slice %arg2[%add3A_149, %dma_wait3A_187] : memref<16384x256xf32, #tpu.memory_space<hbm>> -> memref<64x256xf32, #tpu.memory_space<hbm>>
    tpu.wait_dma2 semaphore(%arg15 : memref<!tpu.dma_semaphore, #tpu.memory_space<semaphore_mem>>) src(%dma_wait3A_188 : memref<64x256xf32, #tpu.memory_space<hbm>>) dst(%arg11 : memref<64x256xf32, #tpu.memory_space<vmem>>)
    %parallel_loop3A_189 = arith.constant 0 : i32
    %parallel_loop3A_190 = arith.constant 64 : i32
    %parallel_loop3A_191 = arith.constant 1 : i32
    %parallel_loop3A_192 = scf.for %parallel_loop3A_196 = %parallel_loop3A_189 to %parallel_loop3A_190 step %parallel_loop3A_191 iter_args(%parallel_loop3A_197 = %parallel_loop3A_179) -> (vector<16xf32>)  : i32 {
      %parallel_loop3A_198 = arith.index_cast %parallel_loop3A_196 : i32 to index
      %parallel_loop3A_199 = arith.constant 0 : index
      %parallel_loop3A_200 = tpu.vector_load %arg11[%parallel_loop3A_198, %parallel_loop3A_199] {strides = array<i32>} : memref<64x256xf32, #tpu.memory_space<vmem>>, vector<1x16xf32>,
      %parallel_loop3A_201 = vector.shape_cast %parallel_loop3A_200 : vector<1x16xf32> to vector<16xf32>
      %parallel_loop3A_202 = arith.index_cast %parallel_loop3A_196 : i32 to index
      %parallel_loop3A_203 = arith.constant 0 : index
      %parallel_loop3A_204 = tpu.vector_load %arg8[%parallel_loop3A_202, %parallel_loop3A_203] {strides = array<i32>} : memref<64x256xf32, #tpu.memory_space<vmem>>, vector<1x16xf32>,
      %parallel_loop3A_205 = vector.shape_cast %parallel_loop3A_204 : vector<1x16xf32> to vector<16xf32>
      %parallel_loop3A_206 = arith.subf %parallel_loop3A_201, %parallel_loop3A_205 : vector<16xf32>
      %parallel_loop3A_207 = arith.mulf %parallel_loop3A_206, %parallel_loop3A_206 : vector<16xf32>
      %parallel_loop3A_208 = arith.addf %parallel_loop3A_197, %parallel_loop3A_207 : vector<16xf32>
      %parallel_loop3A_209 = arith.index_cast %parallel_loop3A_196 : i32 to index
      %parallel_loop3A_210 = arith.constant 16 : index
      %parallel_loop3A_211 = tpu.vector_load %arg11[%parallel_loop3A_209, %parallel_loop3A_210] {strides = array<i32>} : memref<64x256xf32, #tpu.memory_space<vmem>>, vector<1x16xf32>,
      %parallel_loop3A_212 = vector.shape_cast %parallel_loop3A_211 : vector<1x16xf32> to vector<16xf32>
      %parallel_loop3A_213 = arith.index_cast %parallel_loop3A_196 : i32 to index
      %parallel_loop3A_214 = arith.constant 16 : index
      %parallel_loop3A_215 = tpu.vector_load %arg8[%parallel_loop3A_213, %parallel_loop3A_214] {strides = array<i32>} : memref<64x256xf32, #tpu.memory_space<vmem>>, vector<1x16xf32>,
      %parallel_loop3A_216 = vector.shape_cast %parallel_loop3A_215 : vector<1x16xf32> to vector<16xf32>
      %parallel_loop3A_217 = arith.subf %parallel_loop3A_212, %parallel_loop3A_216 : vector<16xf32>
      %parallel_loop3A_218 = arith.mulf %parallel_loop3A_217, %parallel_loop3A_217 : vector<16xf32>
      %parallel_loop3A_219 = arith.addf %parallel_loop3A_208, %parallel_loop3A_218 : vector<16xf32>
      %parallel_loop3A_220 = arith.index_cast %parallel_loop3A_196 : i32 to index
      %parallel_loop3A_221 = arith.constant 32 : index
      %parallel_loop3A_222 = tpu.vector_load %arg11[%parallel_loop3A_220, %parallel_loop3A_221] {strides = array<i32>} : memref<64x256xf32, #tpu.memory_space<vmem>>, vector<1x16xf32>,
      %parallel_loop3A_223 = vector.shape_cast %parallel_loop3A_222 : vector<1x16xf32> to vector<16xf32>
      %parallel_loop3A_224 = arith.index_cast %parallel_loop3A_196 : i32 to index
      %parallel_loop3A_225 = arith.constant 32 : index
      %parallel_loop3A_226 = tpu.vector_load %arg8[%parallel_loop3A_224, %parallel_loop3A_225] {strides = array<i32>} : memref<64x256xf32, #tpu.memory_space<vmem>>, vector<1x16xf32>,
      %parallel_loop3A_227 = vector.shape_cast %parallel_loop3A_226 : vector<1x16xf32> to vector<16xf32>
      %parallel_loop3A_228 = arith.subf %parallel_loop3A_223, %parallel_loop3A_227 : vector<16xf32>
      %parallel_loop3A_229 = arith.mulf %parallel_loop3A_228, %parallel_loop3A_228 : vector<16xf32>
      %parallel_loop3A_230 = arith.addf %parallel_loop3A_219, %parallel_loop3A_229 : vector<16xf32>
      %parallel_loop3A_231 = arith.index_cast %parallel_loop3A_196 : i32 to index
      %parallel_loop3A_232 = arith.constant 48 : index
      %parallel_loop3A_233 = tpu.vector_load %arg11[%parallel_loop3A_231, %parallel_loop3A_232] {strides = array<i32>} : memref<64x256xf32, #tpu.memory_space<vmem>>, vector<1x16xf32>,
      %parallel_loop3A_234 = vector.shape_cast %parallel_loop3A_233 : vector<1x16xf32> to vector<16xf32>
      %parallel_loop3A_235 = arith.index_cast %parallel_loop3A_196 : i32 to index
      %parallel_loop3A_236 = arith.constant 48 : index
      %parallel_loop3A_237 = tpu.vector_load %arg8[%parallel_loop3A_235, %parallel_loop3A_236] {strides = array<i32>} : memref<64x256xf32, #tpu.memory_space<vmem>>, vector<1x16xf32>,
      %parallel_loop3A_238 = vector.shape_cast %parallel_loop3A_237 : vector<1x16xf32> to vector<16xf32>
      %parallel_loop3A_239 = arith.subf %parallel_loop3A_234, %parallel_loop3A_238 : vector<16xf32>
      %parallel_loop3A_240 = arith.mulf %parallel_loop3A_239, %parallel_loop3A_239 : vector<16xf32>
      %parallel_loop3A_241 = arith.addf %parallel_loop3A_230, %parallel_loop3A_240 : vector<16xf32>
      %parallel_loop3A_242 = arith.index_cast %parallel_loop3A_196 : i32 to index
      %parallel_loop3A_243 = arith.constant 64 : index
      %parallel_loop3A_244 = tpu.vector_load %arg11[%parallel_loop3A_242, %parallel_loop3A_243] {strides = array<i32>} : memref<64x256xf32, #tpu.memory_space<vmem>>, vector<1x16xf32>,
      %parallel_loop3A_245 = vector.shape_cast %parallel_loop3A_244 : vector<1x16xf32> to vector<16xf32>
      %parallel_loop3A_246 = arith.index_cast %parallel_loop3A_196 : i32 to index
      %parallel_loop3A_247 = arith.constant 64 : index
      %parallel_loop3A_248 = tpu.vector_load %arg8[%parallel_loop3A_246, %parallel_loop3A_247] {strides = array<i32>} : memref<64x256xf32, #tpu.memory_space<vmem>>, vector<1x16xf32>,
      %parallel_loop3A_249 = vector.shape_cast %parallel_loop3A_248 : vector<1x16xf32> to vector<16xf32>
      %parallel_loop3A_250 = arith.subf %parallel_loop3A_245, %parallel_loop3A_249 : vector<16xf32>
      %parallel_loop3A_251 = arith.mulf %parallel_loop3A_250, %parallel_loop3A_250 : vector<16xf32>
      %parallel_loop3A_252 = arith.addf %parallel_loop3A_241, %parallel_loop3A_251 : vector<16xf32>
      %parallel_loop3A_253 = arith.index_cast %parallel_loop3A_196 : i32 to index
      %parallel_loop3A_254 = arith.constant 80 : index
      %parallel_loop3A_255 = tpu.vector_load %arg11[%parallel_loop3A_253, %parallel_loop3A_254] {strides = array<i32>} : memref<64x256xf32, #tpu.memory_space<vmem>>, vector<1x16xf32>,
      %parallel_loop3A_256 = vector.shape_cast %parallel_loop3A_255 : vector<1x16xf32> to vector<16xf32>
      %parallel_loop3A_257 = arith.index_cast %parallel_loop3A_196 : i32 to index
      %parallel_loop3A_258 = arith.constant 80 : index
      %parallel_loop3A_259 = tpu.vector_load %arg8[%parallel_loop3A_257, %parallel_loop3A_258] {strides = array<i32>} : memref<64x256xf32, #tpu.memory_space<vmem>>, vector<1x16xf32>,
      %parallel_loop3A_260 = vector.shape_cast %parallel_loop3A_259 : vector<1x16xf32> to vector<16xf32>
      %parallel_loop3A_261 = arith.subf %parallel_loop3A_256, %parallel_loop3A_260 : vector<16xf32>
      %parallel_loop3A_262 = arith.mulf %parallel_loop3A_261, %parallel_loop3A_261 : vector<16xf32>
      %parallel_loop3A_263 = arith.addf %parallel_loop3A_252, %parallel_loop3A_262 : vector<16xf32>
      %parallel_loop3A_264 = arith.index_cast %parallel_loop3A_196 : i32 to index
      %parallel_loop3A_265 = arith.constant 96 : index
      %parallel_loop3A_266 = tpu.vector_load %arg11[%parallel_loop3A_264, %parallel_loop3A_265] {strides = array<i32>} : memref<64x256xf32, #tpu.memory_space<vmem>>, vector<1x16xf32>,
      %parallel_loop3A_267 = vector.shape_cast %parallel_loop3A_266 : vector<1x16xf32> to vector<16xf32>
      %parallel_loop3A_268 = arith.index_cast %parallel_loop3A_196 : i32 to index
      %parallel_loop3A_269 = arith.constant 96 : index
      %parallel_loop3A_270 = tpu.vector_load %arg8[%parallel_loop3A_268, %parallel_loop3A_269] {strides = array<i32>} : memref<64x256xf32, #tpu.memory_space<vmem>>, vector<1x16xf32>,
      %parallel_loop3A_271 = vector.shape_cast %parallel_loop3A_270 : vector<1x16xf32> to vector<16xf32>
      %parallel_loop3A_272 = arith.subf %parallel_loop3A_267, %parallel_loop3A_271 : vector<16xf32>
      %parallel_loop3A_273 = arith.mulf %parallel_loop3A_272, %parallel_loop3A_272 : vector<16xf32>
      %parallel_loop3A_274 = arith.addf %parallel_loop3A_263, %parallel_loop3A_273 : vector<16xf32>
      %parallel_loop3A_275 = arith.index_cast %parallel_loop3A_196 : i32 to index
      %parallel_loop3A_276 = arith.constant 112 : index
      %parallel_loop3A_277 = tpu.vector_load %arg11[%parallel_loop3A_275, %parallel_loop3A_276] {strides = array<i32>} : memref<64x256xf32, #tpu.memory_space<vmem>>, vector<1x16xf32>,
      %parallel_loop3A_278 = vector.shape_cast %parallel_loop3A_277 : vector<1x16xf32> to vector<16xf32>
      %parallel_loop3A_279 = arith.index_cast %parallel_loop3A_196 : i32 to index
      %parallel_loop3A_280 = arith.constant 112 : index
      %parallel_loop3A_281 = tpu.vector_load %arg8[%parallel_loop3A_279, %parallel_loop3A_280] {strides = array<i32>} : memref<64x256xf32, #tpu.memory_space<vmem>>, vector<1x16xf32>,
      %parallel_loop3A_282 = vector.shape_cast %parallel_loop3A_281 : vector<1x16xf32> to vector<16xf32>
      %parallel_loop3A_283 = arith.subf %parallel_loop3A_278, %parallel_loop3A_282 : vector<16xf32>
      %parallel_loop3A_284 = arith.mulf %parallel_loop3A_283, %parallel_loop3A_283 : vector<16xf32>
      %parallel_loop3A_285 = arith.addf %parallel_loop3A_274, %parallel_loop3A_284 : vector<16xf32>
      %parallel_loop3A_286 = arith.index_cast %parallel_loop3A_196 : i32 to index
      %parallel_loop3A_287 = arith.constant 128 : index
      %parallel_loop3A_288 = tpu.vector_load %arg11[%parallel_loop3A_286, %parallel_loop3A_287] {strides = array<i32>} : memref<64x256xf32, #tpu.memory_space<vmem>>, vector<1x16xf32>,
      %parallel_loop3A_289 = vector.shape_cast %parallel_loop3A_288 : vector<1x16xf32> to vector<16xf32>
      %parallel_loop3A_290 = arith.index_cast %parallel_loop3A_196 : i32 to index
      %parallel_loop3A_291 = arith.constant 128 : index
      %parallel_loop3A_292 = tpu.vector_load %arg8[%parallel_loop3A_290, %parallel_loop3A_291] {strides = array<i32>} : memref<64x256xf32, #tpu.memory_space<vmem>>, vector<1x16xf32>,
      %parallel_loop3A_293 = vector.shape_cast %parallel_loop3A_292 : vector<1x16xf32> to vector<16xf32>
      %parallel_loop3A_294 = arith.subf %parallel_loop3A_289, %parallel_loop3A_293 : vector<16xf32>
      %parallel_loop3A_295 = arith.mulf %parallel_loop3A_294, %parallel_loop3A_294 : vector<16xf32>
      %parallel_loop3A_296 = arith.addf %parallel_loop3A_285, %parallel_loop3A_295 : vector<16xf32>
      %parallel_loop3A_297 = arith.index_cast %parallel_loop3A_196 : i32 to index
      %parallel_loop3A_298 = arith.constant 144 : index
      %parallel_loop3A_299 = tpu.vector_load %arg11[%parallel_loop3A_297, %parallel_loop3A_298] {strides = array<i32>} : memref<64x256xf32, #tpu.memory_space<vmem>>, vector<1x16xf32>,
      %parallel_loop3A_300 = vector.shape_cast %parallel_loop3A_299 : vector<1x16xf32> to vector<16xf32>
      %parallel_loop3A_301 = arith.index_cast %parallel_loop3A_196 : i32 to index
      %parallel_loop3A_302 = arith.constant 144 : index
      %parallel_loop3A_303 = tpu.vector_load %arg8[%parallel_loop3A_301, %parallel_loop3A_302] {strides = array<i32>} : memref<64x256xf32, #tpu.memory_space<vmem>>, vector<1x16xf32>,
      %parallel_loop3A_304 = vector.shape_cast %parallel_loop3A_303 : vector<1x16xf32> to vector<16xf32>
      %parallel_loop3A_305 = arith.subf %parallel_loop3A_300, %parallel_loop3A_304 : vector<16xf32>
      %parallel_loop3A_306 = arith.mulf %parallel_loop3A_305, %parallel_loop3A_305 : vector<16xf32>
      %parallel_loop3A_307 = arith.addf %parallel_loop3A_296, %parallel_loop3A_306 : vector<16xf32>
      %parallel_loop3A_308 = arith.index_cast %parallel_loop3A_196 : i32 to index
      %parallel_loop3A_309 = arith.constant 160 : index
      %parallel_loop3A_310 = tpu.vector_load %arg11[%parallel_loop3A_308, %parallel_loop3A_309] {strides = array<i32>} : memref<64x256xf32, #tpu.memory_space<vmem>>, vector<1x16xf32>,
      %parallel_loop3A_311 = vector.shape_cast %parallel_loop3A_310 : vector<1x16xf32> to vector<16xf32>
      %parallel_loop3A_312 = arith.index_cast %parallel_loop3A_196 : i32 to index
      %parallel_loop3A_313 = arith.constant 160 : index
      %parallel_loop3A_314 = tpu.vector_load %arg8[%parallel_loop3A_312, %parallel_loop3A_313] {strides = array<i32>} : memref<64x256xf32, #tpu.memory_space<vmem>>, vector<1x16xf32>,
      %parallel_loop3A_315 = vector.shape_cast %parallel_loop3A_314 : vector<1x16xf32> to vector<16xf32>
      %parallel_loop3A_316 = arith.subf %parallel_loop3A_311, %parallel_loop3A_315 : vector<16xf32>
      %parallel_loop3A_317 = arith.mulf %parallel_loop3A_316, %parallel_loop3A_316 : vector<16xf32>
      %parallel_loop3A_318 = arith.addf %parallel_loop3A_307, %parallel_loop3A_317 : vector<16xf32>
      %parallel_loop3A_319 = arith.index_cast %parallel_loop3A_196 : i32 to index
      %parallel_loop3A_320 = arith.constant 176 : index
      %parallel_loop3A_321 = tpu.vector_load %arg11[%parallel_loop3A_319, %parallel_loop3A_320] {strides = array<i32>} : memref<64x256xf32, #tpu.memory_space<vmem>>, vector<1x16xf32>,
      %parallel_loop3A_322 = vector.shape_cast %parallel_loop3A_321 : vector<1x16xf32> to vector<16xf32>
      %parallel_loop3A_323 = arith.index_cast %parallel_loop3A_196 : i32 to index
      %parallel_loop3A_324 = arith.constant 176 : index
      %parallel_loop3A_325 = tpu.vector_load %arg8[%parallel_loop3A_323, %parallel_loop3A_324] {strides = array<i32>} : memref<64x256xf32, #tpu.memory_space<vmem>>, vector<1x16xf32>,
      %parallel_loop3A_326 = vector.shape_cast %parallel_loop3A_325 : vector<1x16xf32> to vector<16xf32>
      %parallel_loop3A_327 = arith.subf %parallel_loop3A_322, %parallel_loop3A_326 : vector<16xf32>
      %parallel_loop3A_328 = arith.mulf %parallel_loop3A_327, %parallel_loop3A_327 : vector<16xf32>
      %parallel_loop3A_329 = arith.addf %parallel_loop3A_318, %parallel_loop3A_328 : vector<16xf32>
      %parallel_loop3A_330 = arith.index_cast %parallel_loop3A_196 : i32 to index
      %parallel_loop3A_331 = arith.constant 192 : index
      %parallel_loop3A_332 = tpu.vector_load %arg11[%parallel_loop3A_330, %parallel_loop3A_331] {strides = array<i32>} : memref<64x256xf32, #tpu.memory_space<vmem>>, vector<1x16xf32>,
      %parallel_loop3A_333 = vector.shape_cast %parallel_loop3A_332 : vector<1x16xf32> to vector<16xf32>
      %parallel_loop3A_334 = arith.index_cast %parallel_loop3A_196 : i32 to index
      %parallel_loop3A_335 = arith.constant 192 : index
      %parallel_loop3A_336 = tpu.vector_load %arg8[%parallel_loop3A_334, %parallel_loop3A_335] {strides = array<i32>} : memref<64x256xf32, #tpu.memory_space<vmem>>, vector<1x16xf32>,
      %parallel_loop3A_337 = vector.shape_cast %parallel_loop3A_336 : vector<1x16xf32> to vector<16xf32>
      %parallel_loop3A_338 = arith.subf %parallel_loop3A_333, %parallel_loop3A_337 : vector<16xf32>
      %parallel_loop3A_339 = arith.mulf %parallel_loop3A_338, %parallel_loop3A_338 : vector<16xf32>
      %parallel_loop3A_340 = arith.addf %parallel_loop3A_329, %parallel_loop3A_339 : vector<16xf32>
      %parallel_loop3A_341 = arith.index_cast %parallel_loop3A_196 : i32 to index
      %parallel_loop3A_342 = arith.constant 208 : index
      %parallel_loop3A_343 = tpu.vector_load %arg11[%parallel_loop3A_341, %parallel_loop3A_342] {strides = array<i32>} : memref<64x256xf32, #tpu.memory_space<vmem>>, vector<1x16xf32>,
      %parallel_loop3A_344 = vector.shape_cast %parallel_loop3A_343 : vector<1x16xf32> to vector<16xf32>
      %parallel_loop3A_345 = arith.index_cast %parallel_loop3A_196 : i32 to index
      %parallel_loop3A_346 = arith.constant 208 : index
      %parallel_loop3A_347 = tpu.vector_load %arg8[%parallel_loop3A_345, %parallel_loop3A_346] {strides = array<i32>} : memref<64x256xf32, #tpu.memory_space<vmem>>, vector<1x16xf32>,
      %parallel_loop3A_348 = vector.shape_cast %parallel_loop3A_347 : vector<1x16xf32> to vector<16xf32>
      %parallel_loop3A_349 = arith.subf %parallel_loop3A_344, %parallel_loop3A_348 : vector<16xf32>
      %parallel_loop3A_350 = arith.mulf %parallel_loop3A_349, %parallel_loop3A_349 : vector<16xf32>
      %parallel_loop3A_351 = arith.addf %parallel_loop3A_340, %parallel_loop3A_350 : vector<16xf32>
      %parallel_loop3A_352 = arith.index_cast %parallel_loop3A_196 : i32 to index
      %parallel_loop3A_353 = arith.constant 224 : index
      %parallel_loop3A_354 = tpu.vector_load %arg11[%parallel_loop3A_352, %parallel_loop3A_353] {strides = array<i32>} : memref<64x256xf32, #tpu.memory_space<vmem>>, vector<1x16xf32>,
      %parallel_loop3A_355 = vector.shape_cast %parallel_loop3A_354 : vector<1x16xf32> to vector<16xf32>
      %parallel_loop3A_356 = arith.index_cast %parallel_loop3A_196 : i32 to index
      %parallel_loop3A_357 = arith.constant 224 : index
      %parallel_loop3A_358 = tpu.vector_load %arg8[%parallel_loop3A_356, %parallel_loop3A_357] {strides = array<i32>} : memref<64x256xf32, #tpu.memory_space<vmem>>, vector<1x16xf32>,
      %parallel_loop3A_359 = vector.shape_cast %parallel_loop3A_358 : vector<1x16xf32> to vector<16xf32>
      %parallel_loop3A_360 = arith.subf %parallel_loop3A_355, %parallel_loop3A_359 : vector<16xf32>
      %parallel_loop3A_361 = arith.mulf %parallel_loop3A_360, %parallel_loop3A_360 : vector<16xf32>
      %parallel_loop3A_362 = arith.addf %parallel_loop3A_351, %parallel_loop3A_361 : vector<16xf32>
      %parallel_loop3A_363 = arith.index_cast %parallel_loop3A_196 : i32 to index
      %parallel_loop3A_364 = arith.constant 240 : index
      %parallel_loop3A_365 = tpu.vector_load %arg11[%parallel_loop3A_363, %parallel_loop3A_364] {strides = array<i32>} : memref<64x256xf32, #tpu.memory_space<vmem>>, vector<1x16xf32>,
      %parallel_loop3A_366 = vector.shape_cast %parallel_loop3A_365 : vector<1x16xf32> to vector<16xf32>
      %parallel_loop3A_367 = arith.index_cast %parallel_loop3A_196 : i32 to index
      %parallel_loop3A_368 = arith.constant 240 : index
      %parallel_loop3A_369 = tpu.vector_load %arg8[%parallel_loop3A_367, %parallel_loop3A_368] {strides = array<i32>} : memref<64x256xf32, #tpu.memory_space<vmem>>, vector<1x16xf32>,
      %parallel_loop3A_370 = vector.shape_cast %parallel_loop3A_369 : vector<1x16xf32> to vector<16xf32>
      %parallel_loop3A_371 = arith.subf %parallel_loop3A_366, %parallel_loop3A_370 : vector<16xf32>
      %parallel_loop3A_372 = arith.mulf %parallel_loop3A_371, %parallel_loop3A_371 : vector<16xf32>
      %parallel_loop3A_373 = arith.addf %parallel_loop3A_362, %parallel_loop3A_372 : vector<16xf32>
      scf.yield %parallel_loop3A_373 : vector<16xf32>
    } {sc.loop_unroll_factor = 2 : i64, sc.parallel_access}
    %swap3A = arith.constant 0 : index
    %swap3A_193 = tpu.vector_load %arg13[%swap3A] {strides = array<i32>} : memref<16xf32, #tpu.memory_space<vmem>>, vector<16xf32>,
    %swap3A_194 = vector.shape_cast %swap3A_193 : vector<16xf32> to vector<16xf32>
    %swap3A_195 = vector.shape_cast %parallel_loop3A_192 : vector<16xf32> to vector<16xf32>
    tpu.vector_store %arg13[%swap3A], %swap3A_195 {strides = array<i32>} : memref<16xf32, #tpu.memory_space<vmem>>, vector<16xf32>,
    "tpu.region"() ({
      %run_scoped3A = tpu.sem_alloc : memref<!tpu.dma_semaphore, #tpu.memory_space<semaphore_mem>>
      %dma_start3A_196 = arith.constant 0 : i32
      %dma_start3A_197 = tpu.memref_slice %arg5[%add3A, %dma_start3A_196] : memref<32x16xf32, #tpu.memory_space<hbm>> -> memref<1x16xf32, #tpu.memory_space<hbm>>
      %dma_start3A_198 = tpu.memref_squeeze %dma_start3A_197 : memref<1x16xf32, #tpu.memory_space<hbm>> -> memref<16xf32, #tpu.memory_space<hbm>>
      %dma_start3A_199 = arith.constant 0 : i32
      %dma_start3A_200 = tpu.memref_slice %arg5[%add3A, %dma_start3A_199] : memref<32x16xf32, #tpu.memory_space<hbm>> -> memref<1x16xf32, #tpu.memory_space<hbm>>
      %dma_start3A_201 = tpu.memref_squeeze %dma_start3A_200 : memref<1x16xf32, #tpu.memory_space<hbm>> -> memref<16xf32, #tpu.memory_space<hbm>>
      tpu.enqueue_dma source(%arg13 : memref<16xf32, #tpu.memory_space<vmem>>) target(%dma_start3A_201 : memref<16xf32, #tpu.memory_space<hbm>>) target_semaphore(%run_scoped3A : memref<!tpu.dma_semaphore, #tpu.memory_space<semaphore_mem>>)
      %dma_wait3A_202 = arith.constant 0 : i32
      %dma_wait3A_203 = tpu.memref_slice %arg5[%add3A, %dma_wait3A_202] : memref<32x16xf32, #tpu.memory_space<hbm>> -> memref<1x16xf32, #tpu.memory_space<hbm>>
      %dma_wait3A_204 = tpu.memref_squeeze %dma_wait3A_203 : memref<1x16xf32, #tpu.memory_space<hbm>> -> memref<16xf32, #tpu.memory_space<hbm>>
      %dma_wait3A_205 = arith.constant 0 : i32
      %dma_wait3A_206 = tpu.memref_slice %arg5[%add3A, %dma_wait3A_205] : memref<32x16xf32, #tpu.memory_space<hbm>> -> memref<1x16xf32, #tpu.memory_space<hbm>>
      %dma_wait3A_207 = tpu.memref_squeeze %dma_wait3A_206 : memref<1x16xf32, #tpu.memory_space<hbm>> -> memref<16xf32, #tpu.memory_space<hbm>>
      tpu.wait_dma2 semaphore(%run_scoped3A : memref<!tpu.dma_semaphore, #tpu.memory_space<semaphore_mem>>) src(%arg13 : memref<16xf32, #tpu.memory_space<vmem>>) dst(%dma_wait3A_207 : memref<16xf32, #tpu.memory_space<hbm>>)
      tpu.yield
    }) : () -> ()
    return
  }
}

</mosaic_0001>

<sc_bundles>
// kernel: kernel.3.cloned.1.call-start
scs
__scs_entry_jumppad:
0x0: {  	(pc) =	sbr.rel $0x88, $3  }
0x1: {  	(tag) =	ssettag $0x0;
	lr =	simm.s32 $0x1  }
0x2: {  	[smem:$0x3F9E] =	sst lr;
	_ =	strace $0xD0000000  }
0x3: {  	_ = 	snop  }
0x4: {  	_ = 	snop  }
0x5: {  	_ = 	snop  }
0x6: {  	_ = 	snop  }
0x7: {  	_ = 	snop  }
__scs_overlays_trampoline_lowered:
0x8: {  	[smem:$0x3FAD] =	sst s0  }
0x9: {  	[smem:$0x3FAE] =	sst s1  }
0xa: {  	[smem:$0x3FAF] =	sst s2  }
0xb: {  	[smem:$0x3FB0] =	sst s3  }
0xc: {  	[smem:$0x3FB1] =	sst s4  }
0xd: {  	[smem:$0x3FB2] =	sst s5  }
0xe: {  	[smem:$0x3FB3] =	sst s6  }
0xf: {  	[smem:$0x3FB4] =	sst s7  }
0x10: {  	[smem:$0x3FB5] =	sst s8  }
0x11: {  	[smem:$0x3FB6] =	sst s9;
	s0 =	simm.s32 @!p0 $0x0  }
0x12: {  	s1 =	sld [smem:$0x3F9C];
	s0 =	simm.s32 @p0 $0x1  }
0x13: {  	[smem:$0x3FB7] =	sst s0;
	s0 =	simm.s32 @!p1 $0x0  }
0x14: {  	s2 =	sld [smem:$0x3F9B];
	s0 =	simm.s32 @p1 $0x1  }
0x15: {  	[smem:$0x3FB8] =	sst s0;
	s0 =	simm.s32 @!p2 $0x0  }
0x16: {  	s3 =	sld [smem:$0x3FDB];
	s0 =	simm.s32 @p2 $0x1  }
0x17: {  	s4 =	simm.s32 $0x1BF5;
	[smem:$0x3FBA] =	sst s0  }
0x18: {  	s0 =	sld [smem:$0x3F9D];
	_ =	swait.ge [sflag:s4], $0x0  }
0x19: {  	s7 =	sld [smem:$0x3F9E]  }
0x1a: {  	s8 =	sadd.s32 $0xFFFFE003, lr  }
0x1b: {  	s9 =	sadd.s32 $0xFFFFFEF7, lr;
	s5 =	simm.s32 $0xFFFFFFFF;
	p2 =	slt.u32 s8, $0xFFFFF086  }
0x1c: {  	p1 =	slt.u32 s9, $0xF7A;
	s5 =	simm.s32 @!p2 $0x0  }
0x1d: {  	s5 =	simm.s32 @p1 $0x1;
	p0 =	seq.s32 s7, s2  }
0x1e: {  	s7 =	smul.u32 @!p0 $0xF7A, s2;
	p2 =	seq.s32 @!p0 s5, $0x0  }
0x1f: {  	s9 =	smul.u32 $0xF7A, s1;
	s8 =	simm.s32 @!p0 $0x1BF5;
	p2 =	por !p2, p0  }
0x20: {  	[sflag:s8] =	ssyncset.s32 @!p0 $0xFFFFF086;
	s6 =	sadd.s32 @!p0 s3, s7;
	s7 =	simm.s32 @!p0 $0x108  }
0x21: {  	s3 =	sadd.s32 s3, s9;
	s6 =	sadd.s32 @!p0 $0x88, s6;
	s7 =	simm.s32 @p2 $0x1082  }
0x22: {  	[simem:s7], [sflag:s8] =	dma.local @!p0 [hbm:s6], $0xF7A  }
0x23: {  	s9 =	sor.u32 $0xD0000000, s2;
	s6 =	simm.s32 $0x108;
	_ =	swait.ge @!p0 [sflag:s8], $0x0  }
0x24: {  	s3 =	sadd.s32 $0x88, s3;
	s6 =	simm.s32 @!p1 $0x1082;
	[sflag:s4] =	ssyncset.s32 $0xFFFFF086  }
0x25: {  	[simem:s6], [sflag:s4] =	dma.local [hbm:s3], $0xF7A  }
0x26: {  	[smem:$0x3F9E] =	sst s1;
	(tag) =	ssettag s2;
	_ =	strace s9  }
0x27: {  	s1 =	sld [smem:$0x3FAE]  }
0x28: {  	s2 =	sld [smem:$0x3FAF]  }
0x29: {  	s4 =	sld [smem:$0x3FB1]  }
0x2a: {  	p0 =	seq.s32 s5, $0x0;
	s5 =	sld [smem:$0x3FB2]  }
0x2b: {  	s6 =	sld [smem:$0x3FB3]  }
0x2c: {  	s7 =	sld [smem:$0x3FB4]  }
0x2d: {  	s3 =	simm.s32 $0x108;
	s8 =	sld [smem:$0x3FB5]  }
0x2e: {  	s3 =	simm.s32 @!p0 $0x1082;
	s9 =	sld [smem:$0x3FB6]  }
0x2f: {  	lr =	sadd.s32 s0, s3;
	s0 =	sld [smem:$0x3FAD]  }
0x30: {  	s3 =	sld [smem:$0x3FB0]  }
0x31: {  	[smem:$0x3FB9] =	sst s10  }
0x32: {  	s10 =	sld [smem:$0x3FB7];
	_ =	sdelay $0x3  }
0x33: {  	p0 =	seq.s32 s10, $0x1;
	s10 =	sld [smem:$0x3FB9];
	_ =	sdelay $0x3  }
0x34: {  	[smem:$0x3FB9] =	sst s10  }
0x35: {  	s10 =	sld [smem:$0x3FB8];
	_ =	sdelay $0x3  }
0x36: {  	p1 =	seq.s32 s10, $0x1;
	s10 =	sld [smem:$0x3FB9];
	_ =	sdelay $0x3  }
0x37: {  	[smem:$0x3FB9] =	sst s10  }
0x38: {  	s10 =	sld [smem:$0x3FBA]  }
0x39: {  	_ = 	snop;
	(pc) =	sbr.ind lr, $3  }
0x3a: {  	_ = 	snop  }
0x3b: {  	_ = 	snop  }
0x3c: {  	p2 =	seq.s32 s10, $0x1;
	s10 =	sld [smem:$0x3FB9]  }
0x3d: {  	_ =	shalt  }
0x3e: {  	_ =	shalt  }
0x3f: {  	_ =	shalt  }
0x40: {  	_ =	shalt  }
0x41: {  	_ =	shalt  }
0x42: {  	_ =	shalt  }
0x43: {  	_ =	shalt  }
0x44: {  	_ =	shalt  }
0x45: {  	_ =	shalt  }
0x46: {  	_ =	shalt  }
0x47: {  	_ =	shalt  }
0x48: {  	_ =	shalt  }
0x49: {  	_ =	shalt  }
0x4a: {  	_ =	shalt  }
0x4b: {  	_ =	shalt  }
0x4c: {  	_ =	shalt  }
0x4d: {  	_ =	shalt  }
0x4e: {  	_ =	shalt  }
0x4f: {  	_ =	shalt  }
0x50: {  	_ =	shalt  }
0x51: {  	_ =	shalt  }
0x52: {  	_ =	shalt  }
0x53: {  	_ =	shalt  }
0x54: {  	_ =	shalt  }
0x55: {  	_ =	shalt  }
0x56: {  	_ =	shalt  }
0x57: {  	_ =	shalt  }
0x58: {  	_ =	shalt  }
0x59: {  	_ =	shalt  }
0x5a: {  	_ =	shalt  }
0x5b: {  	_ =	shalt  }
0x5c: {  	_ =	shalt  }
0x5d: {  	_ =	shalt  }
0x5e: {  	_ =	shalt  }
0x5f: {  	_ =	shalt  }
0x60: {  	_ =	shalt  }
0x61: {  	_ =	shalt  }
0x62: {  	_ =	shalt  }
0x63: {  	_ =	shalt  }
0x64: {  	_ =	shalt  }
0x65: {  	_ =	shalt  }
0x66: {  	_ =	shalt  }
0x67: {  	_ =	shalt  }
0x68: {  	_ =	shalt  }
0x69: {  	_ =	shalt  }
0x6a: {  	_ =	shalt  }
0x6b: {  	_ =	shalt  }
0x6c: {  	_ =	shalt  }
0x6d: {  	_ =	shalt  }
0x6e: {  	_ =	shalt  }
0x6f: {  	_ =	shalt  }
0x70: {  	_ =	shalt  }
0x71: {  	_ =	shalt  }
0x72: {  	_ =	shalt  }
0x73: {  	_ =	shalt  }
0x74: {  	_ =	shalt  }
0x75: {  	_ =	shalt  }
0x76: {  	_ =	shalt  }
0x77: {  	_ =	shalt  }
0x78: {  	_ =	shalt  }
0x79: {  	_ =	shalt  }
0x7a: {  	_ =	shalt  }
0x7b: {  	_ =	shalt  }
0x7c: {  	_ =	shalt  }
0x7d: {  	_ =	shalt  }
0x7e: {  	_ =	shalt  }
0x7f: {  	_ =	shalt  }
0x80: {  	_ =	shalt  }
0x81: {  	_ =	shalt  }
0x82: {  	_ =	shalt  }
0x83: {  	_ =	shalt  }
0x84: {  	_ =	shalt  }
0x85: {  	_ =	shalt  }
0x86: {  	_ =	shalt  }
0x87: {  	_ =	shalt  }
.Lfunc_end0:
.L_simem_size_0:
called_computation_lowered:
.L_overlay_start_0:
0x88: {  	s2 =	sld [smem:$0x3FD9]  }
0x89: {  	s3 =	sld [smem:$0x3FFE];
	_ =	sdelay $0x1  }
0x8a: {  	s1 =	srdreg.scid  }
0x8b: {  	s0 =	sand.u32 $0x1, s1  }
0x8c: {  	s17 =	sshll.u32 s0, $0xA;
	s2 =	sadd.s32 s3, s2  }
0x8d: {  	s2 =	sadd.s32 s2, s17  }
0x8e: {  	[smem:$0x3FC5] =	sst s2  }
0x8f: {  	_ = 	snop  }
0x90: {  	s2 =	sld [smem:$0x3FC9]  }
0x91: {  	s18 =	sld [smem:$0x3FC8]  }
0x92: {  	s4 =	sld [smem:$0x3FC7];
	(tm) =	ssettm $0x1  }
0x93: {  	s5 =	sld [smem:$0x3FFB];
	_ =	sdelay $0x3  }
0x94: {  	_ =	strace s5  }
0x95: {  	s5 =	sld [smem:$0x3FFC];
	_ =	sdelay $0x3  }
0x96: {  	_ =	strace s5  }
0x97: {  	s5 =	sld [smem:$0x3FFD];
	_ =	sdelay $0x3  }
0x98: {  	_ =	strace s5  }
0x99: {  	_ =	strace $0x8FFFFFFF  }
0x9a: {  	s19 =	sld [smem:$0x3FDB];
	_ =	sdelay $0x1  }
0x9b: {  	s6 =	simm.s32 $_scs_section_size  }
0x9c: {  	s7 =	simm.s32 $_size__tile_overlayer_lowered;
	s8 =	simm.s32 $_tile_overlayer_lowered  }
0x9d: {  	s22 =	simm.s32 $0x1BFF;
	s21 =	sshll.u32 s8, $0x1;
	s5 =	sadd.s32 s6, s19  }
0x9e: {  	s9 =	simm.s32 $0x0;
	s20 =	sshll.u32 s7, $0x1;
	s7 =	sadd.s32 s21, s5  }
0x9f: {  	[timem:s9], [sflag:s22] =	dma.local [hbm:s7], s20  }
0xa0: {  	_ =	swait.ge [sflag:s22], s20  }
0xa1: {  	s6 =	ssub.s32 $0x0, s20;
	[sflag:s22] =	ssyncset.done $0x0  }
0xa2: {  	[sflag:s22] =	ssyncadd.s32 s6;
	_ =	sdelay $0x1  }
0xa3: {  	s23 =	simm.s32 $0x1B8B  }
0xa4: {  	_ =	swait.ge [sflag:s23], $0x1  }
0xa5: {  	[sflag:s23] =	ssyncset.done $0x0  }
0xa6: {  	s25 =	simm.s32 $0x1B8E;
	s24 =	sld [smem:$0x3FFE];
	[sflag:s23] =	ssyncadd.s32 $0xFFFFFFFF  }
0xa7: {  	s26 =	simm.s32 $execute0_lowered;
	[smem:$0x3FD2] =	sst s25  }
0xa8: {  	s7 =	sshll.u32 s26, $0x1;
	_ =	strace $0x80000046;
	[dreg:$0x1] =	wrdreg $0xFFFFFFFF  }
0xa9: {  	s28 =	simm.s32 $_size_execute0_lowered;
	s5 =	sadd.s32 s5, s7;
	[dreg:$0x0] =	wrdreg $0x0  }
0xaa: {  	s7 =	sshll.u32 s28, $0x1;
	[dreg:$0x2] =	wrdreg s5  }
0xab: {  	[dreg:$0x3] =	wrdreg s7  }
0xac: {  	[dreg:$0x4] =	wrdreg $0xC0  }
0xad: {  	_ =	task [dreg:s9], $0x5FFFF  }
0xae: {  	[dreg:$0x1] =	wrdreg $0xFFFFFFFF  }
0xaf: {  	[dreg:$0x0] =	wrdreg $0x60  }
0xb0: {  	[dreg:$0x2] =	wrdreg s2  }
0xb1: {  	[dreg:$0x3] =	wrdreg s18  }
0xb2: {  	[dreg:$0x4] =	wrdreg s4  }
0xb3: {  	[dreg:$0x5] =	wrdreg s24  }
0xb4: {  	[dreg:$0x6] =	wrdreg $0x9  }
0xb5: {  	_ =	task.clear_ibuf [dreg:s9], $0x7FFFF;
	_ =	strace $0x90000046  }
0xb6: {  	s29 =	simm.s32 $0x9;
	_ =	strace $0x80000048  }
0xb7: {  	_ =	swait.ge [sflag:s29], $0x1  }
0xb8: {  	[sflag:s29] =	ssyncadd.s32 $0xFFFFFFFF  }
0xb9: {  	_ =	strace $0x90000048  }
0xba: {  	_ =	sfence  }
0xbb: {  	s30 =	sld [smem:$0x0];
	_ =	sdelay $0x2  }
0xbc: {  	s31 =	sshll.u32 s1, $0xD;
	s1 =	sshrl.u32 s1, $0x2  }
0xbd: {  	s3 =	sand.u32 $0x4000, s31;
	s1 =	sadd.s32 s1, s30  }
0xbe: {  	s0 =	sor.u32 s3, s0;
	s1 =	sshll.u32 s1, $0x11  }
0xbf: {  	s0 =	sor.u32 s1, s0  }
0xc0: {  	s0 =	sadd.s32 $0x8F2B, s0  }
0xc1: {  	[sflag:s0] =	ssyncadd.remote.s32 $0x1  }
0xc2: {  	_ =	sfence.sel $0xFFFF  }
0xc3: {  	[dreg:$0x0] =	wrdreg $0xFFFFFFFF;
	(pc) =	sbr.abs _section_cstart, $3  }
0xc4: {  	[dreg:$0x1] =	wrdreg $0xFFFFFFFF  }
0xc5: {  	_ =	task.clear_ibuf [dreg:s9], $0x2FFFF;
	_ =	strace $0x9FFFFFFF  }
0xc6: {  	(tm) =	ssettm $0x7FFFFFFF  }
0xc7: {  	_ =	shalt  }
tec
execute0_lowered:
.L_overlay_start_1:
0x0: {  	(tag) =	ssettag $0x1  }
0x1: {  	s0 =	rddreg [dreg:$0x0]  }
0x2: {  	s1 =	rddreg [dreg:$0x1]  }
0x3: {  	s2 =	rddreg [dreg:$0x2]  }
0x4: {  	s5 =	rddreg [dreg:$0x3];
	s4 =	srdreg.scid  }
0x5: {  	s6 =	stileid.u32;
	s3 =	simm.s32 $0x0;
	s15 =	simm.s32 $0xC200  }
0x6: {  	s28 =	simm.s32 $0x4A00;
	s29 =	simm.s32 $0x5200;
	s30 =	simm.s32 $0x5A00  }
0x7: {  	s31 =	simm.s32 $0x6200;
	s4 =	sand.u32 $0x1, s4;
	s6 =	sshll.u32 s6, $0x1  }
0x8: {  	s9 =	simm.s32 $0x0;
	[smem:$0x7FF] =	sst s3;
	s6 =	sor.u32 s4, s6  }
0x9: {  	_ =	strace $0x80000047;
	s16 =	sshll.u32 s6, $0xE;
	s17 =	sshll.u32 s6, $0x6  }
0xa: {  	s7 =	ssub.s32 $0x2, s4;
	s4 =	sadd.s32 s0, s16;
	s0 =	sadd.s32 s1, s17  }
0xb: {  	s8 =	sshrl.u32 s7, $0x1;
	s18 =	sadd.s32 $0x800, s4;
	[dreg:$0x6] =	wrdreg s0  }
0xc: {  	s24 =	sshll.u32 s6, $0x4;
	s19 =	sadd.s32 $0x1000, s4;
	[dreg:$0x5] =	wrdreg s18  }
0xd: {  	s6 =	simm.s32 $0x1;
	s20 =	sadd.s32 $0x1800, s4;
	[dreg:$0x7] =	wrdreg s19  }
0xe: {  	s7 =	ssub.s32 s7, s8;
	s21 =	sadd.s32 $0x2000, s4;
	[dreg:$0x8] =	wrdreg s20  }
0xf: {  	s16 =	simm.s32 $0x10200;
	s22 =	sadd.s32 $0x2800, s4;
	[dreg:$0x9] =	wrdreg s21  }
0x10: {  	s17 =	simm.s32 $0x4;
	s23 =	sadd.s32 $0x3000, s4;
	[dreg:$0xa] =	wrdreg s22  }
0x11: {  	s1 =	simm.s32 $0x7200;
	s25 =	sadd.s32 $0x3800, s4;
	[dreg:$0xb] =	wrdreg s23  }
0x12: {  	s8 =	simm.s32 $0x3;
	s0 =	sadd.s32 s5, s24;
	[dreg:$0xc] =	wrdreg s25  }
0x13: {  	s26 =	smax.u32 s7, $0x1;
	s24 =	simm.s32 $0x3200;
	[dreg:$0xd] =	wrdreg s0  }
0x14: {  	s5 =	simm.s32 $0x7A00;
	s7 =	simm.s32 $0x2;
	[dreg:$0xe] =	wrdreg s26  }
0x15: {  	v2 =	vlaneseq.u32;
	s18 =	simm.s32 $0x200;
	s19 =	simm.s32 $0xA00;
	s20 =	simm.s32 $0x1200  }
0x16: {  	vm0 =	vmmov $0xffff;
	v1 =	vshrl.u32 v2, $0x3;
	s21 =	simm.s32 $0x1A00;
	s22 =	simm.s32 $0x2200;
	s23 =	simm.s32 $0x2A00  }
0x17: {  	v0 =	vand.u32 $0x7, v2;
	v2 =	vor.u32 $0x8, v2;
	v1 =	vmul.u32 $0x8, v1;
	s25 =	simm.s32 $0x3A00;
	s26 =	simm.s32 $0x4200;
	s0 =	simm.s32 $0x6A00  }
.LBB2_1:
0x18: {  	[tilespmem:s15], [sflag:$0x1] =	stream.linear.gather [hbm4b:s4+s3], $0x4000, $0x38;
	[tilespmem:$0x18280] =	vst v63  }
0x19: {  	s10 =	rddreg [dreg:$0x5]  }
0x1a: {  	[tilespmem:s16], [sflag:$0x2] =	stream.linear.gather [hbm4b:s10+s3], $0x4000, $0x38;
	[tilespmem:$0x18280] =	vst v63  }
0x1b: {  	s13 =	rddreg [dreg:$0x6]  }
0x1c: {  	[tilespmem:s3], [sflag:$0x4] =	stream.linear.gather [hbm4b:s13+s3], $0x200, $0x38;
	[tilespmem:$0x18280] =	vst v63  }
0x1d: {  	_ =	swait.ge [sflag:s17], $0x200  }
0x1e: {  	[sflag:s17] =	ssyncset.done $0x0  }
0x1f: {  	[sflag:s17] =	ssyncadd.s32 $0xFFFFFE00  }
0x20: {  	v3 =	vld [tilespmem:$0x0];
	_ =	sdelay $0x4  }
0x21: {  	v4 =	vshll.u32 v3, $0x1  }
0x22: {  	v3 =	vand.u32 $0x7, v3;
	v4 =	vand.u32 $0xFFFFFFF0, v4  }
0x23: {  	v3 =	vor.u32 v3, v4  }
0x24: {  	v4 =	vperm.xlane v3, v0;
	_ =	sdelay $0x1  }
0x25: {  	v3 =	vperm.xlane v3, v2;
	v4 =	vadd.s32 v1, v4;
	_ =	sdelay $0x1  }
0x26: {  	v3 =	vadd.s32 v1, v3;
	_ =	sdelay $0x2  }
0x27: {  	[tilespmem:s18], [sflag:$0x1] =	stream.indirect_vreg.gather [hbm4b:s2+s3], $0x80, v4, vm0, $0xb8;
	[tilespmem:$0x18280] =	vst v63  }
0x28: {  	_ = 	snop  }
0x29: {  	[tilespmem:s19], [sflag:$0x1] =	stream.indirect_vreg.gather [hbm4b:s2+s3], $0x80, v3, vm0, $0xb8;
	[tilespmem:$0x18280] =	vst v63  }
0x2a: {  	v3 =	vld [tilespmem:$0x10];
	_ =	sdelay $0x4  }
0x2b: {  	v4 =	vshll.u32 v3, $0x1  }
0x2c: {  	v3 =	vand.u32 $0x7, v3;
	v4 =	vand.u32 $0xFFFFFFF0, v4  }
0x2d: {  	v3 =	vor.u32 v3, v4  }
0x2e: {  	v4 =	vperm.xlane v3, v0;
	_ =	sdelay $0x1  }
0x2f: {  	v3 =	vperm.xlane v3, v2;
	v4 =	vadd.s32 v1, v4;
	_ =	sdelay $0x1  }
0x30: {  	v3 =	vadd.s32 v1, v3;
	_ =	sdelay $0x2  }
0x31: {  	[tilespmem:s20], [sflag:$0x1] =	stream.indirect_vreg.gather [hbm4b:s2+s3], $0x80, v4, vm0, $0xb8;
	[tilespmem:$0x18280] =	vst v63  }
0x32: {  	_ = 	snop  }
0x33: {  	[tilespmem:s21], [sflag:$0x1] =	stream.indirect_vreg.gather [hbm4b:s2+s3], $0x80, v3, vm0, $0xb8;
	[tilespmem:$0x18280] =	vst v63  }
0x34: {  	v3 =	vld [tilespmem:$0x20];
	_ =	sdelay $0x4  }
0x35: {  	v4 =	vshll.u32 v3, $0x1  }
0x36: {  	v3 =	vand.u32 $0x7, v3;
	v4 =	vand.u32 $0xFFFFFFF0, v4  }
0x37: {  	v3 =	vor.u32 v3, v4  }
0x38: {  	v4 =	vperm.xlane v3, v0;
	_ =	sdelay $0x1  }
0x39: {  	v3 =	vperm.xlane v3, v2;
	v4 =	vadd.s32 v1, v4;
	_ =	sdelay $0x1  }
0x3a: {  	v3 =	vadd.s32 v1, v3;
	_ =	sdelay $0x2  }
0x3b: {  	[tilespmem:s22], [sflag:$0x1] =	stream.indirect_vreg.gather [hbm4b:s2+s3], $0x80, v4, vm0, $0xb8;
	[tilespmem:$0x18280] =	vst v63  }
0x3c: {  	_ = 	snop  }
0x3d: {  	[tilespmem:s23], [sflag:$0x1] =	stream.indirect_vreg.gather [hbm4b:s2+s3], $0x80, v3, vm0, $0xb8;
	[tilespmem:$0x18280] =	vst v63  }
0x3e: {  	v3 =	vld [tilespmem:$0x30];
	_ =	sdelay $0x4  }
0x3f: {  	v4 =	vshll.u32 v3, $0x1  }
0x40: {  	v3 =	vand.u32 $0x7, v3;
	v4 =	vand.u32 $0xFFFFFFF0, v4  }
0x41: {  	v3 =	vor.u32 v3, v4  }
0x42: {  	v4 =	vperm.xlane v3, v0;
	_ =	sdelay $0x1  }
0x43: {  	v3 =	vperm.xlane v3, v2;
	v4 =	vadd.s32 v1, v4;
	_ =	sdelay $0x1  }
0x44: {  	v3 =	vadd.s32 v1, v3;
	_ =	sdelay $0x2  }
0x45: {  	[tilespmem:s24], [sflag:$0x1] =	stream.indirect_vreg.gather [hbm4b:s2+s3], $0x80, v4, vm0, $0xb8;
	[tilespmem:$0x18280] =	vst v63  }
0x46: {  	_ = 	snop  }
0x47: {  	[tilespmem:s25], [sflag:$0x1] =	stream.indirect_vreg.gather [hbm4b:s2+s3], $0x80, v3, vm0, $0xb8;
	[tilespmem:$0x18280] =	vst v63  }
0x48: {  	v3 =	vld [tilespmem:$0x40];
	_ =	sdelay $0x4  }
0x49: {  	v4 =	vshll.u32 v3, $0x1  }
0x4a: {  	v3 =	vand.u32 $0x7, v3;
	v4 =	vand.u32 $0xFFFFFFF0, v4  }
0x4b: {  	v3 =	vor.u32 v3, v4  }
0x4c: {  	v4 =	vperm.xlane v3, v0;
	_ =	sdelay $0x1  }
0x4d: {  	v3 =	vperm.xlane v3, v2;
	v4 =	vadd.s32 v1, v4;
	_ =	sdelay $0x1  }
0x4e: {  	v3 =	vadd.s32 v1, v3;
	_ =	sdelay $0x2  }
0x4f: {  	[tilespmem:s26], [sflag:$0x2] =	stream.indirect_vreg.gather [hbm4b:s2+s3], $0x80, v4, vm0, $0xb8;
	[tilespmem:$0x18280] =	vst v63  }
0x50: {  	_ = 	snop  }
0x51: {  	[tilespmem:s28], [sflag:$0x2] =	stream.indirect_vreg.gather [hbm4b:s2+s3], $0x80, v3, vm0, $0xb8;
	[tilespmem:$0x18280] =	vst v63  }
0x52: {  	v3 =	vld [tilespmem:$0x50];
	_ =	sdelay $0x4  }
0x53: {  	v4 =	vshll.u32 v3, $0x1  }
0x54: {  	v3 =	vand.u32 $0x7, v3;
	v4 =	vand.u32 $0xFFFFFFF0, v4  }
0x55: {  	v3 =	vor.u32 v3, v4  }
0x56: {  	v4 =	vperm.xlane v3, v0;
	_ =	sdelay $0x1  }
0x57: {  	v3 =	vperm.xlane v3, v2;
	v4 =	vadd.s32 v1, v4;
	_ =	sdelay $0x1  }
0x58: {  	v3 =	vadd.s32 v1, v3;
	_ =	sdelay $0x2  }
0x59: {  	[tilespmem:s29], [sflag:$0x2] =	stream.indirect_vreg.gather [hbm4b:s2+s3], $0x80, v4, vm0, $0xb8;
	[tilespmem:$0x18280] =	vst v63  }
0x5a: {  	_ = 	snop  }
0x5b: {  	[tilespmem:s30], [sflag:$0x2] =	stream.indirect_vreg.gather [hbm4b:s2+s3], $0x80, v3, vm0, $0xb8;
	[tilespmem:$0x18280] =	vst v63  }
0x5c: {  	v3 =	vld [tilespmem:$0x60];
	_ =	sdelay $0x4  }
0x5d: {  	v4 =	vshll.u32 v3, $0x1  }
0x5e: {  	v3 =	vand.u32 $0x7, v3;
	v4 =	vand.u32 $0xFFFFFFF0, v4  }
0x5f: {  	v3 =	vor.u32 v3, v4  }
0x60: {  	v4 =	vperm.xlane v3, v0;
	_ =	sdelay $0x1  }
0x61: {  	v3 =	vperm.xlane v3, v2;
	v4 =	vadd.s32 v1, v4;
	_ =	sdelay $0x1  }
0x62: {  	v3 =	vadd.s32 v1, v3;
	_ =	sdelay $0x2  }
0x63: {  	[tilespmem:s31], [sflag:$0x2] =	stream.indirect_vreg.gather [hbm4b:s2+s3], $0x80, v4, vm0, $0xb8;
	[tilespmem:$0x18280] =	vst v63  }
0x64: {  	_ = 	snop  }
0x65: {  	[tilespmem:s0], [sflag:$0x2] =	stream.indirect_vreg.gather [hbm4b:s2+s3], $0x80, v3, vm0, $0xb8;
	[tilespmem:$0x18280] =	vst v63  }
0x66: {  	v3 =	vld [tilespmem:$0x70];
	_ =	sdelay $0x4  }
0x67: {  	v4 =	vshll.u32 v3, $0x1  }
0x68: {  	v3 =	vand.u32 $0x7, v3;
	v4 =	vand.u32 $0xFFFFFFF0, v4  }
0x69: {  	v3 =	vor.u32 v3, v4  }
0x6a: {  	v4 =	vperm.xlane v3, v0;
	_ =	sdelay $0x1  }
0x6b: {  	v3 =	vperm.xlane v3, v2;
	v4 =	vadd.s32 v1, v4;
	_ =	sdelay $0x1  }
0x6c: {  	v3 =	vadd.s32 v1, v3;
	_ =	sdelay $0x2  }
0x6d: {  	[tilespmem:s1], [sflag:$0x2] =	stream.indirect_vreg.gather [hbm4b:s2+s3], $0x80, v4, vm0, $0xb8;
	[tilespmem:$0x18280] =	vst v63  }
0x6e: {  	_ = 	snop  }
0x6f: {  	[tilespmem:s5], [sflag:$0x2] =	stream.indirect_vreg.gather [hbm4b:s2+s3], $0x80, v3, vm0, $0xb8;
	[tilespmem:$0x18280] =	vst v63  }
0x70: {  	v3 =	vld [tilespmem:$0x80];
	_ =	sdelay $0x4  }
0x71: {  	v4 =	vshll.u32 v3, $0x1  }
0x72: {  	v3 =	vand.u32 $0x7, v3;
	v4 =	vand.u32 $0xFFFFFFF0, v4  }
0x73: {  	v3 =	vor.u32 v3, v4  }
0x74: {  	v4 =	vperm.xlane v3, v0;
	_ =	sdelay $0x1  }
0x75: {  	v3 =	vperm.xlane v3, v2;
	v4 =	vadd.s32 v1, v4;
	_ =	sdelay $0x1  }
0x76: {  	v3 =	vadd.s32 v1, v3;
	_ =	sdelay $0x1  }
0x77: {  	s14 =	simm.s32 $0x8200  }
0x78: {  	[tilespmem:s14], [sflag:$0x3] =	stream.indirect_vreg.gather [hbm4b:s2+s3], $0x80, v4, vm0, $0xb8;
	[tilespmem:$0x18280] =	vst v63  }
0x79: {  	s11 =	simm.s32 $0x8A00  }
0x7a: {  	[tilespmem:s11], [sflag:$0x3] =	stream.indirect_vreg.gather [hbm4b:s2+s3], $0x80, v3, vm0, $0xb8;
	[tilespmem:$0x18280] =	vst v63  }
0x7b: {  	v3 =	vld [tilespmem:$0x90];
	_ =	sdelay $0x4  }
0x7c: {  	v4 =	vshll.u32 v3, $0x1  }
0x7d: {  	v3 =	vand.u32 $0x7, v3;
	v4 =	vand.u32 $0xFFFFFFF0, v4  }
0x7e: {  	v3 =	vor.u32 v3, v4  }
0x7f: {  	v4 =	vperm.xlane v3, v0;
	_ =	sdelay $0x1  }
0x80: {  	v3 =	vperm.xlane v3, v2;
	v4 =	vadd.s32 v1, v4;
	_ =	sdelay $0x1  }
0x81: {  	v3 =	vadd.s32 v1, v3;
	_ =	sdelay $0x1  }
0x82: {  	s12 =	simm.s32 $0x9200  }
0x83: {  	[tilespmem:s12], [sflag:$0x3] =	stream.indirect_vreg.gather [hbm4b:s2+s3], $0x80, v4, vm0, $0xb8;
	[tilespmem:$0x18280] =	vst v63  }
0x84: {  	s13 =	simm.s32 $0x9A00  }
0x85: {  	[tilespmem:s13], [sflag:$0x3] =	stream.indirect_vreg.gather [hbm4b:s2+s3], $0x80, v3, vm0, $0xb8;
	[tilespmem:$0x18280] =	vst v63  }
0x86: {  	v3 =	vld [tilespmem:$0xA0];
	_ =	sdelay $0x4  }
0x87: {  	v4 =	vshll.u32 v3, $0x1  }
0x88: {  	v3 =	vand.u32 $0x7, v3;
	v4 =	vand.u32 $0xFFFFFFF0, v4  }
0x89: {  	v3 =	vor.u32 v3, v4  }
0x8a: {  	v4 =	vperm.xlane v3, v0;
	_ =	sdelay $0x1  }
0x8b: {  	v3 =	vperm.xlane v3, v2;
	v4 =	vadd.s32 v1, v4;
	_ =	sdelay $0x1  }
0x8c: {  	v3 =	vadd.s32 v1, v3;
	_ =	sdelay $0x1  }
0x8d: {  	s14 =	simm.s32 $0xA200  }
0x8e: {  	[tilespmem:s14], [sflag:$0x3] =	stream.indirect_vreg.gather [hbm4b:s2+s3], $0x80, v4, vm0, $0xb8;
	[tilespmem:$0x18280] =	vst v63  }
0x8f: {  	s11 =	simm.s32 $0xAA00  }
0x90: {  	[tilespmem:s11], [sflag:$0x3] =	stream.indirect_vreg.gather [hbm4b:s2+s3], $0x80, v3, vm0, $0xb8;
	[tilespmem:$0x18280] =	vst v63  }
0x91: {  	v3 =	vld [tilespmem:$0xB0];
	_ =	sdelay $0x4  }
0x92: {  	v4 =	vshll.u32 v3, $0x1  }
0x93: {  	v3 =	vand.u32 $0x7, v3;
	v4 =	vand.u32 $0xFFFFFFF0, v4  }
0x94: {  	v3 =	vor.u32 v3, v4  }
0x95: {  	v4 =	vperm.xlane v3, v0;
	_ =	sdelay $0x1  }
0x96: {  	v3 =	vperm.xlane v3, v2;
	v4 =	vadd.s32 v1, v4;
	_ =	sdelay $0x1  }
0x97: {  	v3 =	vadd.s32 v1, v3;
	_ =	sdelay $0x1  }
0x98: {  	s12 =	simm.s32 $0xB200  }
0x99: {  	[tilespmem:s12], [sflag:$0x3] =	stream.indirect_vreg.gather [hbm4b:s2+s3], $0x80, v4, vm0, $0xb8;
	[tilespmem:$0x18280] =	vst v63  }
0x9a: {  	s13 =	simm.s32 $0xBA00  }
0x9b: {  	[tilespmem:s13], [sflag:$0x3] =	stream.indirect_vreg.gather [hbm4b:s2+s3], $0x80, v3, vm0, $0xb8;
	[tilespmem:$0x18280] =	vst v63  }
0x9c: {  	s14 =	rddreg [dreg:$0x7];
	s11 =	simm.s32 $0x14200  }
0x9d: {  	[tilespmem:s11], [sflag:$0x3] =	stream.linear.gather [hbm4b:s14+s3], $0x4000, $0x38;
	[tilespmem:$0x18280] =	vst v63  }
0x9e: {  	_ =	swait.ge [sflag:s6], $0x4000  }
0x9f: {  	[sflag:s6] =	ssyncset.done $0x0  }
0xa0: {  	[sflag:s6] =	ssyncadd.s32 $0xFFFFC000  }
0xa1: {  	_ =	swait.ge [sflag:s6], $0x4000  }
0xa2: {  	s12 =	sand.u32 $0x3800, s3;
	s13 =	sand.u32 $0x380, s3;
	[sflag:s6] =	ssyncset.done $0x0  }
0xa3: {  	s12 =	sor.u32 s13, s12;
	[sflag:s6] =	ssyncadd.s32 $0xFFFFC000  }
0xa4: {  	v3 =	vld [tilespmem:s12+$0xC200]  }
0xa5: {  	v4 =	vld [tilespmem:s12+$0x200]  }
0xa6: {  	v5 =	vld [tilespmem:s12+$0xC210]  }
0xa7: {  	v6 =	vld [tilespmem:s12+$0x210]  }
0xa8: {  	v7 =	vld [tilespmem:s12+$0xC220]  }
0xa9: {  	v8 =	vld [tilespmem:s12+$0x220]  }
0xaa: {  	v9 =	vld [tilespmem:s12+$0xC230];
	v3 =	vsub.f32 v3, v4  }
0xab: {  	v4 =	vld [tilespmem:s12+$0x230]  }
0xac: {  	v10 =	vld [tilespmem:s12+$0xC240];
	v5 =	vsub.f32 v5, v6;
	v3 =	vmul.f32 v3, v3  }
0xad: {  	v11 =	vimm.f32 $0.0e+00;
	v6 =	vld [tilespmem:s12+$0x240]  }
0xae: {  	v12 =	vld [tilespmem:s12+$0xC250];
	v7 =	vsub.f32 v7, v8;
	v5 =	vmul.f32 v5, v5;
	v3 =	vadd.f32 v3, v11  }
0xaf: {  	v8 =	vld [tilespmem:s12+$0x250]  }
0xb0: {  	v11 =	vld [tilespmem:s12+$0xC260];
	v4 =	vsub.f32 v9, v4;
	v3 =	vadd.f32 v5, v3;
	v5 =	vmul.f32 v7, v7  }
0xb1: {  	v7 =	vld [tilespmem:s12+$0x260]  }
0xb2: {  	v9 =	vld [tilespmem:s12+$0xC270];
	v4 =	vmul.f32 v4, v4;
	v3 =	vadd.f32 v5, v3;
	v5 =	vsub.f32 v10, v6  }
0xb3: {  	v6 =	vld [tilespmem:s12+$0x270]  }
0xb4: {  	v10 =	vld [tilespmem:s12+$0xC600];
	v3 =	vadd.f32 v4, v3;
	v4 =	vmul.f32 v5, v5;
	v5 =	vsub.f32 v12, v8  }
0xb5: {  	v8 =	vld [tilespmem:s12+$0x600]  }
0xb6: {  	v62 =	vld [tilespmem:s12+$0xC610];
	v3 =	vadd.f32 v4, v3;
	v4 =	vmul.f32 v5, v5;
	v5 =	vsub.f32 v11, v7  }
0xb7: {  	v7 =	vld [tilespmem:s12+$0x610]  }
0xb8: {  	v11 =	vld [tilespmem:s12+$0xC620];
	v3 =	vadd.f32 v4, v3;
	v4 =	vmul.f32 v5, v5;
	v5 =	vsub.f32 v9, v6  }
0xb9: {  	v6 =	vld [tilespmem:s12+$0x620]  }
0xba: {  	v9 =	vld [tilespmem:s12+$0xC630];
	v3 =	vadd.f32 v4, v3;
	v4 =	vmul.f32 v5, v5;
	v5 =	vsub.f32 v10, v8  }
0xbb: {  	v8 =	vld [tilespmem:s12+$0x630]  }
0xbc: {  	v13 =	vld [tilespmem:s12+$0xC640];
	v7 =	vsub.f32 v62, v7;
	v4 =	vadd.f32 v4, v3;
	v5 =	vmul.f32 v5, v5  }
0xbd: {  	v63 =	vld [tilespmem:s12+$0x640]  }
0xbe: {  	v3 =	vld [tilespmem:s12+$0xC650];
	v7 =	vmul.f32 v7, v7;
	v6 =	vsub.f32 v11, v6;
	v10 =	vadd.f32 v5, v4  }
0xbf: {  	v5 =	vld [tilespmem:s12+$0x650]  }
0xc0: {  	v4 =	vld [tilespmem:s12+$0xC660];
	v11 =	vmul.f32 v6, v6;
	v8 =	vsub.f32 v9, v8;
	v10 =	vadd.f32 v7, v10  }
0xc1: {  	s14 =	simm.s32 $0x100;
	s11 =	simm.s32 $0x80;
	v6 =	vld [tilespmem:s12+$0x660]  }
0xc2: {  	s10 =	sand.u32 $0x3800, s14;
	s13 =	sand.u32 $0x380, s11;
	v7 =	vld [tilespmem:s12+$0xC670];
	v9 =	vadd.f32 v11, v10;
	v10 =	vmul.f32 v8, v8;
	v11 =	vsub.f32 v13, v63  }
0xc3: {  	s10 =	sor.u32 s13, s10;
	v8 =	vld [tilespmem:s12+$0x670];
	s12 =	simm.s32 $0x200  }
.LBB2_2:
0xc4: {  	p0 =	sne.s32 s12, $0x3F00;
	v12 =	vld [tilespmem:s10+$0xC200];
	v9 =	vadd.f32 v10, v9;
	v10 =	vmul.f32 v11, v11;
	v3 =	vsub.f32 v3, v5  }
0xc5: {  	v5 =	vld [tilespmem:s10+$0x200]  }
0xc6: {  	v11 =	vld [tilespmem:s10+$0xC210];
	v9 =	vadd.f32 v10, v9;
	v3 =	vmul.f32 v3, v3;
	v4 =	vsub.f32 v4, v6  }
0xc7: {  	v6 =	vld [tilespmem:s10+$0x210]  }
0xc8: {  	v10 =	vld [tilespmem:s10+$0xC220];
	v3 =	vadd.f32 v3, v9;
	v4 =	vmul.f32 v4, v4;
	v7 =	vsub.f32 v7, v8  }
0xc9: {  	v8 =	vld [tilespmem:s10+$0x220]  }
0xca: {  	v5 =	vsub.f32 v12, v5;
	v9 =	vld [tilespmem:s10+$0xC230];
	v3 =	vadd.f32 v4, v3;
	v4 =	vmul.f32 v7, v7  }
0xcb: {  	v7 =	vld [tilespmem:s10+$0x230]  }
0xcc: {  	v5 =	vmul.f32 v5, v5;
	v6 =	vsub.f32 v11, v6;
	v11 =	vld [tilespmem:s10+$0xC240];
	v3 =	vadd.f32 v4, v3  }
0xcd: {  	v4 =	vld [tilespmem:s10+$0x240]  }
0xce: {  	v3 =	vadd.f32 v5, v3;
	v5 =	vmul.f32 v6, v6;
	v6 =	vsub.f32 v10, v8;
	v8 =	vld [tilespmem:s10+$0xC250]  }
0xcf: {  	v10 =	vld [tilespmem:s10+$0x250]  }
0xd0: {  	v3 =	vadd.f32 v5, v3;
	v5 =	vmul.f32 v6, v6;
	v6 =	vsub.f32 v9, v7;
	v7 =	vld [tilespmem:s10+$0xC260]  }
0xd1: {  	v9 =	vld [tilespmem:s10+$0x260]  }
0xd2: {  	v3 =	vadd.f32 v5, v3;
	v5 =	vmul.f32 v6, v6;
	v4 =	vsub.f32 v11, v4;
	v6 =	vld [tilespmem:s10+$0xC270]  }
0xd3: {  	v11 =	vld [tilespmem:s10+$0x270]  }
0xd4: {  	v3 =	vadd.f32 v5, v3;
	v4 =	vmul.f32 v4, v4;
	v5 =	vsub.f32 v8, v10;
	v8 =	vld [tilespmem:s10+$0xC600]  }
0xd5: {  	v10 =	vld [tilespmem:s10+$0x600]  }
0xd6: {  	v3 =	vadd.f32 v4, v3;
	v4 =	vmul.f32 v5, v5;
	v5 =	vsub.f32 v7, v9;
	v7 =	vld [tilespmem:s10+$0xC610]  }
0xd7: {  	v9 =	vld [tilespmem:s10+$0x610]  }
0xd8: {  	v3 =	vadd.f32 v4, v3;
	v4 =	vmul.f32 v5, v5;
	v5 =	vsub.f32 v6, v11;
	v6 =	vld [tilespmem:s10+$0xC620]  }
0xd9: {  	v11 =	vld [tilespmem:s10+$0x620]  }
0xda: {  	v3 =	vadd.f32 v4, v3;
	v4 =	vmul.f32 v5, v5;
	v5 =	vsub.f32 v8, v10;
	v8 =	vld [tilespmem:s10+$0xC630]  }
0xdb: {  	v10 =	vld [tilespmem:s10+$0x630]  }
0xdc: {  	v3 =	vadd.f32 v4, v3;
	v4 =	vmul.f32 v5, v5;
	v5 =	vsub.f32 v7, v9;
	v7 =	vld [tilespmem:s10+$0xC640]  }
0xdd: {  	v12 =	vld [tilespmem:s10+$0x640]  }
0xde: {  	v4 =	vadd.f32 v4, v3;
	v9 =	vmul.f32 v5, v5;
	v6 =	vsub.f32 v6, v11;
	v3 =	vld [tilespmem:s10+$0xC650]  }
.Ltmp0:
0xdf: {  	v5 =	vld [tilespmem:s10+$0x650];
	(pc) =	sbr.rel @p0 .LBB2_2-.Ltmp0, $4  }
0xe0: {  	v9 =	vadd.f32 v9, v4;
	v11 =	vmul.f32 v6, v6;
	v8 =	vsub.f32 v8, v10;
	v4 =	vld [tilespmem:s10+$0xC660]  }
0xe1: {  	s11 =	sadd.s32 $0x80, s11;
	v6 =	vld [tilespmem:s10+$0x660]  }
0xe2: {  	s13 =	sand.u32 $0x3800, s12;
	s14 =	sand.u32 $0x380, s11;
	v9 =	vadd.f32 v11, v9;
	v10 =	vmul.f32 v8, v8;
	v11 =	vsub.f32 v7, v12;
	v7 =	vld [tilespmem:s10+$0xC670]  }
0xe3: {  	s12 =	sadd.s32 $0x100, s12;
	v8 =	vld [tilespmem:s10+$0x670];
	s10 =	sor.u32 s14, s13  }
0xe4: {  	v12 =	vld [tilespmem:s10+$0xC200]  }
0xe5: {  	v13 =	vld [tilespmem:s10+$0x200]  }
0xe6: {  	v14 =	vld [tilespmem:s10+$0xC210]  }
0xe7: {  	v15 =	vld [tilespmem:s10+$0x210]  }
0xe8: {  	v16 =	vld [tilespmem:s10+$0xC220]  }
0xe9: {  	v17 =	vld [tilespmem:s10+$0x220]  }
0xea: {  	v18 =	vld [tilespmem:s10+$0xC230]  }
0xeb: {  	v19 =	vld [tilespmem:s10+$0x230]  }
0xec: {  	v20 =	vld [tilespmem:s10+$0xC240]  }
0xed: {  	v21 =	vld [tilespmem:s10+$0x240]  }
0xee: {  	v22 =	vld [tilespmem:s10+$0xC250]  }
0xef: {  	v23 =	vld [tilespmem:s10+$0x250]  }
0xf0: {  	v24 =	vld [tilespmem:s10+$0xC260]  }
0xf1: {  	v25 =	vld [tilespmem:s10+$0x260]  }
0xf2: {  	v26 =	vld [tilespmem:s10+$0xC270]  }
0xf3: {  	v27 =	vld [tilespmem:s10+$0x270]  }
0xf4: {  	v28 =	vld [tilespmem:s10+$0xC600]  }
0xf5: {  	v30 =	vld [tilespmem:$0xC0]  }
0xf6: {  	v29 =	vld [tilespmem:s10+$0x600]  }
0xf7: {  	v31 =	vld [tilespmem:s10+$0xC610]  }
0xf8: {  	v32 =	vld [tilespmem:s10+$0x610]  }
0xf9: {  	v33 =	vld [tilespmem:s10+$0xC620]  }
0xfa: {  	v34 =	vld [tilespmem:s10+$0x620];
	v36 =	vshll.u32 v30, $0x1  }
0xfb: {  	v35 =	vld [tilespmem:s10+$0xC630];
	v30 =	vand.u32 $0x7, v30;
	v36 =	vand.u32 $0xFFFFFFF0, v36  }
0xfc: {  	v37 =	vld [tilespmem:s10+$0x630];
	v30 =	vor.u32 v30, v36  }
0xfd: {  	v38 =	vld [tilespmem:s10+$0xC640];
	v39 =	vperm.xlane v30, v0  }
0xfe: {  	v56 =	vld [tilespmem:s10+$0x640]  }
0xff: {  	v40 =	vld [tilespmem:s10+$0xC650];
	v30 =	vperm.xlane v30, v2;
	v39 =	vadd.s32 v1, v39  }
0x100: {  	v41 =	vld [tilespmem:s10+$0x650]  }
0x101: {  	v42 =	vld [tilespmem:s10+$0xC660];
	v30 =	vadd.s32 v1, v30  }
0x102: {  	v43 =	vld [tilespmem:s10+$0x660]  }
0x103: {  	v44 =	vld [tilespmem:s10+$0xC670];
	s12 =	simm.s32 $0x0  }
0x104: {  	v45 =	vld [tilespmem:s10+$0x670];
	[tilespmem:s18], [sflag:$0x1] =	stream.indirect_vreg.gather [hbm4b:s2+s12], $0x80, v39, vm0, $0xb8  }
0x105: {  	_ = 	snop  }
0x106: {  	[tilespmem:s19], [sflag:$0x1] =	stream.indirect_vreg.gather [hbm4b:s2+s12], $0x80, v30, vm0, $0xb8;
	[tilespmem:$0x18280] =	vst v63  }
0x107: {  	v30 =	vld [tilespmem:$0xD0];
	_ =	sdelay $0x4  }
0x108: {  	v57 =	vshll.u32 v30, $0x1  }
0x109: {  	v30 =	vand.u32 $0x7, v30;
	v39 =	vand.u32 $0xFFFFFFF0, v57  }
0x10a: {  	v30 =	vor.u32 v30, v39  }
0x10b: {  	v39 =	vperm.xlane v30, v0;
	_ =	sdelay $0x1  }
0x10c: {  	v30 =	vperm.xlane v30, v2;
	v39 =	vadd.s32 v1, v39;
	_ =	sdelay $0x1  }
0x10d: {  	v30 =	vadd.s32 v1, v30;
	_ =	sdelay $0x2  }
0x10e: {  	[tilespmem:s20], [sflag:$0x1] =	stream.indirect_vreg.gather [hbm4b:s2+s12], $0x80, v39, vm0, $0xb8;
	[tilespmem:$0x18280] =	vst v63  }
0x10f: {  	_ = 	snop  }
0x110: {  	[tilespmem:s21], [sflag:$0x1] =	stream.indirect_vreg.gather [hbm4b:s2+s12], $0x80, v30, vm0, $0xb8;
	[tilespmem:$0x18280] =	vst v63  }
0x111: {  	v30 =	vld [tilespmem:$0xE0];
	_ =	sdelay $0x4  }
0x112: {  	v58 =	vshll.u32 v30, $0x1  }
0x113: {  	v30 =	vand.u32 $0x7, v30;
	v39 =	vand.u32 $0xFFFFFFF0, v58  }
0x114: {  	v30 =	vor.u32 v30, v39  }
0x115: {  	v39 =	vperm.xlane v30, v0  }
0x116: {  	v9 =	vadd.f32 v10, v9;
	v10 =	vmul.f32 v11, v11  }
0x117: {  	v3 =	vsub.f32 v3, v5;
	v11 =	vperm.xlane v30, v2;
	v5 =	vadd.s32 v1, v39  }
0x118: {  	v9 =	vadd.f32 v10, v9  }
0x119: {  	v4 =	vsub.f32 v4, v6;
	v3 =	vmul.f32 v3, v3;
	v6 =	vadd.s32 v1, v11;
	_ =	sdelay $0x1  }
0x11a: {  	v3 =	vadd.f32 v3, v9;
	v7 =	vsub.f32 v7, v8;
	v4 =	vmul.f32 v4, v4  }
0x11b: {  	[tilespmem:s22], [sflag:$0x1] =	stream.indirect_vreg.gather [hbm4b:s2+s12], $0x80, v5, vm0, $0xb8;
	[tilespmem:$0x18280] =	vst v63  }
0x11c: {  	v3 =	vadd.f32 v4, v3;
	v4 =	vmul.f32 v7, v7;
	v5 =	vsub.f32 v12, v13  }
0x11d: {  	[tilespmem:s23], [sflag:$0x1] =	stream.indirect_vreg.gather [hbm4b:s2+s12], $0x80, v6, vm0, $0xb8;
	[tilespmem:$0x18280] =	vst v63  }
0x11e: {  	v3 =	vadd.f32 v4, v3;
	v6 =	vsub.f32 v14, v15;
	v5 =	vmul.f32 v5, v5;
	v4 =	vld [tilespmem:$0xF0];
	_ =	sdelay $0x1  }
0x11f: {  	v3 =	vadd.f32 v5, v3;
	v5 =	vsub.f32 v16, v17;
	v6 =	vmul.f32 v6, v6;
	_ =	sdelay $0x1  }
0x120: {  	v3 =	vadd.f32 v6, v3;
	v5 =	vmul.f32 v5, v5  }
0x121: {  	v6 =	vsub.f32 v18, v19;
	v7 =	vshll.u32 v4, $0x1  }
0x122: {  	v3 =	vadd.f32 v5, v3;
	v4 =	vand.u32 $0x7, v4;
	v5 =	vand.u32 $0xFFFFFFF0, v7  }
0x123: {  	v6 =	vmul.f32 v6, v6;
	v7 =	vsub.f32 v20, v21;
	v4 =	vor.u32 v4, v5  }
0x124: {  	v5 =	vperm.xlane v4, v0  }
0x125: {  	v3 =	vadd.f32 v6, v3;
	v6 =	vmul.f32 v7, v7  }
0x126: {  	v7 =	vsub.f32 v22, v23;
	v4 =	vperm.xlane v4, v2;
	v5 =	vadd.s32 v1, v5  }
0x127: {  	v3 =	vadd.f32 v6, v3  }
0x128: {  	v6 =	vsub.f32 v24, v25;
	v7 =	vmul.f32 v7, v7;
	v4 =	vadd.s32 v1, v4;
	_ =	sdelay $0x1  }
0x129: {  	v3 =	vadd.f32 v7, v3;
	v6 =	vmul.f32 v6, v6  }
0x12a: {  	v7 =	vsub.f32 v26, v27;
	[tilespmem:s24], [sflag:$0x1] =	stream.indirect_vreg.gather [hbm4b:s2+s12], $0x80, v5, vm0, $0xb8;
	[tilespmem:$0x18280] =	vst v63  }
0x12b: {  	v3 =	vadd.f32 v6, v3  }
0x12c: {  	v5 =	vsub.f32 v28, v29;
	[tilespmem:s25], [sflag:$0x1] =	stream.indirect_vreg.gather [hbm4b:s2+s12], $0x80, v4, vm0, $0xb8;
	v4 =	vmul.f32 v7, v7;
	[tilespmem:$0x18280] =	vst v63  }
0x12d: {  	_ = 	snop  }
0x12e: {  	s11 =	rddreg [dreg:$0x8];
	v5 =	vmul.f32 v5, v5;
	v3 =	vadd.f32 v4, v3;
	v4 =	vsub.f32 v31, v32  }
0x12f: {  	[tilespmem:s15], [sflag:$0x1] =	stream.linear.gather [hbm4b:s11+s12], $0x4000, $0x38;
	[tilespmem:$0x18280] =	vst v63  }
0x130: {  	_ =	swait.ge [sflag:s7], $0x4000;
	v3 =	vadd.f32 v5, v3;
	v5 =	vsub.f32 v33, v34;
	v4 =	vmul.f32 v4, v4  }
0x131: {  	[sflag:s7] =	ssyncset.done $0x0  }
0x132: {  	[sflag:s7] =	ssyncadd.s32 $0xFFFFC000;
	v3 =	vadd.f32 v4, v3;
	v4 =	vsub.f32 v35, v37;
	v5 =	vmul.f32 v5, v5  }
0x133: {  	_ =	swait.ge [sflag:s7], $0x4000  }
0x134: {  	s13 =	sand.u32 $0x3800, s12;
	s10 =	sand.u32 $0x380, s12;
	[sflag:s7] =	ssyncset.done $0x0;
	v3 =	vadd.f32 v5, v3;
	v4 =	vmul.f32 v4, v4;
	v5 =	vsub.f32 v38, v56  }
0x135: {  	s13 =	sor.u32 s10, s13;
	[sflag:s7] =	ssyncadd.s32 $0xFFFFC000  }
0x136: {  	v6 =	vld [tilespmem:s13+$0x10200];
	v3 =	vadd.f32 v4, v3;
	v4 =	vmul.f32 v5, v5;
	v5 =	vsub.f32 v40, v41  }
0x137: {  	v7 =	vld [tilespmem:s13+$0x4200]  }
0x138: {  	v8 =	vld [tilespmem:s13+$0x10210];
	v3 =	vadd.f32 v4, v3;
	v4 =	vmul.f32 v5, v5;
	v5 =	vsub.f32 v42, v43  }
0x139: {  	v9 =	vld [tilespmem:s13+$0x4210]  }
0x13a: {  	v10 =	vld [tilespmem:s13+$0x10220];
	v3 =	vadd.f32 v4, v3;
	v4 =	vmul.f32 v5, v5;
	v5 =	vsub.f32 v44, v45  }
0x13b: {  	v11 =	vld [tilespmem:s13+$0x4220]  }
0x13c: {  	v59 =	vld [tilespmem:s13+$0x10230];
	v3 =	vadd.f32 v4, v3;
	v4 =	vmul.f32 v5, v5;
	v5 =	vsub.f32 v6, v7  }
0x13d: {  	v6 =	vld [tilespmem:s13+$0x4230]  }
0x13e: {  	v7 =	vld [tilespmem:s13+$0x10240];
	v3 =	vadd.f32 v4, v3;
	v4 =	vmul.f32 v5, v5;
	v5 =	vsub.f32 v8, v9  }
0x13f: {  	v8 =	vld [tilespmem:s13+$0x4240]  }
0x140: {  	v9 =	vld [tilespmem:s13+$0x10250];
	v3 =	vadd.f32 v4, v3;
	v4 =	vmul.f32 v5, v5;
	v5 =	vsub.f32 v10, v11  }
0x141: {  	v10 =	vld [tilespmem:s13+$0x4250]  }
0x142: {  	v11 =	vld [tilespmem:s13+$0x10260];
	v3 =	vadd.f32 v4, v3;
	v4 =	vmul.f32 v5, v5;
	v5 =	vsub.f32 v59, v6  }
0x143: {  	v6 =	vld [tilespmem:s13+$0x4260]  }
0x144: {  	v60 =	vld [tilespmem:s13+$0x10270];
	v3 =	vadd.f32 v4, v3;
	v4 =	vmul.f32 v5, v5;
	v5 =	vsub.f32 v7, v8  }
0x145: {  	v7 =	vld [tilespmem:s13+$0x4270]  }
0x146: {  	v8 =	vld [tilespmem:s13+$0x10600];
	v3 =	vadd.f32 v4, v3;
	v4 =	vmul.f32 v5, v5;
	v5 =	vsub.f32 v9, v10  }
0x147: {  	v9 =	vld [tilespmem:s13+$0x4600]  }
0x148: {  	v10 =	vld [tilespmem:s13+$0x10610];
	v3 =	vadd.f32 v4, v3;
	v4 =	vmul.f32 v5, v5;
	v5 =	vsub.f32 v11, v6  }
0x149: {  	v6 =	vld [tilespmem:s13+$0x4610]  }
0x14a: {  	v11 =	vld [tilespmem:s13+$0x10620];
	v3 =	vadd.f32 v4, v3;
	v4 =	vmul.f32 v5, v5;
	v5 =	vsub.f32 v60, v7  }
0x14b: {  	v7 =	vld [tilespmem:s13+$0x4620]  }
0x14c: {  	v61 =	vld [tilespmem:s13+$0x10630];
	v3 =	vadd.f32 v4, v3;
	v4 =	vmul.f32 v5, v5;
	v5 =	vsub.f32 v8, v9  }
0x14d: {  	v8 =	vld [tilespmem:s13+$0x4630]  }
0x14e: {  	v62 =	vld [tilespmem:s13+$0x10640];
	v6 =	vsub.f32 v10, v6;
	v4 =	vadd.f32 v4, v3;
	v5 =	vmul.f32 v5, v5  }
0x14f: {  	v63 =	vld [tilespmem:s13+$0x4640]  }
0x150: {  	v3 =	vld [tilespmem:s13+$0x10650];
	v6 =	vmul.f32 v6, v6;
	v7 =	vsub.f32 v11, v7;
	v9 =	vadd.f32 v5, v4  }
0x151: {  	v5 =	vld [tilespmem:s13+$0x4650]  }
0x152: {  	v4 =	vld [tilespmem:s13+$0x10660];
	v10 =	vmul.f32 v7, v7;
	v8 =	vsub.f32 v61, v8;
	v9 =	vadd.f32 v6, v9  }
0x153: {  	s14 =	simm.s32 $0x100;
	s11 =	simm.s32 $0x80;
	v6 =	vld [tilespmem:s13+$0x4660]  }
0x154: {  	s10 =	sand.u32 $0x3800, s14;
	s12 =	sand.u32 $0x380, s11;
	v11 =	vsub.f32 v62, v63;
	v7 =	vld [tilespmem:s13+$0x10670];
	v9 =	vadd.f32 v10, v9;
	v10 =	vmul.f32 v8, v8  }
0x155: {  	s10 =	sor.u32 s12, s10;
	s12 =	simm.s32 $0x200;
	v8 =	vld [tilespmem:s13+$0x4670]  }
.LBB2_4:
0x156: {  	p0 =	sne.s32 s12, $0x3F00;
	v12 =	vld [tilespmem:s10+$0x10200];
	v9 =	vadd.f32 v10, v9;
	v10 =	vmul.f32 v11, v11;
	v3 =	vsub.f32 v3, v5  }
0x157: {  	v5 =	vld [tilespmem:s10+$0x4200]  }
0x158: {  	v11 =	vld [tilespmem:s10+$0x10210];
	v9 =	vadd.f32 v10, v9;
	v3 =	vmul.f32 v3, v3;
	v4 =	vsub.f32 v4, v6  }
0x159: {  	v6 =	vld [tilespmem:s10+$0x4210]  }
0x15a: {  	v10 =	vld [tilespmem:s10+$0x10220];
	v3 =	vadd.f32 v3, v9;
	v4 =	vmul.f32 v4, v4;
	v7 =	vsub.f32 v7, v8  }
0x15b: {  	v8 =	vld [tilespmem:s10+$0x4220]  }
0x15c: {  	v5 =	vsub.f32 v12, v5;
	v9 =	vld [tilespmem:s10+$0x10230];
	v3 =	vadd.f32 v4, v3;
	v4 =	vmul.f32 v7, v7  }
0x15d: {  	v7 =	vld [tilespmem:s10+$0x4230]  }
0x15e: {  	v5 =	vmul.f32 v5, v5;
	v6 =	vsub.f32 v11, v6;
	v11 =	vld [tilespmem:s10+$0x10240];
	v3 =	vadd.f32 v4, v3  }
0x15f: {  	v4 =	vld [tilespmem:s10+$0x4240]  }
0x160: {  	v3 =	vadd.f32 v5, v3;
	v5 =	vmul.f32 v6, v6;
	v6 =	vsub.f32 v10, v8;
	v8 =	vld [tilespmem:s10+$0x10250]  }
0x161: {  	v10 =	vld [tilespmem:s10+$0x4250]  }
0x162: {  	v3 =	vadd.f32 v5, v3;
	v5 =	vmul.f32 v6, v6;
	v6 =	vsub.f32 v9, v7;
	v7 =	vld [tilespmem:s10+$0x10260]  }
0x163: {  	v9 =	vld [tilespmem:s10+$0x4260]  }
0x164: {  	v3 =	vadd.f32 v5, v3;
	v5 =	vmul.f32 v6, v6;
	v4 =	vsub.f32 v11, v4;
	v6 =	vld [tilespmem:s10+$0x10270]  }
0x165: {  	v11 =	vld [tilespmem:s10+$0x4270]  }
0x166: {  	v3 =	vadd.f32 v5, v3;
	v4 =	vmul.f32 v4, v4;
	v5 =	vsub.f32 v8, v10;
	v8 =	vld [tilespmem:s10+$0x10600]  }
0x167: {  	v10 =	vld [tilespmem:s10+$0x4600]  }
0x168: {  	v3 =	vadd.f32 v4, v3;
	v4 =	vmul.f32 v5, v5;
	v5 =	vsub.f32 v7, v9;
	v7 =	vld [tilespmem:s10+$0x10610]  }
0x169: {  	v9 =	vld [tilespmem:s10+$0x4610]  }
0x16a: {  	v3 =	vadd.f32 v4, v3;
	v4 =	vmul.f32 v5, v5;
	v5 =	vsub.f32 v6, v11;
	v6 =	vld [tilespmem:s10+$0x10620]  }
0x16b: {  	v11 =	vld [tilespmem:s10+$0x4620]  }
0x16c: {  	v3 =	vadd.f32 v4, v3;
	v4 =	vmul.f32 v5, v5;
	v5 =	vsub.f32 v8, v10;
	v8 =	vld [tilespmem:s10+$0x10630]  }
0x16d: {  	v10 =	vld [tilespmem:s10+$0x4630]  }
0x16e: {  	v3 =	vadd.f32 v4, v3;
	v4 =	vmul.f32 v5, v5;
	v5 =	vsub.f32 v7, v9;
	v7 =	vld [tilespmem:s10+$0x10640]  }
0x16f: {  	v12 =	vld [tilespmem:s10+$0x4640]  }
0x170: {  	v4 =	vadd.f32 v4, v3;
	v9 =	vmul.f32 v5, v5;
	v6 =	vsub.f32 v6, v11;
	v3 =	vld [tilespmem:s10+$0x10650]  }
.Ltmp1:
0x171: {  	v5 =	vld [tilespmem:s10+$0x4650];
	(pc) =	sbr.rel @p0 .LBB2_4-.Ltmp1, $4  }
0x172: {  	v9 =	vadd.f32 v9, v4;
	v11 =	vmul.f32 v6, v6;
	v8 =	vsub.f32 v8, v10;
	v4 =	vld [tilespmem:s10+$0x10660]  }
0x173: {  	s11 =	sadd.s32 $0x80, s11;
	v6 =	vld [tilespmem:s10+$0x4660]  }
0x174: {  	s13 =	sand.u32 $0x3800, s12;
	s14 =	sand.u32 $0x380, s11;
	v9 =	vadd.f32 v11, v9;
	v10 =	vmul.f32 v8, v8;
	v11 =	vsub.f32 v7, v12;
	v7 =	vld [tilespmem:s10+$0x10670]  }
0x175: {  	s12 =	sadd.s32 $0x100, s12;
	v8 =	vld [tilespmem:s10+$0x4670];
	s10 =	sor.u32 s14, s13  }
0x176: {  	v12 =	vld [tilespmem:s10+$0x10200]  }
0x177: {  	v13 =	vld [tilespmem:s10+$0x4200]  }
0x178: {  	v14 =	vld [tilespmem:s10+$0x10210]  }
0x179: {  	v15 =	vld [tilespmem:s10+$0x4210]  }
0x17a: {  	v16 =	vld [tilespmem:s10+$0x10220]  }
0x17b: {  	v17 =	vld [tilespmem:s10+$0x4220]  }
0x17c: {  	v18 =	vld [tilespmem:s10+$0x10230]  }
0x17d: {  	v19 =	vld [tilespmem:s10+$0x4230]  }
0x17e: {  	v20 =	vld [tilespmem:s10+$0x10240]  }
0x17f: {  	v21 =	vld [tilespmem:s10+$0x4240]  }
0x180: {  	v22 =	vld [tilespmem:s10+$0x10250]  }
0x181: {  	v23 =	vld [tilespmem:s10+$0x4250]  }
0x182: {  	v24 =	vld [tilespmem:s10+$0x10260]  }
0x183: {  	v25 =	vld [tilespmem:s10+$0x4260]  }
0x184: {  	v26 =	vld [tilespmem:s10+$0x10270]  }
0x185: {  	v27 =	vld [tilespmem:s10+$0x4270]  }
0x186: {  	v28 =	vld [tilespmem:s10+$0x10600]  }
0x187: {  	v30 =	vld [tilespmem:$0x100]  }
0x188: {  	v29 =	vld [tilespmem:s10+$0x4600]  }
0x189: {  	v31 =	vld [tilespmem:s10+$0x10610]  }
0x18a: {  	v32 =	vld [tilespmem:s10+$0x4610]  }
0x18b: {  	v33 =	vld [tilespmem:s10+$0x10620]  }
0x18c: {  	v34 =	vld [tilespmem:s10+$0x4620];
	v36 =	vshll.u32 v30, $0x1  }
0x18d: {  	v35 =	vld [tilespmem:s10+$0x10630];
	v30 =	vand.u32 $0x7, v30;
	v36 =	vand.u32 $0xFFFFFFF0, v36  }
0x18e: {  	v37 =	vld [tilespmem:s10+$0x4630];
	v30 =	vor.u32 v30, v36  }
0x18f: {  	v38 =	vld [tilespmem:s10+$0x10640];
	v39 =	vperm.xlane v30, v0  }
0x190: {  	v56 =	vld [tilespmem:s10+$0x4640]  }
0x191: {  	v40 =	vld [tilespmem:s10+$0x10650];
	v30 =	vperm.xlane v30, v2;
	v39 =	vadd.s32 v1, v39  }
0x192: {  	v41 =	vld [tilespmem:s10+$0x4650]  }
0x193: {  	v42 =	vld [tilespmem:s10+$0x10660];
	v30 =	vadd.s32 v1, v30  }
0x194: {  	v43 =	vld [tilespmem:s10+$0x4660]  }
0x195: {  	v44 =	vld [tilespmem:s10+$0x10670];
	s12 =	simm.s32 $0x0  }
0x196: {  	v45 =	vld [tilespmem:s10+$0x4670];
	[tilespmem:s26], [sflag:$0x2] =	stream.indirect_vreg.gather [hbm4b:s2+s12], $0x80, v39, vm0, $0xb8  }
0x197: {  	_ = 	snop  }
0x198: {  	[tilespmem:s28], [sflag:$0x2] =	stream.indirect_vreg.gather [hbm4b:s2+s12], $0x80, v30, vm0, $0xb8;
	[tilespmem:$0x18280] =	vst v63  }
0x199: {  	v30 =	vld [tilespmem:$0x110];
	_ =	sdelay $0x4  }
0x19a: {  	v57 =	vshll.u32 v30, $0x1  }
0x19b: {  	v30 =	vand.u32 $0x7, v30;
	v39 =	vand.u32 $0xFFFFFFF0, v57  }
0x19c: {  	v30 =	vor.u32 v30, v39  }
0x19d: {  	v39 =	vperm.xlane v30, v0;
	_ =	sdelay $0x1  }
0x19e: {  	v30 =	vperm.xlane v30, v2;
	v39 =	vadd.s32 v1, v39;
	_ =	sdelay $0x1  }
0x19f: {  	v30 =	vadd.s32 v1, v30;
	_ =	sdelay $0x2  }
0x1a0: {  	[tilespmem:s29], [sflag:$0x2] =	stream.indirect_vreg.gather [hbm4b:s2+s12], $0x80, v39, vm0, $0xb8;
	[tilespmem:$0x18280] =	vst v63  }
0x1a1: {  	_ = 	snop  }
0x1a2: {  	[tilespmem:s30], [sflag:$0x2] =	stream.indirect_vreg.gather [hbm4b:s2+s12], $0x80, v30, vm0, $0xb8;
	[tilespmem:$0x18280] =	vst v63  }
0x1a3: {  	v30 =	vld [tilespmem:$0x120];
	_ =	sdelay $0x4  }
0x1a4: {  	v58 =	vshll.u32 v30, $0x1  }
0x1a5: {  	v30 =	vand.u32 $0x7, v30;
	v39 =	vand.u32 $0xFFFFFFF0, v58  }
0x1a6: {  	v30 =	vor.u32 v30, v39  }
0x1a7: {  	v39 =	vperm.xlane v30, v0  }
0x1a8: {  	v9 =	vadd.f32 v10, v9;
	v10 =	vmul.f32 v11, v11  }
0x1a9: {  	v3 =	vsub.f32 v3, v5;
	v11 =	vperm.xlane v30, v2;
	v5 =	vadd.s32 v1, v39  }
0x1aa: {  	v9 =	vadd.f32 v10, v9  }
0x1ab: {  	v4 =	vsub.f32 v4, v6;
	v3 =	vmul.f32 v3, v3;
	v6 =	vadd.s32 v1, v11;
	_ =	sdelay $0x1  }
0x1ac: {  	v3 =	vadd.f32 v3, v9;
	v7 =	vsub.f32 v7, v8;
	v4 =	vmul.f32 v4, v4  }
0x1ad: {  	[tilespmem:s31], [sflag:$0x2] =	stream.indirect_vreg.gather [hbm4b:s2+s12], $0x80, v5, vm0, $0xb8;
	[tilespmem:$0x18280] =	vst v63  }
0x1ae: {  	v3 =	vadd.f32 v4, v3;
	v4 =	vmul.f32 v7, v7;
	v5 =	vsub.f32 v12, v13  }
0x1af: {  	[tilespmem:s0], [sflag:$0x2] =	stream.indirect_vreg.gather [hbm4b:s2+s12], $0x80, v6, vm0, $0xb8;
	[tilespmem:$0x18280] =	vst v63  }
0x1b0: {  	v3 =	vadd.f32 v4, v3;
	v6 =	vsub.f32 v14, v15;
	v5 =	vmul.f32 v5, v5;
	v4 =	vld [tilespmem:$0x130];
	_ =	sdelay $0x1  }
0x1b1: {  	v3 =	vadd.f32 v5, v3;
	v5 =	vsub.f32 v16, v17;
	v6 =	vmul.f32 v6, v6;
	_ =	sdelay $0x1  }
0x1b2: {  	v3 =	vadd.f32 v6, v3;
	v5 =	vmul.f32 v5, v5  }
0x1b3: {  	v6 =	vsub.f32 v18, v19;
	v7 =	vshll.u32 v4, $0x1  }
0x1b4: {  	v3 =	vadd.f32 v5, v3;
	v4 =	vand.u32 $0x7, v4;
	v5 =	vand.u32 $0xFFFFFFF0, v7  }
0x1b5: {  	v6 =	vmul.f32 v6, v6;
	v7 =	vsub.f32 v20, v21;
	v4 =	vor.u32 v4, v5  }
0x1b6: {  	v5 =	vperm.xlane v4, v0  }
0x1b7: {  	v3 =	vadd.f32 v6, v3;
	v6 =	vmul.f32 v7, v7  }
0x1b8: {  	v7 =	vsub.f32 v22, v23;
	v4 =	vperm.xlane v4, v2;
	v5 =	vadd.s32 v1, v5  }
0x1b9: {  	v3 =	vadd.f32 v6, v3  }
0x1ba: {  	v6 =	vsub.f32 v24, v25;
	v7 =	vmul.f32 v7, v7;
	v4 =	vadd.s32 v1, v4;
	_ =	sdelay $0x1  }
0x1bb: {  	v3 =	vadd.f32 v7, v3;
	v6 =	vmul.f32 v6, v6  }
0x1bc: {  	v7 =	vsub.f32 v26, v27;
	[tilespmem:s1], [sflag:$0x2] =	stream.indirect_vreg.gather [hbm4b:s2+s12], $0x80, v5, vm0, $0xb8;
	[tilespmem:$0x18280] =	vst v63  }
0x1bd: {  	v3 =	vadd.f32 v6, v3  }
0x1be: {  	v5 =	vsub.f32 v28, v29;
	[tilespmem:s5], [sflag:$0x2] =	stream.indirect_vreg.gather [hbm4b:s2+s12], $0x80, v4, vm0, $0xb8;
	v4 =	vmul.f32 v7, v7;
	[tilespmem:$0x18280] =	vst v63  }
0x1bf: {  	_ = 	snop  }
0x1c0: {  	s11 =	rddreg [dreg:$0x9];
	v5 =	vmul.f32 v5, v5;
	v3 =	vadd.f32 v4, v3;
	v4 =	vsub.f32 v31, v32  }
0x1c1: {  	[tilespmem:s16], [sflag:$0x2] =	stream.linear.gather [hbm4b:s11+s12], $0x4000, $0x38;
	[tilespmem:$0x18280] =	vst v63  }
0x1c2: {  	_ =	swait.ge [sflag:s8], $0x4000;
	v3 =	vadd.f32 v5, v3;
	v5 =	vsub.f32 v33, v34;
	v4 =	vmul.f32 v4, v4  }
0x1c3: {  	[sflag:s8] =	ssyncset.done $0x0  }
0x1c4: {  	[sflag:s8] =	ssyncadd.s32 $0xFFFFC000;
	v3 =	vadd.f32 v4, v3;
	v4 =	vsub.f32 v35, v37;
	v5 =	vmul.f32 v5, v5  }
0x1c5: {  	_ =	swait.ge [sflag:s8], $0x4000  }
0x1c6: {  	s13 =	sand.u32 $0x3800, s12;
	s10 =	sand.u32 $0x380, s12;
	[sflag:s8] =	ssyncset.done $0x0;
	v3 =	vadd.f32 v5, v3;
	v4 =	vmul.f32 v4, v4;
	v5 =	vsub.f32 v38, v56  }
0x1c7: {  	s13 =	sor.u32 s10, s13;
	[sflag:s8] =	ssyncadd.s32 $0xFFFFC000  }
0x1c8: {  	v6 =	vld [tilespmem:s13+$0x14200];
	v3 =	vadd.f32 v4, v3;
	v4 =	vmul.f32 v5, v5;
	v5 =	vsub.f32 v40, v41  }
0x1c9: {  	v7 =	vld [tilespmem:s13+$0x8200]  }
0x1ca: {  	v8 =	vld [tilespmem:s13+$0x14210];
	v3 =	vadd.f32 v4, v3;
	v4 =	vmul.f32 v5, v5;
	v5 =	vsub.f32 v42, v43  }
0x1cb: {  	v9 =	vld [tilespmem:s13+$0x8210]  }
0x1cc: {  	v10 =	vld [tilespmem:s13+$0x14220];
	v3 =	vadd.f32 v4, v3;
	v4 =	vmul.f32 v5, v5;
	v5 =	vsub.f32 v44, v45  }
0x1cd: {  	v11 =	vld [tilespmem:s13+$0x8220]  }
0x1ce: {  	v59 =	vld [tilespmem:s13+$0x14230];
	v3 =	vadd.f32 v4, v3;
	v4 =	vmul.f32 v5, v5;
	v5 =	vsub.f32 v6, v7  }
0x1cf: {  	v6 =	vld [tilespmem:s13+$0x8230]  }
0x1d0: {  	v7 =	vld [tilespmem:s13+$0x14240];
	v3 =	vadd.f32 v4, v3;
	v4 =	vmul.f32 v5, v5;
	v5 =	vsub.f32 v8, v9  }
0x1d1: {  	v8 =	vld [tilespmem:s13+$0x8240]  }
0x1d2: {  	v9 =	vld [tilespmem:s13+$0x14250];
	v3 =	vadd.f32 v4, v3;
	v4 =	vmul.f32 v5, v5;
	v5 =	vsub.f32 v10, v11  }
0x1d3: {  	v10 =	vld [tilespmem:s13+$0x8250]  }
0x1d4: {  	v11 =	vld [tilespmem:s13+$0x14260];
	v3 =	vadd.f32 v4, v3;
	v4 =	vmul.f32 v5, v5;
	v5 =	vsub.f32 v59, v6  }
0x1d5: {  	v6 =	vld [tilespmem:s13+$0x8260]  }
0x1d6: {  	v60 =	vld [tilespmem:s13+$0x14270];
	v3 =	vadd.f32 v4, v3;
	v4 =	vmul.f32 v5, v5;
	v5 =	vsub.f32 v7, v8  }
0x1d7: {  	v7 =	vld [tilespmem:s13+$0x8270]  }
0x1d8: {  	v8 =	vld [tilespmem:s13+$0x14600];
	v3 =	vadd.f32 v4, v3;
	v4 =	vmul.f32 v5, v5;
	v5 =	vsub.f32 v9, v10  }
0x1d9: {  	v9 =	vld [tilespmem:s13+$0x8600]  }
0x1da: {  	v10 =	vld [tilespmem:s13+$0x14610];
	v3 =	vadd.f32 v4, v3;
	v4 =	vmul.f32 v5, v5;
	v5 =	vsub.f32 v11, v6  }
0x1db: {  	v6 =	vld [tilespmem:s13+$0x8610]  }
0x1dc: {  	v11 =	vld [tilespmem:s13+$0x14620];
	v3 =	vadd.f32 v4, v3;
	v4 =	vmul.f32 v5, v5;
	v5 =	vsub.f32 v60, v7  }
0x1dd: {  	v7 =	vld [tilespmem:s13+$0x8620]  }
0x1de: {  	v61 =	vld [tilespmem:s13+$0x14630];
	v3 =	vadd.f32 v4, v3;
	v4 =	vmul.f32 v5, v5;
	v5 =	vsub.f32 v8, v9  }
0x1df: {  	v8 =	vld [tilespmem:s13+$0x8630]  }
0x1e0: {  	v62 =	vld [tilespmem:s13+$0x14640];
	v6 =	vsub.f32 v10, v6;
	v4 =	vadd.f32 v4, v3;
	v5 =	vmul.f32 v5, v5  }
0x1e1: {  	v63 =	vld [tilespmem:s13+$0x8640]  }
0x1e2: {  	v3 =	vld [tilespmem:s13+$0x14650];
	v6 =	vmul.f32 v6, v6;
	v7 =	vsub.f32 v11, v7;
	v9 =	vadd.f32 v5, v4  }
0x1e3: {  	v5 =	vld [tilespmem:s13+$0x8650]  }
0x1e4: {  	v4 =	vld [tilespmem:s13+$0x14660];
	v10 =	vmul.f32 v7, v7;
	v8 =	vsub.f32 v61, v8;
	v9 =	vadd.f32 v6, v9  }
0x1e5: {  	s14 =	simm.s32 $0x100;
	s11 =	simm.s32 $0x80;
	v6 =	vld [tilespmem:s13+$0x8660]  }
0x1e6: {  	s10 =	sand.u32 $0x3800, s14;
	s12 =	sand.u32 $0x380, s11;
	v11 =	vsub.f32 v62, v63;
	v7 =	vld [tilespmem:s13+$0x14670];
	v9 =	vadd.f32 v10, v9;
	v10 =	vmul.f32 v8, v8  }
0x1e7: {  	s10 =	sor.u32 s12, s10;
	s12 =	simm.s32 $0x200;
	v8 =	vld [tilespmem:s13+$0x8670]  }
.LBB2_6:
0x1e8: {  	p0 =	sne.s32 s12, $0x3F00;
	v12 =	vld [tilespmem:s10+$0x14200];
	v9 =	vadd.f32 v10, v9;
	v10 =	vmul.f32 v11, v11;
	v3 =	vsub.f32 v3, v5  }
0x1e9: {  	v5 =	vld [tilespmem:s10+$0x8200]  }
0x1ea: {  	v11 =	vld [tilespmem:s10+$0x14210];
	v9 =	vadd.f32 v10, v9;
	v3 =	vmul.f32 v3, v3;
	v4 =	vsub.f32 v4, v6  }
0x1eb: {  	v6 =	vld [tilespmem:s10+$0x8210]  }
0x1ec: {  	v10 =	vld [tilespmem:s10+$0x14220];
	v3 =	vadd.f32 v3, v9;
	v4 =	vmul.f32 v4, v4;
	v7 =	vsub.f32 v7, v8  }
0x1ed: {  	v8 =	vld [tilespmem:s10+$0x8220]  }
0x1ee: {  	v5 =	vsub.f32 v12, v5;
	v9 =	vld [tilespmem:s10+$0x14230];
	v3 =	vadd.f32 v4, v3;
	v4 =	vmul.f32 v7, v7  }
0x1ef: {  	v7 =	vld [tilespmem:s10+$0x8230]  }
0x1f0: {  	v5 =	vmul.f32 v5, v5;
	v6 =	vsub.f32 v11, v6;
	v11 =	vld [tilespmem:s10+$0x14240];
	v3 =	vadd.f32 v4, v3  }
0x1f1: {  	v4 =	vld [tilespmem:s10+$0x8240]  }
0x1f2: {  	v3 =	vadd.f32 v5, v3;
	v5 =	vmul.f32 v6, v6;
	v6 =	vsub.f32 v10, v8;
	v8 =	vld [tilespmem:s10+$0x14250]  }
0x1f3: {  	v10 =	vld [tilespmem:s10+$0x8250]  }
0x1f4: {  	v3 =	vadd.f32 v5, v3;
	v5 =	vmul.f32 v6, v6;
	v6 =	vsub.f32 v9, v7;
	v7 =	vld [tilespmem:s10+$0x14260]  }
0x1f5: {  	v9 =	vld [tilespmem:s10+$0x8260]  }
0x1f6: {  	v3 =	vadd.f32 v5, v3;
	v5 =	vmul.f32 v6, v6;
	v4 =	vsub.f32 v11, v4;
	v6 =	vld [tilespmem:s10+$0x14270]  }
0x1f7: {  	v11 =	vld [tilespmem:s10+$0x8270]  }
0x1f8: {  	v3 =	vadd.f32 v5, v3;
	v4 =	vmul.f32 v4, v4;
	v5 =	vsub.f32 v8, v10;
	v8 =	vld [tilespmem:s10+$0x14600]  }
0x1f9: {  	v10 =	vld [tilespmem:s10+$0x8600]  }
0x1fa: {  	v3 =	vadd.f32 v4, v3;
	v4 =	vmul.f32 v5, v5;
	v5 =	vsub.f32 v7, v9;
	v7 =	vld [tilespmem:s10+$0x14610]  }
0x1fb: {  	v9 =	vld [tilespmem:s10+$0x8610]  }
0x1fc: {  	v3 =	vadd.f32 v4, v3;
	v4 =	vmul.f32 v5, v5;
	v5 =	vsub.f32 v6, v11;
	v6 =	vld [tilespmem:s10+$0x14620]  }
0x1fd: {  	v11 =	vld [tilespmem:s10+$0x8620]  }
0x1fe: {  	v3 =	vadd.f32 v4, v3;
	v4 =	vmul.f32 v5, v5;
	v5 =	vsub.f32 v8, v10;
	v8 =	vld [tilespmem:s10+$0x14630]  }
0x1ff: {  	v10 =	vld [tilespmem:s10+$0x8630]  }
0x200: {  	v3 =	vadd.f32 v4, v3;
	v4 =	vmul.f32 v5, v5;
	v5 =	vsub.f32 v7, v9;
	v7 =	vld [tilespmem:s10+$0x14640]  }
0x201: {  	v12 =	vld [tilespmem:s10+$0x8640]  }
0x202: {  	v4 =	vadd.f32 v4, v3;
	v9 =	vmul.f32 v5, v5;
	v6 =	vsub.f32 v6, v11;
	v3 =	vld [tilespmem:s10+$0x14650]  }
.Ltmp2:
0x203: {  	v5 =	vld [tilespmem:s10+$0x8650];
	(pc) =	sbr.rel @p0 .LBB2_6-.Ltmp2, $4  }
0x204: {  	v9 =	vadd.f32 v9, v4;
	v11 =	vmul.f32 v6, v6;
	v8 =	vsub.f32 v8, v10;
	v4 =	vld [tilespmem:s10+$0x14660]  }
0x205: {  	s11 =	sadd.s32 $0x80, s11;
	v6 =	vld [tilespmem:s10+$0x8660]  }
0x206: {  	s13 =	sand.u32 $0x3800, s12;
	s14 =	sand.u32 $0x380, s11;
	v9 =	vadd.f32 v11, v9;
	v10 =	vmul.f32 v8, v8;
	v11 =	vsub.f32 v7, v12;
	v7 =	vld [tilespmem:s10+$0x14670]  }
0x207: {  	s12 =	sadd.s32 $0x100, s12;
	v8 =	vld [tilespmem:s10+$0x8670];
	s10 =	sor.u32 s14, s13  }
0x208: {  	v12 =	vld [tilespmem:s10+$0x14200]  }
0x209: {  	v13 =	vld [tilespmem:s10+$0x8200]  }
0x20a: {  	v14 =	vld [tilespmem:s10+$0x14210]  }
0x20b: {  	v15 =	vld [tilespmem:s10+$0x8210]  }
0x20c: {  	v16 =	vld [tilespmem:s10+$0x14220]  }
0x20d: {  	v17 =	vld [tilespmem:s10+$0x8220]  }
0x20e: {  	v18 =	vld [tilespmem:s10+$0x14230]  }
0x20f: {  	v19 =	vld [tilespmem:s10+$0x8230]  }
0x210: {  	v20 =	vld [tilespmem:s10+$0x14240]  }
0x211: {  	v21 =	vld [tilespmem:s10+$0x8240]  }
0x212: {  	v22 =	vld [tilespmem:s10+$0x14250]  }
0x213: {  	v23 =	vld [tilespmem:s10+$0x8250]  }
0x214: {  	v24 =	vld [tilespmem:s10+$0x14260]  }
0x215: {  	v25 =	vld [tilespmem:s10+$0x8260]  }
0x216: {  	v26 =	vld [tilespmem:s10+$0x14270]  }
0x217: {  	v27 =	vld [tilespmem:s10+$0x8270]  }
0x218: {  	v28 =	vld [tilespmem:s10+$0x14600]  }
0x219: {  	v29 =	vld [tilespmem:s10+$0x8600]  }
0x21a: {  	v30 =	vld [tilespmem:$0x140]  }
0x21b: {  	v31 =	vld [tilespmem:s10+$0x14610]  }
0x21c: {  	v32 =	vld [tilespmem:s10+$0x8610]  }
0x21d: {  	v33 =	vld [tilespmem:s10+$0x14620]  }
0x21e: {  	v34 =	vld [tilespmem:s10+$0x8620]  }
0x21f: {  	v35 =	vld [tilespmem:s10+$0x14630];
	v36 =	vshll.u32 v30, $0x1  }
0x220: {  	v37 =	vld [tilespmem:s10+$0x8630];
	v30 =	vand.u32 $0x7, v30;
	v36 =	vand.u32 $0xFFFFFFF0, v36  }
0x221: {  	v38 =	vld [tilespmem:s10+$0x14640];
	v30 =	vor.u32 v30, v36  }
0x222: {  	v56 =	vld [tilespmem:s10+$0x8640];
	v39 =	vperm.xlane v30, v0  }
0x223: {  	v40 =	vld [tilespmem:s10+$0x14650]  }
0x224: {  	v41 =	vld [tilespmem:s10+$0x8650];
	v30 =	vperm.xlane v30, v2;
	v39 =	vadd.s32 v1, v39  }
0x225: {  	v42 =	vld [tilespmem:s10+$0x14660]  }
0x226: {  	v43 =	vld [tilespmem:s10+$0x8660];
	v30 =	vadd.s32 v1, v30  }
0x227: {  	v44 =	vld [tilespmem:s10+$0x14670]  }
0x228: {  	v45 =	vld [tilespmem:s10+$0x8670];
	s10 =	simm.s32 $0x0;
	s11 =	simm.s32 $0x8200  }
0x229: {  	[tilespmem:s11], [sflag:$0x3] =	stream.indirect_vreg.gather [hbm4b:s2+s10], $0x80, v39, vm0, $0xb8;
	[tilespmem:$0x18280] =	vst v63  }
0x22a: {  	s12 =	simm.s32 $0x8A00  }
0x22b: {  	[tilespmem:s12], [sflag:$0x3] =	stream.indirect_vreg.gather [hbm4b:s2+s10], $0x80, v30, vm0, $0xb8;
	[tilespmem:$0x18280] =	vst v63  }
0x22c: {  	v30 =	vld [tilespmem:$0x150];
	_ =	sdelay $0x4  }
0x22d: {  	v57 =	vshll.u32 v30, $0x1  }
0x22e: {  	v30 =	vand.u32 $0x7, v30;
	v39 =	vand.u32 $0xFFFFFFF0, v57  }
0x22f: {  	v30 =	vor.u32 v30, v39  }
0x230: {  	v39 =	vperm.xlane v30, v0;
	_ =	sdelay $0x1  }
0x231: {  	v30 =	vperm.xlane v30, v2;
	v39 =	vadd.s32 v1, v39;
	_ =	sdelay $0x1  }
0x232: {  	v30 =	vadd.s32 v1, v30;
	_ =	sdelay $0x1  }
0x233: {  	s13 =	simm.s32 $0x9200  }
0x234: {  	[tilespmem:s13], [sflag:$0x3] =	stream.indirect_vreg.gather [hbm4b:s2+s10], $0x80, v39, vm0, $0xb8;
	[tilespmem:$0x18280] =	vst v63  }
0x235: {  	s14 =	simm.s32 $0x9A00  }
0x236: {  	[tilespmem:s14], [sflag:$0x3] =	stream.indirect_vreg.gather [hbm4b:s2+s10], $0x80, v30, vm0, $0xb8;
	[tilespmem:$0x18280] =	vst v63  }
0x237: {  	v30 =	vld [tilespmem:$0x160];
	_ =	sdelay $0x4  }
0x238: {  	v58 =	vshll.u32 v30, $0x1  }
0x239: {  	v30 =	vand.u32 $0x7, v30;
	v39 =	vand.u32 $0xFFFFFFF0, v58  }
0x23a: {  	v30 =	vor.u32 v30, v39  }
0x23b: {  	v39 =	vperm.xlane v30, v0  }
0x23c: {  	v9 =	vadd.f32 v10, v9;
	v10 =	vmul.f32 v11, v11  }
0x23d: {  	v3 =	vsub.f32 v3, v5;
	v11 =	vperm.xlane v30, v2;
	v5 =	vadd.s32 v1, v39  }
0x23e: {  	v9 =	vadd.f32 v10, v9  }
0x23f: {  	v4 =	vsub.f32 v4, v6;
	v3 =	vmul.f32 v3, v3;
	v6 =	vadd.s32 v1, v11;
	_ =	sdelay $0x1  }
0x240: {  	v3 =	vadd.f32 v3, v9;
	v7 =	vsub.f32 v7, v8;
	v4 =	vmul.f32 v4, v4;
	s12 =	simm.s32 $0xA200  }
0x241: {  	[tilespmem:s12], [sflag:$0x3] =	stream.indirect_vreg.gather [hbm4b:s2+s10], $0x80, v5, vm0, $0xb8;
	[tilespmem:$0x18280] =	vst v63  }
0x242: {  	v3 =	vadd.f32 v4, v3;
	v4 =	vmul.f32 v7, v7;
	s13 =	simm.s32 $0xAA00;
	v5 =	vsub.f32 v12, v13  }
0x243: {  	[tilespmem:s13], [sflag:$0x3] =	stream.indirect_vreg.gather [hbm4b:s2+s10], $0x80, v6, vm0, $0xb8;
	[tilespmem:$0x18280] =	vst v63  }
0x244: {  	v3 =	vadd.f32 v4, v3;
	v6 =	vsub.f32 v14, v15;
	v5 =	vmul.f32 v5, v5;
	v4 =	vld [tilespmem:$0x170];
	_ =	sdelay $0x1  }
0x245: {  	v3 =	vadd.f32 v5, v3;
	v5 =	vsub.f32 v16, v17;
	v6 =	vmul.f32 v6, v6;
	_ =	sdelay $0x1  }
0x246: {  	v3 =	vadd.f32 v6, v3;
	v5 =	vmul.f32 v5, v5  }
0x247: {  	v6 =	vsub.f32 v18, v19;
	v7 =	vshll.u32 v4, $0x1  }
0x248: {  	v3 =	vadd.f32 v5, v3;
	v4 =	vand.u32 $0x7, v4;
	v5 =	vand.u32 $0xFFFFFFF0, v7  }
0x249: {  	v6 =	vmul.f32 v6, v6;
	v7 =	vsub.f32 v20, v21;
	v4 =	vor.u32 v4, v5  }
0x24a: {  	v5 =	vperm.xlane v4, v0  }
0x24b: {  	v3 =	vadd.f32 v6, v3;
	v6 =	vmul.f32 v7, v7  }
0x24c: {  	v7 =	vsub.f32 v22, v23;
	v4 =	vperm.xlane v4, v2;
	v5 =	vadd.s32 v1, v5  }
0x24d: {  	v3 =	vadd.f32 v6, v3  }
0x24e: {  	v6 =	vsub.f32 v24, v25;
	v7 =	vmul.f32 v7, v7;
	v4 =	vadd.s32 v1, v4;
	_ =	sdelay $0x1  }
0x24f: {  	s14 =	simm.s32 $0xB200;
	v3 =	vadd.f32 v7, v3;
	v6 =	vmul.f32 v6, v6  }
0x250: {  	v7 =	vsub.f32 v26, v27;
	[tilespmem:s14], [sflag:$0x3] =	stream.indirect_vreg.gather [hbm4b:s2+s10], $0x80, v5, vm0, $0xb8;
	[tilespmem:$0x18280] =	vst v63  }
0x251: {  	s12 =	simm.s32 $0xBA00;
	v3 =	vadd.f32 v6, v3  }
0x252: {  	v5 =	vsub.f32 v28, v29;
	[tilespmem:s12], [sflag:$0x3] =	stream.indirect_vreg.gather [hbm4b:s2+s10], $0x80, v4, vm0, $0xb8;
	v4 =	vmul.f32 v7, v7;
	[tilespmem:$0x18280] =	vst v63  }
0x253: {  	_ = 	snop  }
0x254: {  	s13 =	rddreg [dreg:$0xa];
	v5 =	vmul.f32 v5, v5;
	s12 =	simm.s32 $0x14200;
	v3 =	vadd.f32 v4, v3;
	v4 =	vsub.f32 v31, v32  }
0x255: {  	[tilespmem:s12], [sflag:$0x3] =	stream.linear.gather [hbm4b:s13+s10], $0x4000, $0x38;
	[tilespmem:$0x18280] =	vst v63  }
0x256: {  	_ =	swait.ge [sflag:s6], $0x4000;
	v3 =	vadd.f32 v5, v3;
	v5 =	vsub.f32 v33, v34;
	v4 =	vmul.f32 v4, v4  }
0x257: {  	[sflag:s6] =	ssyncset.done $0x0  }
0x258: {  	[sflag:s6] =	ssyncadd.s32 $0xFFFFC000;
	v3 =	vadd.f32 v4, v3;
	v4 =	vsub.f32 v35, v37;
	v5 =	vmul.f32 v5, v5  }
0x259: {  	_ =	swait.ge [sflag:s6], $0x4000  }
0x25a: {  	s14 =	sand.u32 $0x3800, s10;
	s10 =	sand.u32 $0x380, s10;
	[sflag:s6] =	ssyncset.done $0x0;
	v3 =	vadd.f32 v5, v3;
	v4 =	vmul.f32 v4, v4;
	v5 =	vsub.f32 v38, v56  }
0x25b: {  	s13 =	sor.u32 s10, s14;
	[sflag:s6] =	ssyncadd.s32 $0xFFFFC000  }
0x25c: {  	v6 =	vld [tilespmem:s13+$0xC200];
	v3 =	vadd.f32 v4, v3;
	v4 =	vmul.f32 v5, v5;
	v5 =	vsub.f32 v40, v41  }
0x25d: {  	v7 =	vld [tilespmem:s13+$0x200]  }
0x25e: {  	v8 =	vld [tilespmem:s13+$0xC210];
	v3 =	vadd.f32 v4, v3;
	v4 =	vmul.f32 v5, v5;
	v5 =	vsub.f32 v42, v43  }
0x25f: {  	v9 =	vld [tilespmem:s13+$0x210]  }
0x260: {  	v10 =	vld [tilespmem:s13+$0xC220];
	v3 =	vadd.f32 v4, v3;
	v4 =	vmul.f32 v5, v5;
	v5 =	vsub.f32 v44, v45  }
0x261: {  	v11 =	vld [tilespmem:s13+$0x220]  }
0x262: {  	v59 =	vld [tilespmem:s13+$0xC230];
	v3 =	vadd.f32 v4, v3;
	v4 =	vmul.f32 v5, v5;
	v5 =	vsub.f32 v6, v7  }
0x263: {  	v6 =	vld [tilespmem:s13+$0x230]  }
0x264: {  	v7 =	vld [tilespmem:s13+$0xC240];
	v3 =	vadd.f32 v4, v3;
	v4 =	vmul.f32 v5, v5;
	v5 =	vsub.f32 v8, v9  }
0x265: {  	v8 =	vld [tilespmem:s13+$0x240]  }
0x266: {  	v9 =	vld [tilespmem:s13+$0xC250];
	v3 =	vadd.f32 v4, v3;
	v4 =	vmul.f32 v5, v5;
	v5 =	vsub.f32 v10, v11  }
0x267: {  	v10 =	vld [tilespmem:s13+$0x250]  }
0x268: {  	v11 =	vld [tilespmem:s13+$0xC260];
	v3 =	vadd.f32 v4, v3;
	v4 =	vmul.f32 v5, v5;
	v5 =	vsub.f32 v59, v6  }
0x269: {  	v6 =	vld [tilespmem:s13+$0x260]  }
0x26a: {  	v60 =	vld [tilespmem:s13+$0xC270];
	v3 =	vadd.f32 v4, v3;
	v4 =	vmul.f32 v5, v5;
	v5 =	vsub.f32 v7, v8  }
0x26b: {  	v7 =	vld [tilespmem:s13+$0x270]  }
0x26c: {  	v8 =	vld [tilespmem:s13+$0xC600];
	v3 =	vadd.f32 v4, v3;
	v4 =	vmul.f32 v5, v5;
	v5 =	vsub.f32 v9, v10  }
0x26d: {  	v9 =	vld [tilespmem:s13+$0x600]  }
0x26e: {  	v10 =	vld [tilespmem:s13+$0xC610];
	v3 =	vadd.f32 v4, v3;
	v4 =	vmul.f32 v5, v5;
	v5 =	vsub.f32 v11, v6  }
0x26f: {  	v6 =	vld [tilespmem:s13+$0x610]  }
0x270: {  	v11 =	vld [tilespmem:s13+$0xC620];
	v3 =	vadd.f32 v4, v3;
	v4 =	vmul.f32 v5, v5;
	v5 =	vsub.f32 v60, v7  }
0x271: {  	v7 =	vld [tilespmem:s13+$0x620]  }
0x272: {  	v61 =	vld [tilespmem:s13+$0xC630];
	v3 =	vadd.f32 v4, v3;
	v4 =	vmul.f32 v5, v5;
	v5 =	vsub.f32 v8, v9  }
0x273: {  	v8 =	vld [tilespmem:s13+$0x630]  }
0x274: {  	v62 =	vld [tilespmem:s13+$0xC640];
	v6 =	vsub.f32 v10, v6;
	v4 =	vadd.f32 v4, v3;
	v5 =	vmul.f32 v5, v5  }
0x275: {  	v63 =	vld [tilespmem:s13+$0x640]  }
0x276: {  	v3 =	vld [tilespmem:s13+$0xC650];
	v6 =	vmul.f32 v6, v6;
	v7 =	vsub.f32 v11, v7;
	v9 =	vadd.f32 v5, v4  }
0x277: {  	v5 =	vld [tilespmem:s13+$0x650]  }
0x278: {  	v4 =	vld [tilespmem:s13+$0xC660];
	v10 =	vmul.f32 v7, v7;
	v8 =	vsub.f32 v61, v8;
	v9 =	vadd.f32 v6, v9  }
0x279: {  	s11 =	simm.s32 $0x80;
	s12 =	simm.s32 $0x100;
	v6 =	vld [tilespmem:s13+$0x660]  }
0x27a: {  	s10 =	sand.u32 $0x3800, s12;
	s14 =	sand.u32 $0x380, s11;
	v11 =	vsub.f32 v62, v63;
	v7 =	vld [tilespmem:s13+$0xC670];
	v9 =	vadd.f32 v10, v9;
	v10 =	vmul.f32 v8, v8  }
0x27b: {  	s12 =	simm.s32 $0x200;
	s10 =	sor.u32 s14, s10;
	v8 =	vld [tilespmem:s13+$0x670]  }
.LBB2_8:
0x27c: {  	p0 =	sne.s32 s12, $0x3F00;
	v12 =	vld [tilespmem:s10+$0xC200];
	v9 =	vadd.f32 v10, v9;
	v10 =	vmul.f32 v11, v11;
	v3 =	vsub.f32 v3, v5  }
0x27d: {  	v5 =	vld [tilespmem:s10+$0x200]  }
0x27e: {  	v11 =	vld [tilespmem:s10+$0xC210];
	v9 =	vadd.f32 v10, v9;
	v3 =	vmul.f32 v3, v3;
	v4 =	vsub.f32 v4, v6  }
0x27f: {  	v6 =	vld [tilespmem:s10+$0x210]  }
0x280: {  	v10 =	vld [tilespmem:s10+$0xC220];
	v3 =	vadd.f32 v3, v9;
	v4 =	vmul.f32 v4, v4;
	v7 =	vsub.f32 v7, v8  }
0x281: {  	v8 =	vld [tilespmem:s10+$0x220]  }
0x282: {  	v5 =	vsub.f32 v12, v5;
	v9 =	vld [tilespmem:s10+$0xC230];
	v3 =	vadd.f32 v4, v3;
	v4 =	vmul.f32 v7, v7  }
0x283: {  	v7 =	vld [tilespmem:s10+$0x230]  }
0x284: {  	v5 =	vmul.f32 v5, v5;
	v6 =	vsub.f32 v11, v6;
	v11 =	vld [tilespmem:s10+$0xC240];
	v3 =	vadd.f32 v4, v3  }
0x285: {  	v4 =	vld [tilespmem:s10+$0x240]  }
0x286: {  	v3 =	vadd.f32 v5, v3;
	v5 =	vmul.f32 v6, v6;
	v6 =	vsub.f32 v10, v8;
	v8 =	vld [tilespmem:s10+$0xC250]  }
0x287: {  	v10 =	vld [tilespmem:s10+$0x250]  }
0x288: {  	v3 =	vadd.f32 v5, v3;
	v5 =	vmul.f32 v6, v6;
	v6 =	vsub.f32 v9, v7;
	v7 =	vld [tilespmem:s10+$0xC260]  }
0x289: {  	v9 =	vld [tilespmem:s10+$0x260]  }
0x28a: {  	v3 =	vadd.f32 v5, v3;
	v5 =	vmul.f32 v6, v6;
	v4 =	vsub.f32 v11, v4;
	v6 =	vld [tilespmem:s10+$0xC270]  }
0x28b: {  	v11 =	vld [tilespmem:s10+$0x270]  }
0x28c: {  	v3 =	vadd.f32 v5, v3;
	v4 =	vmul.f32 v4, v4;
	v5 =	vsub.f32 v8, v10;
	v8 =	vld [tilespmem:s10+$0xC600]  }
0x28d: {  	v10 =	vld [tilespmem:s10+$0x600]  }
0x28e: {  	v3 =	vadd.f32 v4, v3;
	v4 =	vmul.f32 v5, v5;
	v5 =	vsub.f32 v7, v9;
	v7 =	vld [tilespmem:s10+$0xC610]  }
0x28f: {  	v9 =	vld [tilespmem:s10+$0x610]  }
0x290: {  	v3 =	vadd.f32 v4, v3;
	v4 =	vmul.f32 v5, v5;
	v5 =	vsub.f32 v6, v11;
	v6 =	vld [tilespmem:s10+$0xC620]  }
0x291: {  	v11 =	vld [tilespmem:s10+$0x620]  }
0x292: {  	v3 =	vadd.f32 v4, v3;
	v4 =	vmul.f32 v5, v5;
	v5 =	vsub.f32 v8, v10;
	v8 =	vld [tilespmem:s10+$0xC630]  }
0x293: {  	v10 =	vld [tilespmem:s10+$0x630]  }
0x294: {  	v3 =	vadd.f32 v4, v3;
	v4 =	vmul.f32 v5, v5;
	v5 =	vsub.f32 v7, v9;
	v7 =	vld [tilespmem:s10+$0xC640]  }
0x295: {  	v12 =	vld [tilespmem:s10+$0x640]  }
0x296: {  	v4 =	vadd.f32 v4, v3;
	v9 =	vmul.f32 v5, v5;
	v6 =	vsub.f32 v6, v11;
	v3 =	vld [tilespmem:s10+$0xC650]  }
.Ltmp3:
0x297: {  	v5 =	vld [tilespmem:s10+$0x650];
	(pc) =	sbr.rel @p0 .LBB2_8-.Ltmp3, $4  }
0x298: {  	v9 =	vadd.f32 v9, v4;
	v11 =	vmul.f32 v6, v6;
	v8 =	vsub.f32 v8, v10;
	v4 =	vld [tilespmem:s10+$0xC660]  }
0x299: {  	s11 =	sadd.s32 $0x80, s11;
	v6 =	vld [tilespmem:s10+$0x660]  }
0x29a: {  	s13 =	sand.u32 $0x3800, s12;
	s14 =	sand.u32 $0x380, s11;
	v9 =	vadd.f32 v11, v9;
	v10 =	vmul.f32 v8, v8;
	v11 =	vsub.f32 v7, v12;
	v7 =	vld [tilespmem:s10+$0xC670]  }
0x29b: {  	s12 =	sadd.s32 $0x100, s12;
	v8 =	vld [tilespmem:s10+$0x670];
	s10 =	sor.u32 s14, s13  }
0x29c: {  	v12 =	vld [tilespmem:s10+$0xC200]  }
0x29d: {  	v13 =	vld [tilespmem:s10+$0x200]  }
0x29e: {  	v14 =	vld [tilespmem:s10+$0xC210]  }
0x29f: {  	v15 =	vld [tilespmem:s10+$0x210]  }
0x2a0: {  	v16 =	vld [tilespmem:s10+$0xC220]  }
0x2a1: {  	v17 =	vld [tilespmem:s10+$0x220]  }
0x2a2: {  	v18 =	vld [tilespmem:s10+$0xC230]  }
0x2a3: {  	v19 =	vld [tilespmem:s10+$0x230]  }
0x2a4: {  	v20 =	vld [tilespmem:s10+$0xC240]  }
0x2a5: {  	v21 =	vld [tilespmem:s10+$0x240]  }
0x2a6: {  	v22 =	vld [tilespmem:s10+$0xC250]  }
0x2a7: {  	v23 =	vld [tilespmem:s10+$0x250]  }
0x2a8: {  	v24 =	vld [tilespmem:s10+$0xC260]  }
0x2a9: {  	v25 =	vld [tilespmem:s10+$0x260]  }
0x2aa: {  	v26 =	vld [tilespmem:s10+$0xC270]  }
0x2ab: {  	v27 =	vld [tilespmem:s10+$0x270]  }
0x2ac: {  	v28 =	vld [tilespmem:s10+$0xC600]  }
0x2ad: {  	v30 =	vld [tilespmem:$0x180]  }
0x2ae: {  	v29 =	vld [tilespmem:s10+$0x600]  }
0x2af: {  	v31 =	vld [tilespmem:s10+$0xC610]  }
0x2b0: {  	v32 =	vld [tilespmem:s10+$0x610]  }
0x2b1: {  	v33 =	vld [tilespmem:s10+$0xC620]  }
0x2b2: {  	v34 =	vld [tilespmem:s10+$0x620];
	v36 =	vshll.u32 v30, $0x1  }
0x2b3: {  	v35 =	vld [tilespmem:s10+$0xC630];
	v30 =	vand.u32 $0x7, v30;
	v36 =	vand.u32 $0xFFFFFFF0, v36  }
0x2b4: {  	v37 =	vld [tilespmem:s10+$0x630];
	v30 =	vor.u32 v30, v36  }
0x2b5: {  	v38 =	vld [tilespmem:s10+$0xC640];
	v39 =	vperm.xlane v30, v0  }
0x2b6: {  	v56 =	vld [tilespmem:s10+$0x640]  }
0x2b7: {  	v40 =	vld [tilespmem:s10+$0xC650];
	v30 =	vperm.xlane v30, v2;
	v39 =	vadd.s32 v1, v39  }
0x2b8: {  	v41 =	vld [tilespmem:s10+$0x650]  }
0x2b9: {  	v42 =	vld [tilespmem:s10+$0xC660];
	v30 =	vadd.s32 v1, v30  }
0x2ba: {  	v43 =	vld [tilespmem:s10+$0x660]  }
0x2bb: {  	v44 =	vld [tilespmem:s10+$0xC670];
	s12 =	simm.s32 $0x0  }
0x2bc: {  	v45 =	vld [tilespmem:s10+$0x670];
	[tilespmem:s18], [sflag:$0x1] =	stream.indirect_vreg.gather [hbm4b:s2+s12], $0x80, v39, vm0, $0xb8  }
0x2bd: {  	_ = 	snop  }
0x2be: {  	[tilespmem:s19], [sflag:$0x1] =	stream.indirect_vreg.gather [hbm4b:s2+s12], $0x80, v30, vm0, $0xb8;
	[tilespmem:$0x18280] =	vst v63  }
0x2bf: {  	v30 =	vld [tilespmem:$0x190];
	_ =	sdelay $0x4  }
0x2c0: {  	v57 =	vshll.u32 v30, $0x1  }
0x2c1: {  	v30 =	vand.u32 $0x7, v30;
	v39 =	vand.u32 $0xFFFFFFF0, v57  }
0x2c2: {  	v30 =	vor.u32 v30, v39  }
0x2c3: {  	v39 =	vperm.xlane v30, v0;
	_ =	sdelay $0x1  }
0x2c4: {  	v30 =	vperm.xlane v30, v2;
	v39 =	vadd.s32 v1, v39;
	_ =	sdelay $0x1  }
0x2c5: {  	v30 =	vadd.s32 v1, v30;
	_ =	sdelay $0x2  }
0x2c6: {  	[tilespmem:s20], [sflag:$0x1] =	stream.indirect_vreg.gather [hbm4b:s2+s12], $0x80, v39, vm0, $0xb8;
	[tilespmem:$0x18280] =	vst v63  }
0x2c7: {  	_ = 	snop  }
0x2c8: {  	[tilespmem:s21], [sflag:$0x1] =	stream.indirect_vreg.gather [hbm4b:s2+s12], $0x80, v30, vm0, $0xb8;
	[tilespmem:$0x18280] =	vst v63  }
0x2c9: {  	v30 =	vld [tilespmem:$0x1A0];
	_ =	sdelay $0x4  }
0x2ca: {  	v58 =	vshll.u32 v30, $0x1  }
0x2cb: {  	v30 =	vand.u32 $0x7, v30;
	v39 =	vand.u32 $0xFFFFFFF0, v58  }
0x2cc: {  	v30 =	vor.u32 v30, v39  }
0x2cd: {  	v39 =	vperm.xlane v30, v0  }
0x2ce: {  	v9 =	vadd.f32 v10, v9;
	v10 =	vmul.f32 v11, v11  }
0x2cf: {  	v3 =	vsub.f32 v3, v5;
	v11 =	vperm.xlane v30, v2;
	v5 =	vadd.s32 v1, v39  }
0x2d0: {  	v9 =	vadd.f32 v10, v9  }
0x2d1: {  	v4 =	vsub.f32 v4, v6;
	v3 =	vmul.f32 v3, v3;
	v6 =	vadd.s32 v1, v11;
	_ =	sdelay $0x1  }
0x2d2: {  	v3 =	vadd.f32 v3, v9;
	v7 =	vsub.f32 v7, v8;
	v4 =	vmul.f32 v4, v4  }
0x2d3: {  	[tilespmem:s22], [sflag:$0x1] =	stream.indirect_vreg.gather [hbm4b:s2+s12], $0x80, v5, vm0, $0xb8;
	[tilespmem:$0x18280] =	vst v63  }
0x2d4: {  	v3 =	vadd.f32 v4, v3;
	v4 =	vmul.f32 v7, v7;
	v5 =	vsub.f32 v12, v13  }
0x2d5: {  	[tilespmem:s23], [sflag:$0x1] =	stream.indirect_vreg.gather [hbm4b:s2+s12], $0x80, v6, vm0, $0xb8;
	[tilespmem:$0x18280] =	vst v63  }
0x2d6: {  	v3 =	vadd.f32 v4, v3;
	v6 =	vsub.f32 v14, v15;
	v5 =	vmul.f32 v5, v5;
	v4 =	vld [tilespmem:$0x1B0];
	_ =	sdelay $0x1  }
0x2d7: {  	v3 =	vadd.f32 v5, v3;
	v5 =	vsub.f32 v16, v17;
	v6 =	vmul.f32 v6, v6;
	_ =	sdelay $0x1  }
0x2d8: {  	v3 =	vadd.f32 v6, v3;
	v5 =	vmul.f32 v5, v5  }
0x2d9: {  	v6 =	vsub.f32 v18, v19;
	v7 =	vshll.u32 v4, $0x1  }
0x2da: {  	v3 =	vadd.f32 v5, v3;
	v4 =	vand.u32 $0x7, v4;
	v5 =	vand.u32 $0xFFFFFFF0, v7  }
0x2db: {  	v6 =	vmul.f32 v6, v6;
	v7 =	vsub.f32 v20, v21;
	v4 =	vor.u32 v4, v5  }
0x2dc: {  	v5 =	vperm.xlane v4, v0  }
0x2dd: {  	v3 =	vadd.f32 v6, v3;
	v6 =	vmul.f32 v7, v7  }
0x2de: {  	v7 =	vsub.f32 v22, v23;
	v4 =	vperm.xlane v4, v2;
	v5 =	vadd.s32 v1, v5  }
0x2df: {  	v3 =	vadd.f32 v6, v3  }
0x2e0: {  	v6 =	vsub.f32 v24, v25;
	v7 =	vmul.f32 v7, v7;
	v4 =	vadd.s32 v1, v4;
	_ =	sdelay $0x1  }
0x2e1: {  	v3 =	vadd.f32 v7, v3;
	v6 =	vmul.f32 v6, v6  }
0x2e2: {  	v7 =	vsub.f32 v26, v27;
	[tilespmem:s24], [sflag:$0x1] =	stream.indirect_vreg.gather [hbm4b:s2+s12], $0x80, v5, vm0, $0xb8;
	[tilespmem:$0x18280] =	vst v63  }
0x2e3: {  	v3 =	vadd.f32 v6, v3  }
0x2e4: {  	v5 =	vsub.f32 v28, v29;
	[tilespmem:s25], [sflag:$0x1] =	stream.indirect_vreg.gather [hbm4b:s2+s12], $0x80, v4, vm0, $0xb8;
	v4 =	vmul.f32 v7, v7;
	[tilespmem:$0x18280] =	vst v63  }
0x2e5: {  	_ = 	snop  }
0x2e6: {  	s11 =	rddreg [dreg:$0xb];
	v5 =	vmul.f32 v5, v5;
	v3 =	vadd.f32 v4, v3;
	v4 =	vsub.f32 v31, v32  }
0x2e7: {  	[tilespmem:s15], [sflag:$0x1] =	stream.linear.gather [hbm4b:s11+s12], $0x4000, $0x38;
	[tilespmem:$0x18280] =	vst v63  }
0x2e8: {  	_ =	swait.ge [sflag:s7], $0x4000;
	v3 =	vadd.f32 v5, v3;
	v5 =	vsub.f32 v33, v34;
	v4 =	vmul.f32 v4, v4  }
0x2e9: {  	[sflag:s7] =	ssyncset.done $0x0  }
0x2ea: {  	[sflag:s7] =	ssyncadd.s32 $0xFFFFC000;
	v3 =	vadd.f32 v4, v3;
	v4 =	vsub.f32 v35, v37;
	v5 =	vmul.f32 v5, v5  }
0x2eb: {  	_ =	swait.ge [sflag:s7], $0x4000  }
0x2ec: {  	s13 =	sand.u32 $0x3800, s12;
	s10 =	sand.u32 $0x380, s12;
	[sflag:s7] =	ssyncset.done $0x0;
	v3 =	vadd.f32 v5, v3;
	v4 =	vmul.f32 v4, v4;
	v5 =	vsub.f32 v38, v56  }
0x2ed: {  	s13 =	sor.u32 s10, s13;
	[sflag:s7] =	ssyncadd.s32 $0xFFFFC000  }
0x2ee: {  	v6 =	vld [tilespmem:s13+$0x10200];
	v3 =	vadd.f32 v4, v3;
	v4 =	vmul.f32 v5, v5;
	v5 =	vsub.f32 v40, v41  }
0x2ef: {  	v7 =	vld [tilespmem:s13+$0x4200]  }
0x2f0: {  	v8 =	vld [tilespmem:s13+$0x10210];
	v3 =	vadd.f32 v4, v3;
	v4 =	vmul.f32 v5, v5;
	v5 =	vsub.f32 v42, v43  }
0x2f1: {  	v9 =	vld [tilespmem:s13+$0x4210]  }
0x2f2: {  	v10 =	vld [tilespmem:s13+$0x10220];
	v3 =	vadd.f32 v4, v3;
	v4 =	vmul.f32 v5, v5;
	v5 =	vsub.f32 v44, v45  }
0x2f3: {  	v11 =	vld [tilespmem:s13+$0x4220]  }
0x2f4: {  	v59 =	vld [tilespmem:s13+$0x10230];
	v3 =	vadd.f32 v4, v3;
	v4 =	vmul.f32 v5, v5;
	v5 =	vsub.f32 v6, v7  }
0x2f5: {  	v6 =	vld [tilespmem:s13+$0x4230]  }
0x2f6: {  	v7 =	vld [tilespmem:s13+$0x10240];
	v3 =	vadd.f32 v4, v3;
	v4 =	vmul.f32 v5, v5;
	v5 =	vsub.f32 v8, v9  }
0x2f7: {  	v8 =	vld [tilespmem:s13+$0x4240]  }
0x2f8: {  	v9 =	vld [tilespmem:s13+$0x10250];
	v3 =	vadd.f32 v4, v3;
	v4 =	vmul.f32 v5, v5;
	v5 =	vsub.f32 v10, v11  }
0x2f9: {  	v10 =	vld [tilespmem:s13+$0x4250]  }
0x2fa: {  	v11 =	vld [tilespmem:s13+$0x10260];
	v3 =	vadd.f32 v4, v3;
	v4 =	vmul.f32 v5, v5;
	v5 =	vsub.f32 v59, v6  }
0x2fb: {  	v6 =	vld [tilespmem:s13+$0x4260]  }
0x2fc: {  	v60 =	vld [tilespmem:s13+$0x10270];
	v3 =	vadd.f32 v4, v3;
	v4 =	vmul.f32 v5, v5;
	v5 =	vsub.f32 v7, v8  }
0x2fd: {  	v7 =	vld [tilespmem:s13+$0x4270]  }
0x2fe: {  	v8 =	vld [tilespmem:s13+$0x10600];
	v3 =	vadd.f32 v4, v3;
	v4 =	vmul.f32 v5, v5;
	v5 =	vsub.f32 v9, v10  }
0x2ff: {  	v9 =	vld [tilespmem:s13+$0x4600]  }
0x300: {  	v10 =	vld [tilespmem:s13+$0x10610];
	v3 =	vadd.f32 v4, v3;
	v4 =	vmul.f32 v5, v5;
	v5 =	vsub.f32 v11, v6  }
0x301: {  	v6 =	vld [tilespmem:s13+$0x4610]  }
0x302: {  	v11 =	vld [tilespmem:s13+$0x10620];
	v3 =	vadd.f32 v4, v3;
	v4 =	vmul.f32 v5, v5;
	v5 =	vsub.f32 v60, v7  }
0x303: {  	v7 =	vld [tilespmem:s13+$0x4620]  }
0x304: {  	v61 =	vld [tilespmem:s13+$0x10630];
	v3 =	vadd.f32 v4, v3;
	v4 =	vmul.f32 v5, v5;
	v5 =	vsub.f32 v8, v9  }
0x305: {  	v8 =	vld [tilespmem:s13+$0x4630]  }
0x306: {  	v62 =	vld [tilespmem:s13+$0x10640];
	v6 =	vsub.f32 v10, v6;
	v4 =	vadd.f32 v4, v3;
	v5 =	vmul.f32 v5, v5  }
0x307: {  	v63 =	vld [tilespmem:s13+$0x4640]  }
0x308: {  	v3 =	vld [tilespmem:s13+$0x10650];
	v6 =	vmul.f32 v6, v6;
	v7 =	vsub.f32 v11, v7;
	v9 =	vadd.f32 v5, v4  }
0x309: {  	v5 =	vld [tilespmem:s13+$0x4650]  }
0x30a: {  	v4 =	vld [tilespmem:s13+$0x10660];
	v10 =	vmul.f32 v7, v7;
	v8 =	vsub.f32 v61, v8;
	v9 =	vadd.f32 v6, v9  }
0x30b: {  	s14 =	simm.s32 $0x100;
	s11 =	simm.s32 $0x80;
	v6 =	vld [tilespmem:s13+$0x4660]  }
0x30c: {  	s10 =	sand.u32 $0x3800, s14;
	s12 =	sand.u32 $0x380, s11;
	v11 =	vsub.f32 v62, v63;
	v7 =	vld [tilespmem:s13+$0x10670];
	v9 =	vadd.f32 v10, v9;
	v10 =	vmul.f32 v8, v8  }
0x30d: {  	s10 =	sor.u32 s12, s10;
	s12 =	simm.s32 $0x200;
	v8 =	vld [tilespmem:s13+$0x4670]  }
.LBB2_10:
0x30e: {  	p0 =	sne.s32 s12, $0x3F00;
	v12 =	vld [tilespmem:s10+$0x10200];
	v9 =	vadd.f32 v10, v9;
	v10 =	vmul.f32 v11, v11;
	v3 =	vsub.f32 v3, v5  }
0x30f: {  	v5 =	vld [tilespmem:s10+$0x4200]  }
0x310: {  	v11 =	vld [tilespmem:s10+$0x10210];
	v9 =	vadd.f32 v10, v9;
	v3 =	vmul.f32 v3, v3;
	v4 =	vsub.f32 v4, v6  }
0x311: {  	v6 =	vld [tilespmem:s10+$0x4210]  }
0x312: {  	v10 =	vld [tilespmem:s10+$0x10220];
	v3 =	vadd.f32 v3, v9;
	v4 =	vmul.f32 v4, v4;
	v7 =	vsub.f32 v7, v8  }
0x313: {  	v8 =	vld [tilespmem:s10+$0x4220]  }
0x314: {  	v5 =	vsub.f32 v12, v5;
	v9 =	vld [tilespmem:s10+$0x10230];
	v3 =	vadd.f32 v4, v3;
	v4 =	vmul.f32 v7, v7  }
0x315: {  	v7 =	vld [tilespmem:s10+$0x4230]  }
0x316: {  	v5 =	vmul.f32 v5, v5;
	v6 =	vsub.f32 v11, v6;
	v11 =	vld [tilespmem:s10+$0x10240];
	v3 =	vadd.f32 v4, v3  }
0x317: {  	v4 =	vld [tilespmem:s10+$0x4240]  }
0x318: {  	v3 =	vadd.f32 v5, v3;
	v5 =	vmul.f32 v6, v6;
	v6 =	vsub.f32 v10, v8;
	v8 =	vld [tilespmem:s10+$0x10250]  }
0x319: {  	v10 =	vld [tilespmem:s10+$0x4250]  }
0x31a: {  	v3 =	vadd.f32 v5, v3;
	v5 =	vmul.f32 v6, v6;
	v6 =	vsub.f32 v9, v7;
	v7 =	vld [tilespmem:s10+$0x10260]  }
0x31b: {  	v9 =	vld [tilespmem:s10+$0x4260]  }
0x31c: {  	v3 =	vadd.f32 v5, v3;
	v5 =	vmul.f32 v6, v6;
	v4 =	vsub.f32 v11, v4;
	v6 =	vld [tilespmem:s10+$0x10270]  }
0x31d: {  	v11 =	vld [tilespmem:s10+$0x4270]  }
0x31e: {  	v3 =	vadd.f32 v5, v3;
	v4 =	vmul.f32 v4, v4;
	v5 =	vsub.f32 v8, v10;
	v8 =	vld [tilespmem:s10+$0x10600]  }
0x31f: {  	v10 =	vld [tilespmem:s10+$0x4600]  }
0x320: {  	v3 =	vadd.f32 v4, v3;
	v4 =	vmul.f32 v5, v5;
	v5 =	vsub.f32 v7, v9;
	v7 =	vld [tilespmem:s10+$0x10610]  }
0x321: {  	v9 =	vld [tilespmem:s10+$0x4610]  }
0x322: {  	v3 =	vadd.f32 v4, v3;
	v4 =	vmul.f32 v5, v5;
	v5 =	vsub.f32 v6, v11;
	v6 =	vld [tilespmem:s10+$0x10620]  }
0x323: {  	v11 =	vld [tilespmem:s10+$0x4620]  }
0x324: {  	v3 =	vadd.f32 v4, v3;
	v4 =	vmul.f32 v5, v5;
	v5 =	vsub.f32 v8, v10;
	v8 =	vld [tilespmem:s10+$0x10630]  }
0x325: {  	v10 =	vld [tilespmem:s10+$0x4630]  }
0x326: {  	v3 =	vadd.f32 v4, v3;
	v4 =	vmul.f32 v5, v5;
	v5 =	vsub.f32 v7, v9;
	v7 =	vld [tilespmem:s10+$0x10640]  }
0x327: {  	v12 =	vld [tilespmem:s10+$0x4640]  }
0x328: {  	v4 =	vadd.f32 v4, v3;
	v9 =	vmul.f32 v5, v5;
	v6 =	vsub.f32 v6, v11;
	v3 =	vld [tilespmem:s10+$0x10650]  }
.Ltmp4:
0x329: {  	v5 =	vld [tilespmem:s10+$0x4650];
	(pc) =	sbr.rel @p0 .LBB2_10-.Ltmp4, $4  }
0x32a: {  	v9 =	vadd.f32 v9, v4;
	v11 =	vmul.f32 v6, v6;
	v8 =	vsub.f32 v8, v10;
	v4 =	vld [tilespmem:s10+$0x10660]  }
0x32b: {  	s11 =	sadd.s32 $0x80, s11;
	v6 =	vld [tilespmem:s10+$0x4660]  }
0x32c: {  	s13 =	sand.u32 $0x3800, s12;
	s14 =	sand.u32 $0x380, s11;
	v9 =	vadd.f32 v11, v9;
	v10 =	vmul.f32 v8, v8;
	v11 =	vsub.f32 v7, v12;
	v7 =	vld [tilespmem:s10+$0x10670]  }
0x32d: {  	s12 =	sadd.s32 $0x100, s12;
	v8 =	vld [tilespmem:s10+$0x4670];
	s10 =	sor.u32 s14, s13  }
0x32e: {  	v12 =	vld [tilespmem:s10+$0x10200]  }
0x32f: {  	v13 =	vld [tilespmem:s10+$0x4200]  }
0x330: {  	v14 =	vld [tilespmem:s10+$0x10210]  }
0x331: {  	v15 =	vld [tilespmem:s10+$0x4210]  }
0x332: {  	v16 =	vld [tilespmem:s10+$0x10220]  }
0x333: {  	v17 =	vld [tilespmem:s10+$0x4220]  }
0x334: {  	v18 =	vld [tilespmem:s10+$0x10230]  }
0x335: {  	v19 =	vld [tilespmem:s10+$0x4230]  }
0x336: {  	v20 =	vld [tilespmem:s10+$0x10240]  }
0x337: {  	v21 =	vld [tilespmem:s10+$0x4240]  }
0x338: {  	v22 =	vld [tilespmem:s10+$0x10250]  }
0x339: {  	v23 =	vld [tilespmem:s10+$0x4250]  }
0x33a: {  	v24 =	vld [tilespmem:s10+$0x10260]  }
0x33b: {  	v25 =	vld [tilespmem:s10+$0x4260]  }
0x33c: {  	v26 =	vld [tilespmem:s10+$0x10270]  }
0x33d: {  	v27 =	vld [tilespmem:s10+$0x4270]  }
0x33e: {  	v28 =	vld [tilespmem:s10+$0x10600]  }
0x33f: {  	v30 =	vld [tilespmem:$0x1C0]  }
0x340: {  	v29 =	vld [tilespmem:s10+$0x4600]  }
0x341: {  	v31 =	vld [tilespmem:s10+$0x10610]  }
0x342: {  	v32 =	vld [tilespmem:s10+$0x4610]  }
0x343: {  	v33 =	vld [tilespmem:s10+$0x10620]  }
0x344: {  	v34 =	vld [tilespmem:s10+$0x4620];
	v36 =	vshll.u32 v30, $0x1  }
0x345: {  	v35 =	vld [tilespmem:s10+$0x10630];
	v30 =	vand.u32 $0x7, v30;
	v36 =	vand.u32 $0xFFFFFFF0, v36  }
0x346: {  	v37 =	vld [tilespmem:s10+$0x4630];
	v30 =	vor.u32 v30, v36  }
0x347: {  	v38 =	vld [tilespmem:s10+$0x10640];
	v39 =	vperm.xlane v30, v0  }
0x348: {  	v56 =	vld [tilespmem:s10+$0x4640]  }
0x349: {  	v40 =	vld [tilespmem:s10+$0x10650];
	v30 =	vperm.xlane v30, v2;
	v39 =	vadd.s32 v1, v39  }
0x34a: {  	v41 =	vld [tilespmem:s10+$0x4650]  }
0x34b: {  	v42 =	vld [tilespmem:s10+$0x10660];
	v30 =	vadd.s32 v1, v30  }
0x34c: {  	v43 =	vld [tilespmem:s10+$0x4660]  }
0x34d: {  	v44 =	vld [tilespmem:s10+$0x10670];
	s12 =	simm.s32 $0x0  }
0x34e: {  	v45 =	vld [tilespmem:s10+$0x4670];
	[tilespmem:s26], [sflag:$0x2] =	stream.indirect_vreg.gather [hbm4b:s2+s12], $0x80, v39, vm0, $0xb8  }
0x34f: {  	_ = 	snop  }
0x350: {  	[tilespmem:s28], [sflag:$0x2] =	stream.indirect_vreg.gather [hbm4b:s2+s12], $0x80, v30, vm0, $0xb8;
	[tilespmem:$0x18280] =	vst v63  }
0x351: {  	v30 =	vld [tilespmem:$0x1D0];
	_ =	sdelay $0x4  }
0x352: {  	v57 =	vshll.u32 v30, $0x1  }
0x353: {  	v30 =	vand.u32 $0x7, v30;
	v39 =	vand.u32 $0xFFFFFFF0, v57  }
0x354: {  	v30 =	vor.u32 v30, v39  }
0x355: {  	v39 =	vperm.xlane v30, v0;
	_ =	sdelay $0x1  }
0x356: {  	v30 =	vperm.xlane v30, v2;
	v39 =	vadd.s32 v1, v39;
	_ =	sdelay $0x1  }
0x357: {  	v30 =	vadd.s32 v1, v30;
	_ =	sdelay $0x2  }
0x358: {  	[tilespmem:s29], [sflag:$0x2] =	stream.indirect_vreg.gather [hbm4b:s2+s12], $0x80, v39, vm0, $0xb8;
	[tilespmem:$0x18280] =	vst v63  }
0x359: {  	_ = 	snop  }
0x35a: {  	[tilespmem:s30], [sflag:$0x2] =	stream.indirect_vreg.gather [hbm4b:s2+s12], $0x80, v30, vm0, $0xb8;
	[tilespmem:$0x18280] =	vst v63  }
0x35b: {  	v30 =	vld [tilespmem:$0x1E0];
	_ =	sdelay $0x4  }
0x35c: {  	v58 =	vshll.u32 v30, $0x1  }
0x35d: {  	v30 =	vand.u32 $0x7, v30;
	v39 =	vand.u32 $0xFFFFFFF0, v58  }
0x35e: {  	v30 =	vor.u32 v30, v39  }
0x35f: {  	v39 =	vperm.xlane v30, v0  }
0x360: {  	v9 =	vadd.f32 v10, v9;
	v10 =	vmul.f32 v11, v11  }
0x361: {  	v3 =	vsub.f32 v3, v5;
	v11 =	vperm.xlane v30, v2;
	v5 =	vadd.s32 v1, v39  }
0x362: {  	v9 =	vadd.f32 v10, v9  }
0x363: {  	v4 =	vsub.f32 v4, v6;
	v3 =	vmul.f32 v3, v3;
	v6 =	vadd.s32 v1, v11;
	_ =	sdelay $0x1  }
0x364: {  	v3 =	vadd.f32 v3, v9;
	v7 =	vsub.f32 v7, v8;
	v4 =	vmul.f32 v4, v4  }
0x365: {  	[tilespmem:s31], [sflag:$0x2] =	stream.indirect_vreg.gather [hbm4b:s2+s12], $0x80, v5, vm0, $0xb8;
	[tilespmem:$0x18280] =	vst v63  }
0x366: {  	v3 =	vadd.f32 v4, v3;
	v4 =	vmul.f32 v7, v7;
	v5 =	vsub.f32 v12, v13  }
0x367: {  	[tilespmem:s0], [sflag:$0x2] =	stream.indirect_vreg.gather [hbm4b:s2+s12], $0x80, v6, vm0, $0xb8;
	[tilespmem:$0x18280] =	vst v63  }
0x368: {  	v3 =	vadd.f32 v4, v3;
	v6 =	vsub.f32 v14, v15;
	v5 =	vmul.f32 v5, v5;
	v4 =	vld [tilespmem:$0x1F0];
	_ =	sdelay $0x1  }
0x369: {  	v3 =	vadd.f32 v5, v3;
	v5 =	vsub.f32 v16, v17;
	v6 =	vmul.f32 v6, v6;
	_ =	sdelay $0x1  }
0x36a: {  	v3 =	vadd.f32 v6, v3;
	v5 =	vmul.f32 v5, v5  }
0x36b: {  	v6 =	vsub.f32 v18, v19;
	v7 =	vshll.u32 v4, $0x1  }
0x36c: {  	v3 =	vadd.f32 v5, v3;
	v4 =	vand.u32 $0x7, v4;
	v5 =	vand.u32 $0xFFFFFFF0, v7  }
0x36d: {  	v6 =	vmul.f32 v6, v6;
	v7 =	vsub.f32 v20, v21;
	v4 =	vor.u32 v4, v5  }
0x36e: {  	v5 =	vperm.xlane v4, v0  }
0x36f: {  	v3 =	vadd.f32 v6, v3;
	v6 =	vmul.f32 v7, v7  }
0x370: {  	v7 =	vsub.f32 v22, v23;
	v4 =	vperm.xlane v4, v2;
	v5 =	vadd.s32 v1, v5  }
0x371: {  	v3 =	vadd.f32 v6, v3  }
0x372: {  	v6 =	vsub.f32 v24, v25;
	v7 =	vmul.f32 v7, v7;
	v4 =	vadd.s32 v1, v4;
	_ =	sdelay $0x1  }
0x373: {  	v3 =	vadd.f32 v7, v3;
	v6 =	vmul.f32 v6, v6  }
0x374: {  	v7 =	vsub.f32 v26, v27;
	[tilespmem:s1], [sflag:$0x2] =	stream.indirect_vreg.gather [hbm4b:s2+s12], $0x80, v5, vm0, $0xb8;
	[tilespmem:$0x18280] =	vst v63  }
0x375: {  	v3 =	vadd.f32 v6, v3  }
0x376: {  	v5 =	vsub.f32 v28, v29;
	[tilespmem:s5], [sflag:$0x2] =	stream.indirect_vreg.gather [hbm4b:s2+s12], $0x80, v4, vm0, $0xb8;
	v4 =	vmul.f32 v7, v7;
	[tilespmem:$0x18280] =	vst v63  }
0x377: {  	_ = 	snop  }
0x378: {  	s11 =	rddreg [dreg:$0xc];
	v5 =	vmul.f32 v5, v5;
	v3 =	vadd.f32 v4, v3;
	v4 =	vsub.f32 v31, v32  }
0x379: {  	[tilespmem:s16], [sflag:$0x2] =	stream.linear.gather [hbm4b:s11+s12], $0x4000, $0x38;
	[tilespmem:$0x18280] =	vst v63  }
0x37a: {  	_ =	swait.ge [sflag:s8], $0x4000;
	v3 =	vadd.f32 v5, v3;
	v5 =	vsub.f32 v33, v34;
	v4 =	vmul.f32 v4, v4  }
0x37b: {  	[sflag:s8] =	ssyncset.done $0x0  }
0x37c: {  	[sflag:s8] =	ssyncadd.s32 $0xFFFFC000;
	v3 =	vadd.f32 v4, v3;
	v4 =	vsub.f32 v35, v37;
	v5 =	vmul.f32 v5, v5  }
0x37d: {  	_ =	swait.ge [sflag:s8], $0x4000  }
0x37e: {  	s13 =	sand.u32 $0x3800, s12;
	s10 =	sand.u32 $0x380, s12;
	[sflag:s8] =	ssyncset.done $0x0;
	v3 =	vadd.f32 v5, v3;
	v4 =	vmul.f32 v4, v4;
	v5 =	vsub.f32 v38, v56  }
0x37f: {  	s13 =	sor.u32 s10, s13;
	[sflag:s8] =	ssyncadd.s32 $0xFFFFC000  }
0x380: {  	v6 =	vld [tilespmem:s13+$0x14200];
	v3 =	vadd.f32 v4, v3;
	v4 =	vmul.f32 v5, v5;
	v5 =	vsub.f32 v40, v41  }
0x381: {  	v7 =	vld [tilespmem:s13+$0x8200]  }
0x382: {  	v8 =	vld [tilespmem:s13+$0x14210];
	v3 =	vadd.f32 v4, v3;
	v4 =	vmul.f32 v5, v5;
	v5 =	vsub.f32 v42, v43  }
0x383: {  	v9 =	vld [tilespmem:s13+$0x8210]  }
0x384: {  	v10 =	vld [tilespmem:s13+$0x14220];
	v3 =	vadd.f32 v4, v3;
	v4 =	vmul.f32 v5, v5;
	v5 =	vsub.f32 v44, v45  }
0x385: {  	v11 =	vld [tilespmem:s13+$0x8220]  }
0x386: {  	v59 =	vld [tilespmem:s13+$0x14230];
	v3 =	vadd.f32 v4, v3;
	v4 =	vmul.f32 v5, v5;
	v5 =	vsub.f32 v6, v7  }
0x387: {  	v6 =	vld [tilespmem:s13+$0x8230]  }
0x388: {  	v7 =	vld [tilespmem:s13+$0x14240];
	v3 =	vadd.f32 v4, v3;
	v4 =	vmul.f32 v5, v5;
	v5 =	vsub.f32 v8, v9  }
0x389: {  	v8 =	vld [tilespmem:s13+$0x8240]  }
0x38a: {  	v9 =	vld [tilespmem:s13+$0x14250];
	v3 =	vadd.f32 v4, v3;
	v4 =	vmul.f32 v5, v5;
	v5 =	vsub.f32 v10, v11  }
0x38b: {  	v10 =	vld [tilespmem:s13+$0x8250]  }
0x38c: {  	v11 =	vld [tilespmem:s13+$0x14260];
	v3 =	vadd.f32 v4, v3;
	v4 =	vmul.f32 v5, v5;
	v5 =	vsub.f32 v59, v6  }
0x38d: {  	v6 =	vld [tilespmem:s13+$0x8260]  }
0x38e: {  	v60 =	vld [tilespmem:s13+$0x14270];
	v3 =	vadd.f32 v4, v3;
	v4 =	vmul.f32 v5, v5;
	v5 =	vsub.f32 v7, v8  }
0x38f: {  	v7 =	vld [tilespmem:s13+$0x8270]  }
0x390: {  	v8 =	vld [tilespmem:s13+$0x14600];
	v3 =	vadd.f32 v4, v3;
	v4 =	vmul.f32 v5, v5;
	v5 =	vsub.f32 v9, v10  }
0x391: {  	v9 =	vld [tilespmem:s13+$0x8600]  }
0x392: {  	v10 =	vld [tilespmem:s13+$0x14610];
	v3 =	vadd.f32 v4, v3;
	v4 =	vmul.f32 v5, v5;
	v5 =	vsub.f32 v11, v6  }
0x393: {  	v6 =	vld [tilespmem:s13+$0x8610]  }
0x394: {  	v11 =	vld [tilespmem:s13+$0x14620];
	v3 =	vadd.f32 v4, v3;
	v4 =	vmul.f32 v5, v5;
	v5 =	vsub.f32 v60, v7  }
0x395: {  	v7 =	vld [tilespmem:s13+$0x8620]  }
0x396: {  	v61 =	vld [tilespmem:s13+$0x14630];
	v3 =	vadd.f32 v4, v3;
	v4 =	vmul.f32 v5, v5;
	v5 =	vsub.f32 v8, v9  }
0x397: {  	v8 =	vld [tilespmem:s13+$0x8630]  }
0x398: {  	v62 =	vld [tilespmem:s13+$0x14640];
	v6 =	vsub.f32 v10, v6;
	v4 =	vadd.f32 v4, v3;
	v5 =	vmul.f32 v5, v5  }
0x399: {  	v63 =	vld [tilespmem:s13+$0x8640]  }
0x39a: {  	v3 =	vld [tilespmem:s13+$0x14650];
	v6 =	vmul.f32 v6, v6;
	v7 =	vsub.f32 v11, v7;
	v9 =	vadd.f32 v5, v4  }
0x39b: {  	v5 =	vld [tilespmem:s13+$0x8650]  }
0x39c: {  	v4 =	vld [tilespmem:s13+$0x14660];
	v10 =	vmul.f32 v7, v7;
	v8 =	vsub.f32 v61, v8;
	v9 =	vadd.f32 v6, v9  }
0x39d: {  	s14 =	simm.s32 $0x100;
	s11 =	simm.s32 $0x80;
	v6 =	vld [tilespmem:s13+$0x8660]  }
0x39e: {  	s10 =	sand.u32 $0x3800, s14;
	s12 =	sand.u32 $0x380, s11;
	v11 =	vsub.f32 v62, v63;
	v7 =	vld [tilespmem:s13+$0x14670];
	v9 =	vadd.f32 v10, v9;
	v10 =	vmul.f32 v8, v8  }
0x39f: {  	s10 =	sor.u32 s12, s10;
	s12 =	simm.s32 $0x200;
	v8 =	vld [tilespmem:s13+$0x8670]  }
.LBB2_12:
0x3a0: {  	p0 =	sne.s32 s12, $0x3F00;
	v12 =	vld [tilespmem:s10+$0x14200];
	v9 =	vadd.f32 v10, v9;
	v10 =	vmul.f32 v11, v11;
	v3 =	vsub.f32 v3, v5  }
0x3a1: {  	v5 =	vld [tilespmem:s10+$0x8200]  }
0x3a2: {  	v11 =	vld [tilespmem:s10+$0x14210];
	v9 =	vadd.f32 v10, v9;
	v3 =	vmul.f32 v3, v3;
	v4 =	vsub.f32 v4, v6  }
0x3a3: {  	v6 =	vld [tilespmem:s10+$0x8210]  }
0x3a4: {  	v10 =	vld [tilespmem:s10+$0x14220];
	v3 =	vadd.f32 v3, v9;
	v4 =	vmul.f32 v4, v4;
	v7 =	vsub.f32 v7, v8  }
0x3a5: {  	v8 =	vld [tilespmem:s10+$0x8220]  }
0x3a6: {  	v5 =	vsub.f32 v12, v5;
	v9 =	vld [tilespmem:s10+$0x14230];
	v3 =	vadd.f32 v4, v3;
	v4 =	vmul.f32 v7, v7  }
0x3a7: {  	v7 =	vld [tilespmem:s10+$0x8230]  }
0x3a8: {  	v5 =	vmul.f32 v5, v5;
	v6 =	vsub.f32 v11, v6;
	v11 =	vld [tilespmem:s10+$0x14240];
	v3 =	vadd.f32 v4, v3  }
0x3a9: {  	v4 =	vld [tilespmem:s10+$0x8240]  }
0x3aa: {  	v3 =	vadd.f32 v5, v3;
	v5 =	vmul.f32 v6, v6;
	v6 =	vsub.f32 v10, v8;
	v8 =	vld [tilespmem:s10+$0x14250]  }
0x3ab: {  	v10 =	vld [tilespmem:s10+$0x8250]  }
0x3ac: {  	v3 =	vadd.f32 v5, v3;
	v5 =	vmul.f32 v6, v6;
	v6 =	vsub.f32 v9, v7;
	v7 =	vld [tilespmem:s10+$0x14260]  }
0x3ad: {  	v9 =	vld [tilespmem:s10+$0x8260]  }
0x3ae: {  	v3 =	vadd.f32 v5, v3;
	v5 =	vmul.f32 v6, v6;
	v4 =	vsub.f32 v11, v4;
	v6 =	vld [tilespmem:s10+$0x14270]  }
0x3af: {  	v11 =	vld [tilespmem:s10+$0x8270]  }
0x3b0: {  	v3 =	vadd.f32 v5, v3;
	v4 =	vmul.f32 v4, v4;
	v5 =	vsub.f32 v8, v10;
	v8 =	vld [tilespmem:s10+$0x14600]  }
0x3b1: {  	v10 =	vld [tilespmem:s10+$0x8600]  }
0x3b2: {  	v3 =	vadd.f32 v4, v3;
	v4 =	vmul.f32 v5, v5;
	v5 =	vsub.f32 v7, v9;
	v7 =	vld [tilespmem:s10+$0x14610]  }
0x3b3: {  	v9 =	vld [tilespmem:s10+$0x8610]  }
0x3b4: {  	v3 =	vadd.f32 v4, v3;
	v4 =	vmul.f32 v5, v5;
	v5 =	vsub.f32 v6, v11;
	v6 =	vld [tilespmem:s10+$0x14620]  }
0x3b5: {  	v11 =	vld [tilespmem:s10+$0x8620]  }
0x3b6: {  	v3 =	vadd.f32 v4, v3;
	v4 =	vmul.f32 v5, v5;
	v5 =	vsub.f32 v8, v10;
	v8 =	vld [tilespmem:s10+$0x14630]  }
0x3b7: {  	v10 =	vld [tilespmem:s10+$0x8630]  }
0x3b8: {  	v3 =	vadd.f32 v4, v3;
	v4 =	vmul.f32 v5, v5;
	v5 =	vsub.f32 v7, v9;
	v7 =	vld [tilespmem:s10+$0x14640]  }
0x3b9: {  	v12 =	vld [tilespmem:s10+$0x8640]  }
0x3ba: {  	v4 =	vadd.f32 v4, v3;
	v9 =	vmul.f32 v5, v5;
	v6 =	vsub.f32 v6, v11;
	v3 =	vld [tilespmem:s10+$0x14650]  }
.Ltmp5:
0x3bb: {  	v5 =	vld [tilespmem:s10+$0x8650];
	(pc) =	sbr.rel @p0 .LBB2_12-.Ltmp5, $4  }
0x3bc: {  	v9 =	vadd.f32 v9, v4;
	v11 =	vmul.f32 v6, v6;
	v8 =	vsub.f32 v8, v10;
	v4 =	vld [tilespmem:s10+$0x14660]  }
0x3bd: {  	s11 =	sadd.s32 $0x80, s11;
	v6 =	vld [tilespmem:s10+$0x8660]  }
0x3be: {  	s13 =	sand.u32 $0x3800, s12;
	s14 =	sand.u32 $0x380, s11;
	v9 =	vadd.f32 v11, v9;
	v10 =	vmul.f32 v8, v8;
	v11 =	vsub.f32 v7, v12;
	v7 =	vld [tilespmem:s10+$0x14670]  }
0x3bf: {  	s12 =	sadd.s32 $0x100, s12;
	v8 =	vld [tilespmem:s10+$0x8670];
	s10 =	sor.u32 s14, s13  }
0x3c0: {  	v12 =	vld [tilespmem:s10+$0x14200]  }
0x3c1: {  	v13 =	vld [tilespmem:s10+$0x8200]  }
0x3c2: {  	v14 =	vld [tilespmem:s10+$0x14210]  }
0x3c3: {  	v15 =	vld [tilespmem:s10+$0x8210]  }
0x3c4: {  	v16 =	vld [tilespmem:s10+$0x14220]  }
0x3c5: {  	v17 =	vld [tilespmem:s10+$0x8220];
	v9 =	vadd.f32 v10, v9;
	v10 =	vmul.f32 v11, v11;
	v3 =	vsub.f32 v3, v5  }
0x3c6: {  	v18 =	vld [tilespmem:s10+$0x14230]  }
0x3c7: {  	v5 =	vld [tilespmem:s10+$0x8230];
	v9 =	vadd.f32 v10, v9;
	v3 =	vmul.f32 v3, v3;
	v4 =	vsub.f32 v4, v6  }
0x3c8: {  	v11 =	vld [tilespmem:s10+$0x14240]  }
0x3c9: {  	v45 =	vld [tilespmem:s10+$0x14270];
	v3 =	vadd.f32 v3, v9;
	v4 =	vmul.f32 v4, v4;
	v7 =	vsub.f32 v7, v8  }
0x3ca: {  	v46 =	vld [tilespmem:s10+$0x14600]  }
0x3cb: {  	v49 =	vld [tilespmem:s10+$0x8600];
	v12 =	vsub.f32 v12, v13;
	v3 =	vadd.f32 v4, v3;
	v4 =	vmul.f32 v7, v7  }
0x3cc: {  	v50 =	vld [tilespmem:s10+$0x14610]  }
0x3cd: {  	v52 =	vld [tilespmem:s10+$0x8610];
	v14 =	vsub.f32 v14, v15;
	v12 =	vmul.f32 v12, v12;
	v3 =	vadd.f32 v4, v3  }
0x3ce: {  	v6 =	vld [tilespmem:s10+$0x8240]  }
0x3cf: {  	v10 =	vld [tilespmem:s10+$0x14250];
	v48 =	vsub.f32 v16, v17;
	v47 =	vmul.f32 v14, v14;
	v3 =	vadd.f32 v12, v3  }
0x3d0: {  	v8 =	vld [tilespmem:s10+$0x8250]  }
0x3d1: {  	v9 =	vld [tilespmem:s10+$0x14260];
	v5 =	vsub.f32 v18, v5;
	v51 =	vmul.f32 v48, v48;
	v3 =	vadd.f32 v47, v3  }
0x3d2: {  	v7 =	vld [tilespmem:s10+$0x8260]  }
0x3d3: {  	v53 =	vld [tilespmem:s10+$0x14620];
	v5 =	vmul.f32 v5, v5;
	v6 =	vsub.f32 v11, v6;
	v3 =	vadd.f32 v51, v3  }
0x3d4: {  	v4 =	vld [tilespmem:s10+$0x8270]  }
0x3d5: {  	v54 =	vld [tilespmem:s10+$0x14630];
	v3 =	vadd.f32 v5, v3;
	v5 =	vmul.f32 v6, v6;
	v6 =	vsub.f32 v10, v8  }
0x3d6: {  	v55 =	vld [tilespmem:s10+$0x14660]  }
0x3d7: {  	v56 =	vld [tilespmem:s10+$0x8660];
	v3 =	vadd.f32 v5, v3;
	v5 =	vmul.f32 v6, v6;
	v6 =	vsub.f32 v9, v7  }
0x3d8: {  	v57 =	vld [tilespmem:s10+$0x14670]  }
0x3d9: {  	v58 =	vld [tilespmem:s10+$0x8670];
	v4 =	vsub.f32 v45, v4;
	v3 =	vadd.f32 v5, v3;
	v5 =	vmul.f32 v6, v6  }
0x3da: {  	v11 =	vld [tilespmem:s10+$0x8620]  }
0x3db: {  	v4 =	vmul.f32 v4, v4;
	v8 =	vld [tilespmem:s10+$0x8630];
	v3 =	vadd.f32 v5, v3;
	v5 =	vsub.f32 v46, v49  }
0x3dc: {  	v10 =	vld [tilespmem:s10+$0x14640]  }
0x3dd: {  	v7 =	vld [tilespmem:s10+$0x8640];
	v3 =	vadd.f32 v4, v3;
	v4 =	vmul.f32 v5, v5;
	v5 =	vsub.f32 v50, v52  }
0x3de: {  	v9 =	vld [tilespmem:s10+$0x14650]  }
0x3df: {  	v6 =	vld [tilespmem:s10+$0x8650];
	_ =	swait.ge [sflag:s6], $0x4000;
	v3 =	vadd.f32 v4, v3;
	v4 =	vsub.f32 v53, v11;
	v5 =	vmul.f32 v5, v5  }
0x3e0: {  	[sflag:s6] =	ssyncset.done $0x0  }
0x3e1: {  	[sflag:s6] =	ssyncadd.s32 $0xFFFFC000;
	v3 =	vadd.f32 v5, v3;
	v5 =	vsub.f32 v54, v8;
	v4 =	vmul.f32 v4, v4  }
0x3e2: {  	s13 =	simm.s32 $0x0;
	_ =	swait.ge [sflag:s6], $0x4000  }
0x3e3: {  	s11 =	sand.u32 $0x3800, s13;
	s10 =	sand.u32 $0x380, s13;
	[sflag:s6] =	ssyncset.done $0x0;
	v3 =	vadd.f32 v4, v3;
	v4 =	vmul.f32 v5, v5;
	v5 =	vsub.f32 v10, v7  }
0x3e4: {  	s13 =	sor.u32 s10, s11;
	[sflag:s6] =	ssyncadd.s32 $0xFFFFC000  }
0x3e5: {  	v7 =	vld [tilespmem:s13+$0xC200];
	v3 =	vadd.f32 v4, v3;
	v4 =	vmul.f32 v5, v5;
	v5 =	vsub.f32 v9, v6  }
0x3e6: {  	v6 =	vld [tilespmem:s13+$0x200]  }
0x3e7: {  	v8 =	vld [tilespmem:s13+$0xC210];
	v3 =	vadd.f32 v4, v3;
	v4 =	vmul.f32 v5, v5;
	v5 =	vsub.f32 v55, v56  }
0x3e8: {  	v9 =	vld [tilespmem:s13+$0x210]  }
0x3e9: {  	v11 =	vld [tilespmem:s13+$0x220];
	v3 =	vadd.f32 v4, v3;
	v4 =	vmul.f32 v5, v5;
	v5 =	vsub.f32 v57, v58  }
0x3ea: {  	v10 =	vld [tilespmem:s13+$0xC220]  }
0x3eb: {  	v59 =	vld [tilespmem:s13+$0xC230];
	v3 =	vadd.f32 v4, v3;
	v4 =	vmul.f32 v5, v5;
	v5 =	vsub.f32 v7, v6  }
0x3ec: {  	v6 =	vld [tilespmem:s13+$0x230]  }
0x3ed: {  	v7 =	vld [tilespmem:s13+$0xC240];
	v3 =	vadd.f32 v4, v3;
	v4 =	vmul.f32 v5, v5;
	v5 =	vsub.f32 v8, v9  }
0x3ee: {  	v8 =	vld [tilespmem:s13+$0x240]  }
0x3ef: {  	v9 =	vld [tilespmem:s13+$0xC250];
	v3 =	vadd.f32 v4, v3;
	v4 =	vmul.f32 v5, v5;
	v5 =	vsub.f32 v10, v11  }
0x3f0: {  	v10 =	vld [tilespmem:s13+$0x250]  }
0x3f1: {  	v11 =	vld [tilespmem:s13+$0xC260];
	v3 =	vadd.f32 v4, v3;
	v4 =	vmul.f32 v5, v5;
	v5 =	vsub.f32 v59, v6  }
0x3f2: {  	v6 =	vld [tilespmem:s13+$0x260]  }
0x3f3: {  	v60 =	vld [tilespmem:s13+$0xC270];
	v3 =	vadd.f32 v4, v3;
	v4 =	vmul.f32 v5, v5;
	v5 =	vsub.f32 v7, v8  }
0x3f4: {  	v7 =	vld [tilespmem:s13+$0x270]  }
0x3f5: {  	v8 =	vld [tilespmem:s13+$0xC600];
	v3 =	vadd.f32 v4, v3;
	v4 =	vmul.f32 v5, v5;
	v5 =	vsub.f32 v9, v10  }
0x3f6: {  	v9 =	vld [tilespmem:s13+$0x600]  }
0x3f7: {  	v10 =	vld [tilespmem:s13+$0xC610];
	v3 =	vadd.f32 v4, v3;
	v4 =	vmul.f32 v5, v5;
	v5 =	vsub.f32 v11, v6  }
0x3f8: {  	v6 =	vld [tilespmem:s13+$0x610]  }
0x3f9: {  	v11 =	vld [tilespmem:s13+$0xC620];
	v3 =	vadd.f32 v4, v3;
	v4 =	vmul.f32 v5, v5;
	v5 =	vsub.f32 v60, v7  }
0x3fa: {  	v7 =	vld [tilespmem:s13+$0x620]  }
0x3fb: {  	v61 =	vld [tilespmem:s13+$0xC630];
	v3 =	vadd.f32 v4, v3;
	v4 =	vmul.f32 v5, v5;
	v5 =	vsub.f32 v8, v9  }
0x3fc: {  	v8 =	vld [tilespmem:s13+$0x630]  }
0x3fd: {  	v62 =	vld [tilespmem:s13+$0xC640];
	v6 =	vsub.f32 v10, v6;
	v4 =	vadd.f32 v4, v3;
	v5 =	vmul.f32 v5, v5  }
0x3fe: {  	v63 =	vld [tilespmem:s13+$0x640]  }
0x3ff: {  	v3 =	vld [tilespmem:s13+$0xC650];
	v6 =	vmul.f32 v6, v6;
	v7 =	vsub.f32 v11, v7;
	v9 =	vadd.f32 v5, v4  }
0x400: {  	v5 =	vld [tilespmem:s13+$0x650]  }
0x401: {  	v4 =	vld [tilespmem:s13+$0xC660];
	v10 =	vmul.f32 v7, v7;
	v8 =	vsub.f32 v61, v8;
	v9 =	vadd.f32 v6, v9  }
0x402: {  	s14 =	simm.s32 $0x100;
	s11 =	simm.s32 $0x80;
	v6 =	vld [tilespmem:s13+$0x660]  }
0x403: {  	s10 =	sand.u32 $0x3800, s14;
	s12 =	sand.u32 $0x380, s11;
	v11 =	vsub.f32 v62, v63;
	v7 =	vld [tilespmem:s13+$0xC670];
	v9 =	vadd.f32 v10, v9;
	v10 =	vmul.f32 v8, v8  }
0x404: {  	s10 =	sor.u32 s12, s10;
	s12 =	simm.s32 $0x200;
	v8 =	vld [tilespmem:s13+$0x670]  }
.LBB2_14:
0x405: {  	p0 =	sne.s32 s12, $0x3F00;
	v12 =	vld [tilespmem:s10+$0xC200];
	v9 =	vadd.f32 v10, v9;
	v10 =	vmul.f32 v11, v11;
	v3 =	vsub.f32 v3, v5  }
0x406: {  	v5 =	vld [tilespmem:s10+$0x200]  }
0x407: {  	v11 =	vld [tilespmem:s10+$0xC210];
	v9 =	vadd.f32 v10, v9;
	v3 =	vmul.f32 v3, v3;
	v4 =	vsub.f32 v4, v6  }
0x408: {  	v6 =	vld [tilespmem:s10+$0x210]  }
0x409: {  	v10 =	vld [tilespmem:s10+$0xC220];
	v3 =	vadd.f32 v3, v9;
	v4 =	vmul.f32 v4, v4;
	v7 =	vsub.f32 v7, v8  }
0x40a: {  	v8 =	vld [tilespmem:s10+$0x220]  }
0x40b: {  	v5 =	vsub.f32 v12, v5;
	v9 =	vld [tilespmem:s10+$0xC230];
	v3 =	vadd.f32 v4, v3;
	v4 =	vmul.f32 v7, v7  }
0x40c: {  	v7 =	vld [tilespmem:s10+$0x230]  }
0x40d: {  	v5 =	vmul.f32 v5, v5;
	v6 =	vsub.f32 v11, v6;
	v11 =	vld [tilespmem:s10+$0xC240];
	v3 =	vadd.f32 v4, v3  }
0x40e: {  	v4 =	vld [tilespmem:s10+$0x240]  }
0x40f: {  	v3 =	vadd.f32 v5, v3;
	v5 =	vmul.f32 v6, v6;
	v6 =	vsub.f32 v10, v8;
	v8 =	vld [tilespmem:s10+$0xC250]  }
0x410: {  	v10 =	vld [tilespmem:s10+$0x250]  }
0x411: {  	v3 =	vadd.f32 v5, v3;
	v5 =	vmul.f32 v6, v6;
	v6 =	vsub.f32 v9, v7;
	v7 =	vld [tilespmem:s10+$0xC260]  }
0x412: {  	v9 =	vld [tilespmem:s10+$0x260]  }
0x413: {  	v3 =	vadd.f32 v5, v3;
	v5 =	vmul.f32 v6, v6;
	v4 =	vsub.f32 v11, v4;
	v6 =	vld [tilespmem:s10+$0xC270]  }
0x414: {  	v11 =	vld [tilespmem:s10+$0x270]  }
0x415: {  	v3 =	vadd.f32 v5, v3;
	v4 =	vmul.f32 v4, v4;
	v5 =	vsub.f32 v8, v10;
	v8 =	vld [tilespmem:s10+$0xC600]  }
0x416: {  	v10 =	vld [tilespmem:s10+$0x600]  }
0x417: {  	v3 =	vadd.f32 v4, v3;
	v4 =	vmul.f32 v5, v5;
	v5 =	vsub.f32 v7, v9;
	v7 =	vld [tilespmem:s10+$0xC610]  }
0x418: {  	v9 =	vld [tilespmem:s10+$0x610]  }
0x419: {  	v3 =	vadd.f32 v4, v3;
	v4 =	vmul.f32 v5, v5;
	v5 =	vsub.f32 v6, v11;
	v6 =	vld [tilespmem:s10+$0xC620]  }
0x41a: {  	v11 =	vld [tilespmem:s10+$0x620]  }
0x41b: {  	v3 =	vadd.f32 v4, v3;
	v4 =	vmul.f32 v5, v5;
	v5 =	vsub.f32 v8, v10;
	v8 =	vld [tilespmem:s10+$0xC630]  }
0x41c: {  	v10 =	vld [tilespmem:s10+$0x630]  }
0x41d: {  	v3 =	vadd.f32 v4, v3;
	v4 =	vmul.f32 v5, v5;
	v5 =	vsub.f32 v7, v9;
	v7 =	vld [tilespmem:s10+$0xC640]  }
0x41e: {  	v12 =	vld [tilespmem:s10+$0x640]  }
0x41f: {  	v4 =	vadd.f32 v4, v3;
	v9 =	vmul.f32 v5, v5;
	v6 =	vsub.f32 v6, v11;
	v3 =	vld [tilespmem:s10+$0xC650]  }
.Ltmp6:
0x420: {  	v5 =	vld [tilespmem:s10+$0x650];
	(pc) =	sbr.rel @p0 .LBB2_14-.Ltmp6, $4  }
0x421: {  	v9 =	vadd.f32 v9, v4;
	v11 =	vmul.f32 v6, v6;
	v8 =	vsub.f32 v8, v10;
	v4 =	vld [tilespmem:s10+$0xC660]  }
0x422: {  	s11 =	sadd.s32 $0x80, s11;
	v6 =	vld [tilespmem:s10+$0x660]  }
0x423: {  	s13 =	sand.u32 $0x3800, s12;
	s14 =	sand.u32 $0x380, s11;
	v9 =	vadd.f32 v11, v9;
	v10 =	vmul.f32 v8, v8;
	v11 =	vsub.f32 v7, v12;
	v7 =	vld [tilespmem:s10+$0xC670]  }
0x424: {  	s12 =	sadd.s32 $0x100, s12;
	v8 =	vld [tilespmem:s10+$0x670];
	s10 =	sor.u32 s14, s13  }
0x425: {  	v12 =	vld [tilespmem:s10+$0xC200]  }
0x426: {  	v13 =	vld [tilespmem:s10+$0x200]  }
0x427: {  	v14 =	vld [tilespmem:s10+$0xC210]  }
0x428: {  	v15 =	vld [tilespmem:s10+$0x210]  }
0x429: {  	v16 =	vld [tilespmem:s10+$0xC220]  }
0x42a: {  	v17 =	vld [tilespmem:s10+$0x220];
	v9 =	vadd.f32 v10, v9;
	v10 =	vmul.f32 v11, v11;
	v3 =	vsub.f32 v3, v5  }
0x42b: {  	v18 =	vld [tilespmem:s10+$0xC230]  }
0x42c: {  	v5 =	vld [tilespmem:s10+$0x230];
	v9 =	vadd.f32 v10, v9;
	v3 =	vmul.f32 v3, v3;
	v4 =	vsub.f32 v4, v6  }
0x42d: {  	v11 =	vld [tilespmem:s10+$0xC240]  }
0x42e: {  	v45 =	vld [tilespmem:s10+$0xC270];
	v3 =	vadd.f32 v3, v9;
	v4 =	vmul.f32 v4, v4;
	v7 =	vsub.f32 v7, v8  }
0x42f: {  	v46 =	vld [tilespmem:s10+$0xC600]  }
0x430: {  	v49 =	vld [tilespmem:s10+$0x600];
	v12 =	vsub.f32 v12, v13;
	v3 =	vadd.f32 v4, v3;
	v4 =	vmul.f32 v7, v7  }
0x431: {  	v50 =	vld [tilespmem:s10+$0xC610]  }
0x432: {  	v52 =	vld [tilespmem:s10+$0x610];
	v14 =	vsub.f32 v14, v15;
	v12 =	vmul.f32 v12, v12;
	v3 =	vadd.f32 v4, v3  }
0x433: {  	v6 =	vld [tilespmem:s10+$0x240]  }
0x434: {  	v10 =	vld [tilespmem:s10+$0xC250];
	v48 =	vsub.f32 v16, v17;
	v47 =	vmul.f32 v14, v14;
	v3 =	vadd.f32 v12, v3  }
0x435: {  	v8 =	vld [tilespmem:s10+$0x250]  }
0x436: {  	v9 =	vld [tilespmem:s10+$0xC260];
	v5 =	vsub.f32 v18, v5;
	v51 =	vmul.f32 v48, v48;
	v3 =	vadd.f32 v47, v3  }
0x437: {  	v7 =	vld [tilespmem:s10+$0x260]  }
0x438: {  	v53 =	vld [tilespmem:s10+$0xC620];
	v5 =	vmul.f32 v5, v5;
	v6 =	vsub.f32 v11, v6;
	v3 =	vadd.f32 v51, v3  }
0x439: {  	v4 =	vld [tilespmem:s10+$0x270]  }
0x43a: {  	v54 =	vld [tilespmem:s10+$0xC630];
	v3 =	vadd.f32 v5, v3;
	v5 =	vmul.f32 v6, v6;
	v6 =	vsub.f32 v10, v8  }
0x43b: {  	v55 =	vld [tilespmem:s10+$0xC660]  }
0x43c: {  	v56 =	vld [tilespmem:s10+$0x660];
	v3 =	vadd.f32 v5, v3;
	v5 =	vmul.f32 v6, v6;
	v6 =	vsub.f32 v9, v7  }
0x43d: {  	v57 =	vld [tilespmem:s10+$0xC670]  }
0x43e: {  	v58 =	vld [tilespmem:s10+$0x670];
	v4 =	vsub.f32 v45, v4;
	v3 =	vadd.f32 v5, v3;
	v5 =	vmul.f32 v6, v6  }
0x43f: {  	v11 =	vld [tilespmem:s10+$0x620]  }
0x440: {  	v4 =	vmul.f32 v4, v4;
	v8 =	vld [tilespmem:s10+$0x630];
	v3 =	vadd.f32 v5, v3;
	v5 =	vsub.f32 v46, v49  }
0x441: {  	v10 =	vld [tilespmem:s10+$0xC640]  }
0x442: {  	v7 =	vld [tilespmem:s10+$0x640];
	v3 =	vadd.f32 v4, v3;
	v4 =	vmul.f32 v5, v5;
	v5 =	vsub.f32 v50, v52  }
0x443: {  	v9 =	vld [tilespmem:s10+$0xC650]  }
0x444: {  	v6 =	vld [tilespmem:s10+$0x650];
	_ =	swait.ge [sflag:s7], $0x4000;
	v3 =	vadd.f32 v4, v3;
	v4 =	vsub.f32 v53, v11;
	v5 =	vmul.f32 v5, v5  }
0x445: {  	[sflag:s7] =	ssyncset.done $0x0  }
0x446: {  	[sflag:s7] =	ssyncadd.s32 $0xFFFFC000;
	v3 =	vadd.f32 v5, v3;
	v5 =	vsub.f32 v54, v8;
	v4 =	vmul.f32 v4, v4  }
0x447: {  	s13 =	simm.s32 $0x0;
	_ =	swait.ge [sflag:s7], $0x4000  }
0x448: {  	s11 =	sand.u32 $0x3800, s13;
	s10 =	sand.u32 $0x380, s13;
	[sflag:s7] =	ssyncset.done $0x0;
	v3 =	vadd.f32 v4, v3;
	v4 =	vmul.f32 v5, v5;
	v5 =	vsub.f32 v10, v7  }
0x449: {  	s13 =	sor.u32 s10, s11;
	[sflag:s7] =	ssyncadd.s32 $0xFFFFC000  }
0x44a: {  	v7 =	vld [tilespmem:s13+$0x10200];
	v3 =	vadd.f32 v4, v3;
	v4 =	vmul.f32 v5, v5;
	v5 =	vsub.f32 v9, v6  }
0x44b: {  	v6 =	vld [tilespmem:s13+$0x4200]  }
0x44c: {  	v8 =	vld [tilespmem:s13+$0x10210];
	v3 =	vadd.f32 v4, v3;
	v4 =	vmul.f32 v5, v5;
	v5 =	vsub.f32 v55, v56  }
0x44d: {  	v9 =	vld [tilespmem:s13+$0x4210]  }
0x44e: {  	v11 =	vld [tilespmem:s13+$0x4220];
	v3 =	vadd.f32 v4, v3;
	v4 =	vmul.f32 v5, v5;
	v5 =	vsub.f32 v57, v58  }
0x44f: {  	v10 =	vld [tilespmem:s13+$0x10220]  }
0x450: {  	v59 =	vld [tilespmem:s13+$0x10230];
	v3 =	vadd.f32 v4, v3;
	v4 =	vmul.f32 v5, v5;
	v5 =	vsub.f32 v7, v6  }
0x451: {  	v6 =	vld [tilespmem:s13+$0x4230]  }
0x452: {  	v7 =	vld [tilespmem:s13+$0x10240];
	v3 =	vadd.f32 v4, v3;
	v4 =	vmul.f32 v5, v5;
	v5 =	vsub.f32 v8, v9  }
0x453: {  	v8 =	vld [tilespmem:s13+$0x4240]  }
0x454: {  	v9 =	vld [tilespmem:s13+$0x10250];
	v3 =	vadd.f32 v4, v3;
	v4 =	vmul.f32 v5, v5;
	v5 =	vsub.f32 v10, v11  }
0x455: {  	v10 =	vld [tilespmem:s13+$0x4250]  }
0x456: {  	v11 =	vld [tilespmem:s13+$0x10260];
	v3 =	vadd.f32 v4, v3;
	v4 =	vmul.f32 v5, v5;
	v5 =	vsub.f32 v59, v6  }
0x457: {  	v6 =	vld [tilespmem:s13+$0x4260]  }
0x458: {  	v60 =	vld [tilespmem:s13+$0x10270];
	v3 =	vadd.f32 v4, v3;
	v4 =	vmul.f32 v5, v5;
	v5 =	vsub.f32 v7, v8  }
0x459: {  	v7 =	vld [tilespmem:s13+$0x4270]  }
0x45a: {  	v8 =	vld [tilespmem:s13+$0x10600];
	v3 =	vadd.f32 v4, v3;
	v4 =	vmul.f32 v5, v5;
	v5 =	vsub.f32 v9, v10  }
0x45b: {  	v9 =	vld [tilespmem:s13+$0x4600]  }
0x45c: {  	v10 =	vld [tilespmem:s13+$0x10610];
	v3 =	vadd.f32 v4, v3;
	v4 =	vmul.f32 v5, v5;
	v5 =	vsub.f32 v11, v6  }
0x45d: {  	v6 =	vld [tilespmem:s13+$0x4610]  }
0x45e: {  	v11 =	vld [tilespmem:s13+$0x10620];
	v3 =	vadd.f32 v4, v3;
	v4 =	vmul.f32 v5, v5;
	v5 =	vsub.f32 v60, v7  }
0x45f: {  	v7 =	vld [tilespmem:s13+$0x4620]  }
0x460: {  	v61 =	vld [tilespmem:s13+$0x10630];
	v3 =	vadd.f32 v4, v3;
	v4 =	vmul.f32 v5, v5;
	v5 =	vsub.f32 v8, v9  }
0x461: {  	v8 =	vld [tilespmem:s13+$0x4630]  }
0x462: {  	v62 =	vld [tilespmem:s13+$0x10640];
	v6 =	vsub.f32 v10, v6;
	v4 =	vadd.f32 v4, v3;
	v5 =	vmul.f32 v5, v5  }
0x463: {  	v63 =	vld [tilespmem:s13+$0x4640]  }
0x464: {  	v3 =	vld [tilespmem:s13+$0x10650];
	v6 =	vmul.f32 v6, v6;
	v7 =	vsub.f32 v11, v7;
	v9 =	vadd.f32 v5, v4  }
0x465: {  	v5 =	vld [tilespmem:s13+$0x4650]  }
0x466: {  	v4 =	vld [tilespmem:s13+$0x10660];
	v10 =	vmul.f32 v7, v7;
	v8 =	vsub.f32 v61, v8;
	v9 =	vadd.f32 v6, v9  }
0x467: {  	s14 =	simm.s32 $0x100;
	s11 =	simm.s32 $0x80;
	v6 =	vld [tilespmem:s13+$0x4660]  }
0x468: {  	s10 =	sand.u32 $0x3800, s14;
	s12 =	sand.u32 $0x380, s11;
	v11 =	vsub.f32 v62, v63;
	v7 =	vld [tilespmem:s13+$0x10670];
	v9 =	vadd.f32 v10, v9;
	v10 =	vmul.f32 v8, v8  }
0x469: {  	s10 =	sor.u32 s12, s10;
	s12 =	simm.s32 $0x200;
	v8 =	vld [tilespmem:s13+$0x4670]  }
.LBB2_16:
0x46a: {  	p0 =	sne.s32 s12, $0x3F00;
	v12 =	vld [tilespmem:s10+$0x10200];
	v9 =	vadd.f32 v10, v9;
	v10 =	vmul.f32 v11, v11;
	v3 =	vsub.f32 v3, v5  }
0x46b: {  	v5 =	vld [tilespmem:s10+$0x4200]  }
0x46c: {  	v11 =	vld [tilespmem:s10+$0x10210];
	v9 =	vadd.f32 v10, v9;
	v3 =	vmul.f32 v3, v3;
	v4 =	vsub.f32 v4, v6  }
0x46d: {  	v6 =	vld [tilespmem:s10+$0x4210]  }
0x46e: {  	v10 =	vld [tilespmem:s10+$0x10220];
	v3 =	vadd.f32 v3, v9;
	v4 =	vmul.f32 v4, v4;
	v7 =	vsub.f32 v7, v8  }
0x46f: {  	v8 =	vld [tilespmem:s10+$0x4220]  }
0x470: {  	v5 =	vsub.f32 v12, v5;
	v9 =	vld [tilespmem:s10+$0x10230];
	v3 =	vadd.f32 v4, v3;
	v4 =	vmul.f32 v7, v7  }
0x471: {  	v7 =	vld [tilespmem:s10+$0x4230]  }
0x472: {  	v5 =	vmul.f32 v5, v5;
	v6 =	vsub.f32 v11, v6;
	v11 =	vld [tilespmem:s10+$0x10240];
	v3 =	vadd.f32 v4, v3  }
0x473: {  	v4 =	vld [tilespmem:s10+$0x4240]  }
0x474: {  	v3 =	vadd.f32 v5, v3;
	v5 =	vmul.f32 v6, v6;
	v6 =	vsub.f32 v10, v8;
	v8 =	vld [tilespmem:s10+$0x10250]  }
0x475: {  	v10 =	vld [tilespmem:s10+$0x4250]  }
0x476: {  	v3 =	vadd.f32 v5, v3;
	v5 =	vmul.f32 v6, v6;
	v6 =	vsub.f32 v9, v7;
	v7 =	vld [tilespmem:s10+$0x10260]  }
0x477: {  	v9 =	vld [tilespmem:s10+$0x4260]  }
0x478: {  	v3 =	vadd.f32 v5, v3;
	v5 =	vmul.f32 v6, v6;
	v4 =	vsub.f32 v11, v4;
	v6 =	vld [tilespmem:s10+$0x10270]  }
0x479: {  	v11 =	vld [tilespmem:s10+$0x4270]  }
0x47a: {  	v3 =	vadd.f32 v5, v3;
	v4 =	vmul.f32 v4, v4;
	v5 =	vsub.f32 v8, v10;
	v8 =	vld [tilespmem:s10+$0x10600]  }
0x47b: {  	v10 =	vld [tilespmem:s10+$0x4600]  }
0x47c: {  	v3 =	vadd.f32 v4, v3;
	v4 =	vmul.f32 v5, v5;
	v5 =	vsub.f32 v7, v9;
	v7 =	vld [tilespmem:s10+$0x10610]  }
0x47d: {  	v9 =	vld [tilespmem:s10+$0x4610]  }
0x47e: {  	v3 =	vadd.f32 v4, v3;
	v4 =	vmul.f32 v5, v5;
	v5 =	vsub.f32 v6, v11;
	v6 =	vld [tilespmem:s10+$0x10620]  }
0x47f: {  	v11 =	vld [tilespmem:s10+$0x4620]  }
0x480: {  	v3 =	vadd.f32 v4, v3;
	v4 =	vmul.f32 v5, v5;
	v5 =	vsub.f32 v8, v10;
	v8 =	vld [tilespmem:s10+$0x10630]  }
0x481: {  	v10 =	vld [tilespmem:s10+$0x4630]  }
0x482: {  	v3 =	vadd.f32 v4, v3;
	v4 =	vmul.f32 v5, v5;
	v5 =	vsub.f32 v7, v9;
	v7 =	vld [tilespmem:s10+$0x10640]  }
0x483: {  	v12 =	vld [tilespmem:s10+$0x4640]  }
0x484: {  	v4 =	vadd.f32 v4, v3;
	v9 =	vmul.f32 v5, v5;
	v6 =	vsub.f32 v6, v11;
	v3 =	vld [tilespmem:s10+$0x10650]  }
.Ltmp7:
0x485: {  	v5 =	vld [tilespmem:s10+$0x4650];
	(pc) =	sbr.rel @p0 .LBB2_16-.Ltmp7, $4  }
0x486: {  	v9 =	vadd.f32 v9, v4;
	v11 =	vmul.f32 v6, v6;
	v8 =	vsub.f32 v8, v10;
	v4 =	vld [tilespmem:s10+$0x10660]  }
0x487: {  	s11 =	sadd.s32 $0x80, s11;
	v6 =	vld [tilespmem:s10+$0x4660]  }
0x488: {  	s13 =	sand.u32 $0x3800, s12;
	s14 =	sand.u32 $0x380, s11;
	v9 =	vadd.f32 v11, v9;
	v10 =	vmul.f32 v8, v8;
	v11 =	vsub.f32 v7, v12;
	v7 =	vld [tilespmem:s10+$0x10670]  }
0x489: {  	s12 =	sadd.s32 $0x100, s12;
	v8 =	vld [tilespmem:s10+$0x4670];
	s10 =	sor.u32 s14, s13  }
0x48a: {  	v12 =	vld [tilespmem:s10+$0x10200];
	v9 =	vadd.f32 v10, v9;
	v56 =	vmul.f32 v11, v11;
	v3 =	vsub.f32 v3, v5  }
0x48b: {  	v57 =	vld [tilespmem:s10+$0x4200]  }
0x48c: {  	v58 =	vld [tilespmem:s10+$0x10210];
	v9 =	vadd.f32 v56, v9;
	v3 =	vmul.f32 v3, v3;
	v4 =	vsub.f32 v4, v6  }
0x48d: {  	v59 =	vld [tilespmem:s10+$0x4210]  }
0x48e: {  	v60 =	vld [tilespmem:s10+$0x10220];
	v3 =	vadd.f32 v3, v9;
	v4 =	vmul.f32 v4, v4;
	v7 =	vsub.f32 v7, v8  }
0x48f: {  	v61 =	vld [tilespmem:s10+$0x4220]  }
0x490: {  	v62 =	vld [tilespmem:s10+$0x10230];
	v5 =	vsub.f32 v12, v57;
	v3 =	vadd.f32 v4, v3;
	v63 =	vmul.f32 v7, v7  }
0x491: {  	v12 =	vld [tilespmem:s10+$0x4230]  }
0x492: {  	v13 =	vld [tilespmem:s10+$0x10240];
	v6 =	vsub.f32 v58, v59;
	v5 =	vmul.f32 v5, v5;
	v3 =	vadd.f32 v63, v3  }
0x493: {  	v14 =	vld [tilespmem:s10+$0x4240]  }
0x494: {  	v17 =	vld [tilespmem:s10+$0x10250];
	v16 =	vsub.f32 v60, v61;
	v15 =	vmul.f32 v6, v6;
	v3 =	vadd.f32 v5, v3  }
0x495: {  	v18 =	vld [tilespmem:s10+$0x4250]  }
0x496: {  	v21 =	vld [tilespmem:s10+$0x10260];
	v19 =	vmul.f32 v16, v16;
	v20 =	vsub.f32 v62, v12;
	v3 =	vadd.f32 v15, v3  }
0x497: {  	v22 =	vld [tilespmem:s10+$0x4260]  }
0x498: {  	v24 =	vld [tilespmem:s10+$0x10270];
	v4 =	vsub.f32 v13, v14;
	v23 =	vmul.f32 v20, v20;
	v3 =	vadd.f32 v19, v3  }
0x499: {  	v25 =	vld [tilespmem:s10+$0x4270]  }
0x49a: {  	v27 =	vld [tilespmem:s10+$0x10600];
	v26 =	vsub.f32 v17, v18;
	v4 =	vmul.f32 v4, v4;
	v3 =	vadd.f32 v23, v3  }
0x49b: {  	v28 =	vld [tilespmem:s10+$0x4600]  }
0x49c: {  	v31 =	vld [tilespmem:s10+$0x10610];
	v30 =	vsub.f32 v21, v22;
	v29 =	vmul.f32 v26, v26;
	v3 =	vadd.f32 v4, v3  }
0x49d: {  	v32 =	vld [tilespmem:s10+$0x4610]  }
0x49e: {  	v35 =	vld [tilespmem:s10+$0x10620];
	v34 =	vsub.f32 v24, v25;
	v33 =	vmul.f32 v30, v30;
	v3 =	vadd.f32 v29, v3  }
0x49f: {  	v36 =	vld [tilespmem:s10+$0x4620]  }
0x4a0: {  	v39 =	vld [tilespmem:s10+$0x10630];
	v38 =	vsub.f32 v27, v28;
	v37 =	vmul.f32 v34, v34;
	v3 =	vadd.f32 v33, v3  }
0x4a1: {  	v40 =	vld [tilespmem:s10+$0x4630]  }
0x4a2: {  	v43 =	vld [tilespmem:s10+$0x10640];
	v42 =	vsub.f32 v31, v32;
	v41 =	vmul.f32 v38, v38;
	v3 =	vadd.f32 v37, v3  }
0x4a3: {  	v44 =	vld [tilespmem:s10+$0x4640]  }
0x4a4: {  	v47 =	vld [tilespmem:s10+$0x10650];
	v46 =	vsub.f32 v35, v36;
	v45 =	vmul.f32 v42, v42;
	v3 =	vadd.f32 v41, v3  }
0x4a5: {  	v48 =	vld [tilespmem:s10+$0x4650]  }
0x4a6: {  	v51 =	vld [tilespmem:s10+$0x10660];
	v50 =	vsub.f32 v39, v40;
	v49 =	vmul.f32 v46, v46;
	v3 =	vadd.f32 v45, v3  }
0x4a7: {  	v52 =	vld [tilespmem:s10+$0x4660]  }
0x4a8: {  	v55 =	vld [tilespmem:s10+$0x10670];
	v54 =	vsub.f32 v43, v44;
	v53 =	vmul.f32 v50, v50;
	v3 =	vadd.f32 v49, v3  }
0x4a9: {  	v56 =	vld [tilespmem:s10+$0x4670]  }
0x4aa: {  	v58 =	vsub.f32 v47, v48;
	v57 =	vmul.f32 v54, v54;
	v3 =	vadd.f32 v53, v3;
	_ =	sdelay $0x1  }
0x4ab: {  	v60 =	vsub.f32 v51, v52;
	v59 =	vmul.f32 v58, v58;
	v3 =	vadd.f32 v57, v3;
	_ =	sdelay $0x1  }
0x4ac: {  	v61 =	vmul.f32 v60, v60;
	v62 =	vsub.f32 v55, v56;
	v3 =	vadd.f32 v59, v3;
	_ =	sdelay $0x1  }
0x4ad: {  	v63 =	vmul.f32 v62, v62;
	v3 =	vadd.f32 v61, v3;
	_ =	sdelay $0x1  }
0x4ae: {  	v3 =	vadd.f32 v63, v3;
	_ =	sdelay $0x1  }
0x4af: {  	s13 =	rddreg [dreg:$0xd];
	s11 =	simm.s32 $0x18200;
	[tilespmem:$0x18200] =	vst v3  }
0x4b0: {  	[hbm4b:s13+s3] =	stream.linear.scatter [tilespmem:s11], [sflag:$0x4], $0x80, $0x38;
	[tilespmem:$0x18280] =	vst v63  }
0x4b1: {  	_ =	swait.ge [sflag:s17], $0x80  }
0x4b2: {  	s9 =	sadd.s32 $0x1, s9;
	s14 =	rddreg [dreg:$0xe]  }
0x4b3: {  	p0 =	sne.s32 s9, s14  }
.Ltmp8:
0x4b4: {  	_ = 	snop;
	(pc) =	sbr.rel @p0 .LBB2_1-.Ltmp8, $3  }
0x4b5: {  	_ =	sdelay $0x1  }
0x4b6: {  	[sflag:s17] =	ssyncset.done $0x0  }
0x4b7: {  	[sflag:s17] =	ssyncadd.s32 $0xFFFFFF80  }
0x4b8: {  	_ =	sfence.sel $0x180000  }
0x4b9: {  	[bflag:$0x0] =	sbarrier.arrive $0xFFFF  }
0x4ba: {  	_ =	strace $0x90000047  }
0x4bb: {  	s0 =	stileid.u32;
	[bflag:$0x2] =	sbarrier.arrive $0xFFFF  }
0x4bc: {  	p0 =	sne.s32 s0, $0x0;
	s0 =	rddreg [dreg:$0x4]  }
0x4bd: {  	s0 =	sadd.s32 @!p0 $0x100000, s0  }
0x4be: {  	[sflag:s0] =	ssyncadd.tile.s32 @!p0 $0x1;
	_ =	shalt  }
.Lfunc_end2:
_tile_overlayer_lowered:
.L_overlay_start_2:
0x4bf: {  	(tag) =	ssettag $0x2  }
0x4c0: {  	s0 =	rddreg [dreg:$0x0];
	s2 =	stileid.u32  }
0x4c1: {  	s1 =	rddreg [dreg:$0x1];
	p0 =	sne.s32 s2, $0x0  }
0x4c2: {  	s3 =	rddreg [dreg:$0x2];
	[bflag:$0x3] =	sbarrier.arrive $0xFFFF;
	s2 =	simm.s32 @!p0 $0x1C04  }
0x4c3: {  	[timem:s3], [sflag:s2] =	dma.local @!p0 [hbm:s0], s1  }
0x4c4: {  	s0 =	simm.s32 @!p0 $0x4  }
0x4c5: {  	_ =	swait.ge @!p0 [sflag:s0], s1  }
0x4c6: {  	s1 =	ssub.s32 @!p0 $0x0, s1;
	[sflag:s0] =	ssyncset.done @!p0 $0x0  }
0x4c7: {  	[sflag:s0] =	ssyncadd.s32 @!p0 s1  }
0x4c8: {  	[bflag:$0x3] =	sbarrier.arrive $0xFFFF  }
0x4c9: {  	_ =	shalt  }

</sc_bundles>
